<compile_context>
chip_gen: v7x
topology: tpu7x:2x2x1
jax: 0.10.2.dev20260603
libtpu: 0.0.44.dev20260713+nightly
codegen_flags: <defaults>
</compile_context>

<pallas_src>
import jax
import jax.numpy as jnp
from jax.experimental import pallas as pl
from jax.experimental.pallas import tpu as pltpu
from jax.experimental.pallas import tpu_sc as plsc

_NC = 2
_NS = 16
_K = 256
_DEGW = 16
_RB = 1000
_TR = 8


def _sc_mesh():
    return plsc.VectorSubcoreMesh(core_axis_name="c", subcore_axis_name="s")


def _make_deg_kernel(n, epw):
    nch = epw // _K
    n4 = nch - (nch % 4)
    nrw = n // _RB

    @pl.kernel(
        out_type=jax.ShapeDtypeStruct((_NC, n, _DEGW), jnp.float32),
        mesh=_sc_mesh(),
        scratch_types=[
            pltpu.VMEM_SHARED((n + _TR, _DEGW), jnp.float32),
            pltpu.VMEM((_K, _DEGW), jnp.float32),
        ] + [pltpu.VMEM((_K,), jnp.int32) for _ in range(4)]
          + [pltpu.SemaphoreType.DMA for _ in range(5)],
    )
    def deg_kernel(dst_hbm, zeros_hbm, ones_hbm, out_hbm, acc, ones_v,
                   d0, d1, d2, d3, sd0, sd1, sd2, sd3, ss):
        c = jax.lax.axis_index("c")
        s = jax.lax.axis_index("s")
        base = (c * _NS + s) * epw
        dbufs = ((d0, sd0), (d1, sd1), (d2, sd2), (d3, sd3))

        @pl.when(s < nrw)
        def _():
            pltpu.sync_copy(zeros_hbm.at[pl.ds(s * _RB, _RB)],
                            acc.at[pl.ds(s * _RB, _RB)])

        pltpu.sync_copy(ones_hbm, ones_v)
        for t in range(4):
            if t < nch:
                pltpu.async_copy(dst_hbm.at[pl.ds(base + t * _K, _K)],
                                 dbufs[t][0], dbufs[t][1])
        plsc.subcore_barrier()

        @pl.loop(0, n4, step=4)
        def _(g):
            for b in range(4):
                dbuf, sd = dbufs[b]
                pltpu.make_async_copy(dst_hbm.at[pl.ds(base, _K)], dbuf,
                                      sd).wait()
                pltpu.sync_copy(ones_v, acc.at[dbuf], add=True)

                @pl.when(g + 4 + b < nch)
                def _():
                    pltpu.async_copy(
                        dst_hbm.at[pl.ds(base + (g + 4 + b) * _K, _K)],
                        dbuf, sd)

        for r in range(nch % 4):
            dbuf, sd = dbufs[r]
            pltpu.make_async_copy(dst_hbm.at[pl.ds(base, _K)], dbuf,
                                  sd).wait()
            pltpu.sync_copy(ones_v, acc.at[dbuf], add=True)

        plsc.subcore_barrier()

        @pl.when(s < nrw)
        def _():
            pltpu.sync_copy(acc.at[pl.ds(s * _RB, _RB)],
                            out_hbm.at[c].at[pl.ds(s * _RB, _RB)])

    return deg_kernel


def _make_agg_kernel(n, epw, h):
    nch = epw // _K
    n4 = nch - (nch % 4)
    nrw = n // _RB

    @pl.kernel(
        out_type=jax.ShapeDtypeStruct((_NC, n, h), jnp.float32),
        mesh=_sc_mesh(),
        scratch_types=[
            pltpu.VMEM_SHARED((n + _TR, h), jnp.float32),
            pltpu.VMEM((_K, h), jnp.float32),
        ] + [pltpu.VMEM((_K,), jnp.int32) for _ in range(8)]
          + [pltpu.SemaphoreType.DMA for _ in range(8)],
    )
    def agg_kernel(y_hbm, src_hbm, dst_hbm, zeros_hbm, out_hbm, acc,
                   r0, i0, i1, i2, i3, d0, d1, d2, d3,
                   si0, si1, si2, si3, sdm0, sdm1, sdm2, sdm3):
        c = jax.lax.axis_index("c")
        s = jax.lax.axis_index("s")
        base = (c * _NS + s) * epw
        ibufs = ((i0, si0), (i1, si1), (i2, si2), (i3, si3))
        dbufs = ((d0, sdm0), (d1, sdm1), (d2, sdm2), (d3, sdm3))

        @pl.when(s < nrw)
        def _():
            pltpu.sync_copy(zeros_hbm.at[pl.ds(s * _RB, _RB)],
                            acc.at[pl.ds(s * _RB, _RB)])

        for t in range(4):
            pltpu.async_copy(src_hbm.at[pl.ds(base + t * _K, _K)],
                             ibufs[t][0], ibufs[t][1])
            pltpu.async_copy(dst_hbm.at[pl.ds(base + t * _K, _K)],
                             dbufs[t][0], dbufs[t][1])
        plsc.subcore_barrier()

        def step(j, q, b):
            rbuf = r0
            ibuf, si = ibufs[q]
            dbuf, sd = dbufs[q]
            pltpu.make_async_copy(src_hbm.at[pl.ds(base, _K)], ibuf,
                                  si).wait()
            pltpu.make_async_copy(dst_hbm.at[pl.ds(base, _K)], dbuf,
                                  sd).wait()
            pltpu.sync_copy(y_hbm.at[ibuf], rbuf)
            pltpu.sync_copy(rbuf, acc.at[dbuf], add=True)

            @pl.when(j + 4 < nch)
            def _():
                pltpu.async_copy(src_hbm.at[pl.ds(base + (j + 4) * _K, _K)],
                                 ibuf, si)
                pltpu.async_copy(dst_hbm.at[pl.ds(base + (j + 4) * _K, _K)],
                                 dbuf, sd)

        @pl.loop(0, n4, step=4)
        def _(i):
            for b in range(4):
                step(i + b, b, b % 2)

        for r in range(nch % 4):
            step(n4 + r, r, r % 2)

        plsc.subcore_barrier()

        @pl.when(s < nrw)
        def _():
            pltpu.sync_copy(acc.at[pl.ds(s * _RB, _RB)],
                            out_hbm.at[c].at[pl.ds(s * _RB, _RB)])

    return agg_kernel



_B = 1000


def _stage0_body(d_ref, x_ref, w_ref, y_ref, dinv_ref):
    deg = d_ref[0, :, 0:1] + d_ref[1, :, 0:1] + 1.0
    dinv = jax.lax.rsqrt(deg)
    xw = jnp.dot(x_ref[...], w_ref[...], preferred_element_type=jnp.float32)
    y_ref[...] = xw * dinv
    dinv_ref[...] = jnp.broadcast_to(dinv, y_ref.shape)


def _mid_body(p_ref, y_ref, dinv_ref, b_ref, g_ref, be_ref, w_ref, yout_ref):
    agg = p_ref[0] + p_ref[1] + y_ref[...]
    t = agg * dinv_ref[...] + b_ref[...]
    t = jnp.maximum(t, 0.0)
    mu = jnp.mean(t, axis=1, keepdims=True)
    var = jnp.mean((t - mu) ** 2, axis=1, keepdims=True)
    t = (t - mu) * jax.lax.rsqrt(var + 1e-5) * g_ref[...] + be_ref[...]
    yout_ref[...] = jnp.dot(t, w_ref[...],
                            preferred_element_type=jnp.float32) * dinv_ref[...]


def _head_body(p_ref, y_ref, dinv_ref, b_ref, wp0_ref, bp0_ref, wp1_ref,
               bp1_ref, out_ref):
    hcur = p_ref[0] + p_ref[1] + y_ref[...]
    hcur = jnp.maximum(hcur * dinv_ref[...] + b_ref[...], 0.0)
    t = jnp.dot(hcur, wp0_ref[...],
                preferred_element_type=jnp.float32) + bp0_ref[...]
    out_ref[...] = jnp.dot(t, wp1_ref[...],
                           preferred_element_type=jnp.float32) + bp1_ref[...]


def _row_spec(b, cols):
    return pl.BlockSpec((b, cols), lambda i: (i, 0))


def _full_spec(shape):
    return pl.BlockSpec(shape, lambda i: tuple(0 for _ in shape))


def kernel(x, edge_index, W0, b0, W1, b1, W2, b2, g0, be0, g1, be1,
           Wp0, bp0, Wp1, bp1):
    n, d = x.shape
    e = edge_index.shape[1]
    h = W0.shape[1]
    o = Wp1.shape[1]
    grid = (n // _B,)
    nw = _NC * _NS

    epw = -(-e // (nw * _K)) * _K
    pad = nw * epw - e
    pad_ar = jnp.arange(pad, dtype=jnp.int32)
    src_p = jnp.concatenate([edge_index[0], pad_ar % n])
    dst_p = jnp.concatenate([edge_index[1], n + (pad_ar % _TR)])

    zeros_nh = jnp.zeros((n, h), jnp.float32)
    zeros_nd = jnp.zeros((n, _DEGW), jnp.float32)
    ones_k = jnp.ones((_K, _DEGW), jnp.float32)

    deg_parts = _make_deg_kernel(n, epw)(dst_p, zeros_nd, ones_k)
    agg = _make_agg_kernel(n, epw, h)

    b0r, b1r, b2r = (v.reshape(1, h) for v in (b0, b1, b2))
    g0r, g1r = g0.reshape(1, h), g1.reshape(1, h)
    be0r, be1r = be0.reshape(1, h), be1.reshape(1, h)
    bp0r, bp1r = bp0.reshape(1, h), bp1.reshape(1, o)

    y0, dinv = pl.pallas_call(
        _stage0_body,
        grid=grid,
        in_specs=[
            pl.BlockSpec((_NC, _B, _DEGW), lambda i: (0, i, 0)),
            _row_spec(_B, d),
            _full_spec((d, h)),
        ],
        out_specs=[_row_spec(_B, h), _row_spec(_B, h)],
        out_shape=[
            jax.ShapeDtypeStruct((n, h), jnp.float32),
            jax.ShapeDtypeStruct((n, h), jnp.float32),
        ],
    )(deg_parts, x, W0)

    def mid(parts, yprev, br, gr, ber, wnext):
        return pl.pallas_call(
            _mid_body,
            grid=grid,
            in_specs=[
                pl.BlockSpec((_NC, _B, h), lambda i: (0, i, 0)),
                _row_spec(_B, h),
                _row_spec(_B, h),
                _full_spec((1, h)),
                _full_spec((1, h)),
                _full_spec((1, h)),
                _full_spec((h, h)),
            ],
            out_specs=_row_spec(_B, h),
            out_shape=jax.ShapeDtypeStruct((n, h), jnp.float32),
        )(parts, yprev, dinv, br, gr, ber, wnext)

    p0 = agg(y0, src_p, dst_p, zeros_nh)
    y1 = mid(p0, y0, b0r, g0r, be0r, W1)
    p1 = agg(y1, src_p, dst_p, zeros_nh)
    y2 = mid(p1, y1, b1r, g1r, be1r, W2)
    p2 = agg(y2, src_p, dst_p, zeros_nh)

    out = pl.pallas_call(
        _head_body,
        grid=grid,
        in_specs=[
            pl.BlockSpec((_NC, _B, h), lambda i: (0, i, 0)),
            _row_spec(_B, h),
            _row_spec(_B, h),
            _full_spec((1, h)),
            _full_spec((h, h)),
            _full_spec((1, h)),
            _full_spec((h, o)),
            _full_spec((1, o)),
        ],
        out_specs=_row_spec(_B, o),
        out_shape=jax.ShapeDtypeStruct((n, o), jnp.float32),
    )(p2, y2, dinv, b2r, Wp0, bp0r, Wp1, bp1r)

    return out

# --- scband reference (transcript-rebuilt; emitter-appended) ---
"""Pipeline reference for scband-gcnmodel-87402584473801 (READ-ONLY COPY).

The authoritative reference and input builder live on the scoring server;
editing this copy changes nothing except your own understanding.
"""

import jax, jax.numpy as jnp
import numpy as np

N = 10000
E = 320000
D = 128
H = 128
O = 64


def setup_inputs(seed: int = 0) -> dict:
    key = jax.random.key(seed)
    ks = jax.random.split(key, 20)
    x = jax.random.normal(ks[0], (N, D), dtype=jnp.float32)
    edge_index = jax.random.randint(ks[1], (2, E), 0, N, dtype=jnp.int32)
    def lin(k, fin, fout):
        return jax.random.normal(k, (fin, fout), dtype=jnp.float32) / jnp.sqrt(fin)
    inp = {
        'x': x,
        'edge_index': edge_index,
        'W0': lin(ks[2], D, H), 'b0': jnp.zeros((H,), jnp.float32),
        'W1': lin(ks[3], H, H), 'b1': jnp.zeros((H,), jnp.float32),
        'W2': lin(ks[4], H, H), 'b2': jnp.zeros((H,), jnp.float32),
        'g0': jnp.ones((H,), jnp.float32), 'be0': jnp.zeros((H,), jnp.float32),
        'g1': jnp.ones((H,), jnp.float32), 'be1': jnp.zeros((H,), jnp.float32),
        'Wp0': lin(ks[5], H, H), 'bp0': jnp.zeros((H,), jnp.float32),
        'Wp1': lin(ks[6], H, O), 'bp1': jnp.zeros((O,), jnp.float32),
    }
    return inp


def _gcn_conv(x, edge_index, W, b):
    n = x.shape[0]
    loops = jnp.arange(n, dtype=edge_index.dtype)
    src = jnp.concatenate([edge_index[0], loops])
    dst = jnp.concatenate([edge_index[1], loops])
    deg = jnp.zeros((n,), jnp.float32).at[dst].add(1.0)
    dinv = jnp.where(deg > 0, jax.lax.rsqrt(deg), 0.0)
    norm = dinv[src] * dinv[dst]
    xw = x @ W
    msg = xw[src] * norm[:, None]
    out = jnp.zeros((n, W.shape[1]), jnp.float32).at[dst].add(msg)
    return out + b


def _layernorm(x, g, b, eps=1e-5):
    mu = jnp.mean(x, axis=-1, keepdims=True)
    var = jnp.mean((x - mu) ** 2, axis=-1, keepdims=True)
    return (x - mu) * jax.lax.rsqrt(var + eps) * g + b


def reference(x, edge_index, W0, b0, W1, b1, W2, b2, g0, be0, g1, be1, Wp0, bp0, Wp1, bp1):
    h = _gcn_conv(x, edge_index, W0, b0)
    h = jax.nn.relu(h)
    h = _layernorm(h, g0, be0)
    h = _gcn_conv(h, edge_index, W1, b1)
    h = jax.nn.relu(h)
    h = _layernorm(h, g1, be1)
    h = _gcn_conv(h, edge_index, W2, b2)
    h = jax.nn.relu(h)
    # dropout p=0.0 / eval mode -> identity
    h = h @ Wp0 + bp0
    h = h @ Wp1 + bp1
    return h

if __name__ == "__main__":
    import jax
    _d = setup_inputs()
    print(jax.jit(kernel)(*tuple(_d.values())))

</pallas_src>

<mosaic_0001>
#map = affine_map<(d0, d1) -> (0, 0)>
#map1 = affine_map<(d0, d1) -> (0)>
#map2 = affine_map<(d0, d1) -> (0, 0, 0)>
module attributes {stable_mosaic.version = 14 : i64} {
  func.func @agg_kernel(%arg0: i32, %arg1: i32, %arg2: memref<10000x128xf32, #tpu.memory_space<hbm>>, %arg3: memref<327680xi32, #tpu.memory_space<hbm>>, %arg4: memref<327680xi32, #tpu.memory_space<hbm>>, %arg5: memref<10000x128xf32, #tpu.memory_space<hbm>>, %arg6: memref<2x10000x128xf32, #tpu.memory_space<hbm>>, %arg7: memref<10008x128xf32, #tpu.memory_space<vmem_shared>>, %arg8: memref<256x128xf32, #tpu.memory_space<vmem>>, %arg9: memref<256xi32, #tpu.memory_space<vmem>>, %arg10: memref<256xi32, #tpu.memory_space<vmem>>, %arg11: memref<256xi32, #tpu.memory_space<vmem>>, %arg12: memref<256xi32, #tpu.memory_space<vmem>>, %arg13: memref<256xi32, #tpu.memory_space<vmem>>, %arg14: memref<256xi32, #tpu.memory_space<vmem>>, %arg15: memref<256xi32, #tpu.memory_space<vmem>>, %arg16: memref<256xi32, #tpu.memory_space<vmem>>, %arg17: memref<!tpu.dma_semaphore, #tpu.memory_space<semaphore_mem>>, %arg18: memref<!tpu.dma_semaphore, #tpu.memory_space<semaphore_mem>>, %arg19: memref<!tpu.dma_semaphore, #tpu.memory_space<semaphore_mem>>, %arg20: memref<!tpu.dma_semaphore, #tpu.memory_space<semaphore_mem>>, %arg21: memref<!tpu.dma_semaphore, #tpu.memory_space<semaphore_mem>>, %arg22: memref<!tpu.dma_semaphore, #tpu.memory_space<semaphore_mem>>, %arg23: memref<!tpu.dma_semaphore, #tpu.memory_space<semaphore_mem>>, %arg24: memref<!tpu.dma_semaphore, #tpu.memory_space<semaphore_mem>>) attributes {dimension_semantics = [#tpu.dimension_semantics<core_parallel>, #tpu.dimension_semantics<subcore_parallel>], iteration_bounds = array<i64: 2, 16>, scalar_prefetch = 0 : i64, scratch_operands = 18 : i64, tpu.core_type = #tpu.core_type<sc_vector_subcore>, window_params = [{transform_indices = #map}, {transform_indices = #map1}, {transform_indices = #map1}, {transform_indices = #map}, {transform_indices = #map2}]} {
    %mul3A = arith.constant 16 : i32
    %mul3A_0 = arith.muli %arg0, %mul3A : i32
    %add3A = arith.addi %mul3A_0, %arg1 : i32
    %mul3A_1 = arith.constant 10240 : i32
    %mul3A_2 = arith.muli %add3A, %mul3A_1 : i32
    %lt3A = arith.constant 10 : i32
    %lt3A_3 = arith.cmpi slt, %arg1, %lt3A : i32
    %convert_element_type3A = arith.extui %lt3A_3 : i1 to i32
    %cond3A = arith.constant 0 : i32
    %cond3A_4 = arith.cmpi ne, %convert_element_type3A, %cond3A : i32
    scf.if %cond3A_4 {
      %mul3A_46 = arith.constant 1000 : i32
      %mul3A_47 = arith.muli %arg1, %mul3A_46 : i32
      %mul3A_48 = arith.constant 1000 : i32
      %mul3A_49 = arith.muli %arg1, %mul3A_48 : i32
      "tpu.region"() ({
        %run_scoped3A = tpu.sem_alloc : memref<!tpu.dma_semaphore, #tpu.memory_space<semaphore_mem>>
        %dma_start3A_50 = arith.constant 0 : i32
        %dma_start3A_51 = tpu.memref_slice %arg7[%mul3A_49, %dma_start3A_50] : memref<10008x128xf32, #tpu.memory_space<vmem_shared>> -> memref<1000x128xf32, #tpu.memory_space<vmem_shared>>
        %dma_start3A_52 = arith.constant 0 : i32
        %dma_start3A_53 = tpu.memref_slice %arg5[%mul3A_47, %dma_start3A_52] : memref<10000x128xf32, #tpu.memory_space<hbm>> -> memref<1000x128xf32, #tpu.memory_space<hbm>>
        tpu.enqueue_dma source(%dma_start3A_53 : memref<1000x128xf32, #tpu.memory_space<hbm>>) target(%dma_start3A_51 : memref<1000x128xf32, #tpu.memory_space<vmem_shared>>) target_semaphore(%run_scoped3A : memref<!tpu.dma_semaphore, #tpu.memory_space<semaphore_mem>>)
        %dma_wait3A = arith.constant 0 : i32
        %dma_wait3A_54 = tpu.memref_slice %arg7[%mul3A_49, %dma_wait3A] : memref<10008x128xf32, #tpu.memory_space<vmem_shared>> -> memref<1000x128xf32, #tpu.memory_space<vmem_shared>>
        %dma_wait3A_55 = arith.constant 0 : i32
        %dma_wait3A_56 = tpu.memref_slice %arg5[%mul3A_47, %dma_wait3A_55] : memref<10000x128xf32, #tpu.memory_space<hbm>> -> memref<1000x128xf32, #tpu.memory_space<hbm>>
        tpu.wait_dma2 semaphore(%run_scoped3A : memref<!tpu.dma_semaphore, #tpu.memory_space<semaphore_mem>>) src(%dma_wait3A_56 : memref<1000x128xf32, #tpu.memory_space<hbm>>) dst(%dma_wait3A_54 : memref<1000x128xf32, #tpu.memory_space<vmem_shared>>)
        tpu.yield
      }) : () -> ()
    } else {
    }
    %add3A_5 = arith.constant 0 : i32
    %add3A_6 = arith.addi %mul3A_2, %add3A_5 : i32
    %dma_start3A = tpu.memref_slice %arg3[%add3A_6] : memref<327680xi32, #tpu.memory_space<hbm>> -> memref<256xi32, #tpu.memory_space<hbm>>
    %dma_start3A_7 = tpu.memref_slice %arg3[%add3A_6] : memref<327680xi32, #tpu.memory_space<hbm>> -> memref<256xi32, #tpu.memory_space<hbm>>
    tpu.enqueue_dma source(%dma_start3A_7 : memref<256xi32, #tpu.memory_space<hbm>>) target(%arg9 : memref<256xi32, #tpu.memory_space<vmem>>) target_semaphore(%arg17 : memref<!tpu.dma_semaphore, #tpu.memory_space<semaphore_mem>>)
    %add3A_8 = arith.constant 0 : i32
    %add3A_9 = arith.addi %mul3A_2, %add3A_8 : i32
    %dma_start3A_10 = tpu.memref_slice %arg4[%add3A_9] : memref<327680xi32, #tpu.memory_space<hbm>> -> memref<256xi32, #tpu.memory_space<hbm>>
    %dma_start3A_11 = tpu.memref_slice %arg4[%add3A_9] : memref<327680xi32, #tpu.memory_space<hbm>> -> memref<256xi32, #tpu.memory_space<hbm>>
    tpu.enqueue_dma source(%dma_start3A_11 : memref<256xi32, #tpu.memory_space<hbm>>) target(%arg13 : memref<256xi32, #tpu.memory_space<vmem>>) target_semaphore(%arg21 : memref<!tpu.dma_semaphore, #tpu.memory_space<semaphore_mem>>)
    %add3A_12 = arith.constant 256 : i32
    %add3A_13 = arith.addi %mul3A_2, %add3A_12 : i32
    %dma_start3A_14 = tpu.memref_slice %arg3[%add3A_13] : memref<327680xi32, #tpu.memory_space<hbm>> -> memref<256xi32, #tpu.memory_space<hbm>>
    %dma_start3A_15 = tpu.memref_slice %arg3[%add3A_13] : memref<327680xi32, #tpu.memory_space<hbm>> -> memref<256xi32, #tpu.memory_space<hbm>>
    tpu.enqueue_dma source(%dma_start3A_15 : memref<256xi32, #tpu.memory_space<hbm>>) target(%arg10 : memref<256xi32, #tpu.memory_space<vmem>>) target_semaphore(%arg18 : memref<!tpu.dma_semaphore, #tpu.memory_space<semaphore_mem>>)
    %add3A_16 = arith.constant 256 : i32
    %add3A_17 = arith.addi %mul3A_2, %add3A_16 : i32
    %dma_start3A_18 = tpu.memref_slice %arg4[%add3A_17] : memref<327680xi32, #tpu.memory_space<hbm>> -> memref<256xi32, #tpu.memory_space<hbm>>
    %dma_start3A_19 = tpu.memref_slice %arg4[%add3A_17] : memref<327680xi32, #tpu.memory_space<hbm>> -> memref<256xi32, #tpu.memory_space<hbm>>
    tpu.enqueue_dma source(%dma_start3A_19 : memref<256xi32, #tpu.memory_space<hbm>>) target(%arg14 : memref<256xi32, #tpu.memory_space<vmem>>) target_semaphore(%arg22 : memref<!tpu.dma_semaphore, #tpu.memory_space<semaphore_mem>>)
    %add3A_20 = arith.constant 512 : i32
    %add3A_21 = arith.addi %mul3A_2, %add3A_20 : i32
    %dma_start3A_22 = tpu.memref_slice %arg3[%add3A_21] : memref<327680xi32, #tpu.memory_space<hbm>> -> memref<256xi32, #tpu.memory_space<hbm>>
    %dma_start3A_23 = tpu.memref_slice %arg3[%add3A_21] : memref<327680xi32, #tpu.memory_space<hbm>> -> memref<256xi32, #tpu.memory_space<hbm>>
    tpu.enqueue_dma source(%dma_start3A_23 : memref<256xi32, #tpu.memory_space<hbm>>) target(%arg11 : memref<256xi32, #tpu.memory_space<vmem>>) target_semaphore(%arg19 : memref<!tpu.dma_semaphore, #tpu.memory_space<semaphore_mem>>)
    %add3A_24 = arith.constant 512 : i32
    %add3A_25 = arith.addi %mul3A_2, %add3A_24 : i32
    %dma_start3A_26 = tpu.memref_slice %arg4[%add3A_25] : memref<327680xi32, #tpu.memory_space<hbm>> -> memref<256xi32, #tpu.memory_space<hbm>>
    %dma_start3A_27 = tpu.memref_slice %arg4[%add3A_25] : memref<327680xi32, #tpu.memory_space<hbm>> -> memref<256xi32, #tpu.memory_space<hbm>>
    tpu.enqueue_dma source(%dma_start3A_27 : memref<256xi32, #tpu.memory_space<hbm>>) target(%arg15 : memref<256xi32, #tpu.memory_space<vmem>>) target_semaphore(%arg23 : memref<!tpu.dma_semaphore, #tpu.memory_space<semaphore_mem>>)
    %add3A_28 = arith.constant 768 : i32
    %add3A_29 = arith.addi %mul3A_2, %add3A_28 : i32
    %dma_start3A_30 = tpu.memref_slice %arg3[%add3A_29] : memref<327680xi32, #tpu.memory_space<hbm>> -> memref<256xi32, #tpu.memory_space<hbm>>
    %dma_start3A_31 = tpu.memref_slice %arg3[%add3A_29] : memref<327680xi32, #tpu.memory_space<hbm>> -> memref<256xi32, #tpu.memory_space<hbm>>
    tpu.enqueue_dma source(%dma_start3A_31 : memref<256xi32, #tpu.memory_space<hbm>>) target(%arg12 : memref<256xi32, #tpu.memory_space<vmem>>) target_semaphore(%arg20 : memref<!tpu.dma_semaphore, #tpu.memory_space<semaphore_mem>>)
    %add3A_32 = arith.constant 768 : i32
    %add3A_33 = arith.addi %mul3A_2, %add3A_32 : i32
    %dma_start3A_34 = tpu.memref_slice %arg4[%add3A_33] : memref<327680xi32, #tpu.memory_space<hbm>> -> memref<256xi32, #tpu.memory_space<hbm>>
    %dma_start3A_35 = tpu.memref_slice %arg4[%add3A_33] : memref<327680xi32, #tpu.memory_space<hbm>> -> memref<256xi32, #tpu.memory_space<hbm>>
    tpu.enqueue_dma source(%dma_start3A_35 : memref<256xi32, #tpu.memory_space<hbm>>) target(%arg16 : memref<256xi32, #tpu.memory_space<vmem>>) target_semaphore(%arg24 : memref<!tpu.dma_semaphore, #tpu.memory_space<semaphore_mem>>)
    %barrier3A = arith.constant 0 : index
    tpu.barrier barrier_id(%barrier3A)
    %scan3A = arith.constant 0 : i32
    %scan3A_36 = arith.constant 10 : i32
    %scan3A_37 = arith.addi %scan3A, %scan3A_36 : i32
    %scan3A_38 = arith.constant 1 : i32
    scf.for %scan3A_46 = %scan3A to %scan3A_37 step %scan3A_38  : i32 {
      %mul3A_47 = arith.constant 4 : i32
      %mul3A_48 = arith.muli %scan3A_46, %mul3A_47 : i32
      %add3A_49 = arith.constant 0 : i32
      %add3A_50 = arith.addi %add3A_49, %mul3A_48 : i32
      %add3A_51 = arith.constant 0 : i32
      %add3A_52 = arith.addi %add3A_50, %add3A_51 : i32
      %dma_wait3A = tpu.memref_slice %arg3[%mul3A_2] : memref<327680xi32, #tpu.memory_space<hbm>> -> memref<256xi32, #tpu.memory_space<hbm>>
      %dma_wait3A_53 = tpu.memref_slice %arg3[%mul3A_2] : memref<327680xi32, #tpu.memory_space<hbm>> -> memref<256xi32, #tpu.memory_space<hbm>>
      tpu.wait_dma2 semaphore(%arg17 : memref<!tpu.dma_semaphore, #tpu.memory_space<semaphore_mem>>) src(%dma_wait3A_53 : memref<256xi32, #tpu.memory_space<hbm>>) dst(%arg9 : memref<256xi32, #tpu.memory_space<vmem>>)
      %dma_wait3A_54 = tpu.memref_slice %arg4[%mul3A_2] : memref<327680xi32, #tpu.memory_space<hbm>> -> memref<256xi32, #tpu.memory_space<hbm>>
      %dma_wait3A_55 = tpu.memref_slice %arg4[%mul3A_2] : memref<327680xi32, #tpu.memory_space<hbm>> -> memref<256xi32, #tpu.memory_space<hbm>>
      tpu.wait_dma2 semaphore(%arg21 : memref<!tpu.dma_semaphore, #tpu.memory_space<semaphore_mem>>) src(%dma_wait3A_55 : memref<256xi32, #tpu.memory_space<hbm>>) dst(%arg13 : memref<256xi32, #tpu.memory_space<vmem>>)
      "tpu.region"() ({
        %run_scoped3A = tpu.sem_alloc : memref<!tpu.dma_semaphore, #tpu.memory_space<semaphore_mem>>
        %dma_start3A_102 = arith.constant 0 : i32
        %dma_start3A_103 = arith.constant 0 : i32
        %dma_start3A_104 = tpu.memref_slice %arg2[%dma_start3A_102, %dma_start3A_103] : memref<10000x128xf32, #tpu.memory_space<hbm>> -> memref<10000x128xf32, #tpu.memory_space<hbm>>
        tpu.enqueue_indirect_dma source(%dma_start3A_104 : memref<10000x128xf32, #tpu.memory_space<hbm>>) target(%arg8 : memref<256x128xf32, #tpu.memory_space<vmem>>) offsets(%arg9 : memref<256xi32, #tpu.memory_space<vmem>>) semaphore(%run_scoped3A : memref<!tpu.dma_semaphore, #tpu.memory_space<semaphore_mem>>)
        %dma_wait3A_105 = arith.constant 0 : i32
        %dma_wait3A_106 = arith.constant 0 : i32
        %dma_wait3A_107 = tpu.memref_slice %arg2[%dma_wait3A_105, %dma_wait3A_106] : memref<10000x128xf32, #tpu.memory_space<hbm>> -> memref<10000x128xf32, #tpu.memory_space<hbm>>
        tpu.wait_indirect_dma semaphore(%run_scoped3A : memref<!tpu.dma_semaphore, #tpu.memory_space<semaphore_mem>>) src(%dma_wait3A_107 : memref<10000x128xf32, #tpu.memory_space<hbm>>) dst(%arg8 : memref<256x128xf32, #tpu.memory_space<vmem>>)
        tpu.yield
      }) : () -> ()
      "tpu.region"() ({
        %run_scoped3A = tpu.sem_alloc : memref<!tpu.dma_semaphore, #tpu.memory_space<semaphore_mem>>
        %dma_start3A_102 = arith.constant 0 : i32
        %dma_start3A_103 = arith.constant 0 : i32
        %dma_start3A_104 = tpu.memref_slice %arg7[%dma_start3A_102, %dma_start3A_103] : memref<10008x128xf32, #tpu.memory_space<vmem_shared>> -> memref<10008x128xf32, #tpu.memory_space<vmem_shared>>
        tpu.enqueue_indirect_dma source(%arg8 : memref<256x128xf32, #tpu.memory_space<vmem>>) target(%dma_start3A_104 : memref<10008x128xf32, #tpu.memory_space<vmem_shared>>) offsets(%arg13 : memref<256xi32, #tpu.memory_space<vmem>>) semaphore(%run_scoped3A : memref<!tpu.dma_semaphore, #tpu.memory_space<semaphore_mem>>) {add = true}
        %dma_wait3A_105 = arith.constant 0 : i32
        %dma_wait3A_106 = arith.constant 0 : i32
        %dma_wait3A_107 = tpu.memref_slice %arg7[%dma_wait3A_105, %dma_wait3A_106] : memref<10008x128xf32, #tpu.memory_space<vmem_shared>> -> memref<10008x128xf32, #tpu.memory_space<vmem_shared>>
        tpu.wait_indirect_dma semaphore(%run_scoped3A : memref<!tpu.dma_semaphore, #tpu.memory_space<semaphore_mem>>) src(%arg8 : memref<256x128xf32, #tpu.memory_space<vmem>>) dst(%dma_wait3A_107 : memref<10008x128xf32, #tpu.memory_space<vmem_shared>>)
        tpu.yield
      }) : () -> ()
      %add3A_56 = arith.constant 4 : i32
      %add3A_57 = arith.addi %add3A_52, %add3A_56 : i32
      %lt3A_58 = arith.constant 40 : i32
      %lt3A_59 = arith.cmpi slt, %add3A_57, %lt3A_58 : i32
      %convert_element_type3A_60 = arith.extui %lt3A_59 : i1 to i32
      %cond3A_61 = arith.constant 0 : i32
      %cond3A_62 = arith.cmpi ne, %convert_element_type3A_60, %cond3A_61 : i32
      scf.if %cond3A_62 {
        %add3A_102 = arith.constant 4 : i32
        %add3A_103 = arith.addi %add3A_52, %add3A_102 : i32
        %mul3A_104 = arith.constant 256 : i32
        %mul3A_105 = arith.muli %add3A_103, %mul3A_104 : i32
        %add3A_106 = arith.addi %mul3A_2, %mul3A_105 : i32
        %dma_start3A_107 = tpu.memref_slice %arg3[%add3A_106] : memref<327680xi32, #tpu.memory_space<hbm>> -> memref<256xi32, #tpu.memory_space<hbm>>
        %dma_start3A_108 = tpu.memref_slice %arg3[%add3A_106] : memref<327680xi32, #tpu.memory_space<hbm>> -> memref<256xi32, #tpu.memory_space<hbm>>
        tpu.enqueue_dma source(%dma_start3A_108 : memref<256xi32, #tpu.memory_space<hbm>>) target(%arg9 : memref<256xi32, #tpu.memory_space<vmem>>) target_semaphore(%arg17 : memref<!tpu.dma_semaphore, #tpu.memory_space<semaphore_mem>>)
        %add3A_109 = arith.constant 4 : i32
        %add3A_110 = arith.addi %add3A_52, %add3A_109 : i32
        %mul3A_111 = arith.constant 256 : i32
        %mul3A_112 = arith.muli %add3A_110, %mul3A_111 : i32
        %add3A_113 = arith.addi %mul3A_2, %mul3A_112 : i32
        %dma_start3A_114 = tpu.memref_slice %arg4[%add3A_113] : memref<327680xi32, #tpu.memory_space<hbm>> -> memref<256xi32, #tpu.memory_space<hbm>>
        %dma_start3A_115 = tpu.memref_slice %arg4[%add3A_113] : memref<327680xi32, #tpu.memory_space<hbm>> -> memref<256xi32, #tpu.memory_space<hbm>>
        tpu.enqueue_dma source(%dma_start3A_115 : memref<256xi32, #tpu.memory_space<hbm>>) target(%arg13 : memref<256xi32, #tpu.memory_space<vmem>>) target_semaphore(%arg21 : memref<!tpu.dma_semaphore, #tpu.memory_space<semaphore_mem>>)
      } else {
      }
      %add3A_63 = arith.constant 1 : i32
      %add3A_64 = arith.addi %add3A_50, %add3A_63 : i32
      %dma_wait3A_65 = tpu.memref_slice %arg3[%mul3A_2] : memref<327680xi32, #tpu.memory_space<hbm>> -> memref<256xi32, #tpu.memory_space<hbm>>
      %dma_wait3A_66 = tpu.memref_slice %arg3[%mul3A_2] : memref<327680xi32, #tpu.memory_space<hbm>> -> memref<256xi32, #tpu.memory_space<hbm>>
      tpu.wait_dma2 semaphore(%arg18 : memref<!tpu.dma_semaphore, #tpu.memory_space<semaphore_mem>>) src(%dma_wait3A_66 : memref<256xi32, #tpu.memory_space<hbm>>) dst(%arg10 : memref<256xi32, #tpu.memory_space<vmem>>)
      %dma_wait3A_67 = tpu.memref_slice %arg4[%mul3A_2] : memref<327680xi32, #tpu.memory_space<hbm>> -> memref<256xi32, #tpu.memory_space<hbm>>
      %dma_wait3A_68 = tpu.memref_slice %arg4[%mul3A_2] : memref<327680xi32, #tpu.memory_space<hbm>> -> memref<256xi32, #tpu.memory_space<hbm>>
      tpu.wait_dma2 semaphore(%arg22 : memref<!tpu.dma_semaphore, #tpu.memory_space<semaphore_mem>>) src(%dma_wait3A_68 : memref<256xi32, #tpu.memory_space<hbm>>) dst(%arg14 : memref<256xi32, #tpu.memory_space<vmem>>)
      "tpu.region"() ({
        %run_scoped3A = tpu.sem_alloc : memref<!tpu.dma_semaphore, #tpu.memory_space<semaphore_mem>>
        %dma_start3A_102 = arith.constant 0 : i32
        %dma_start3A_103 = arith.constant 0 : i32
        %dma_start3A_104 = tpu.memref_slice %arg2[%dma_start3A_102, %dma_start3A_103] : memref<10000x128xf32, #tpu.memory_space<hbm>> -> memref<10000x128xf32, #tpu.memory_space<hbm>>
        tpu.enqueue_indirect_dma source(%dma_start3A_104 : memref<10000x128xf32, #tpu.memory_space<hbm>>) target(%arg8 : memref<256x128xf32, #tpu.memory_space<vmem>>) offsets(%arg10 : memref<256xi32, #tpu.memory_space<vmem>>) semaphore(%run_scoped3A : memref<!tpu.dma_semaphore, #tpu.memory_space<semaphore_mem>>)
        %dma_wait3A_105 = arith.constant 0 : i32
        %dma_wait3A_106 = arith.constant 0 : i32
        %dma_wait3A_107 = tpu.memref_slice %arg2[%dma_wait3A_105, %dma_wait3A_106] : memref<10000x128xf32, #tpu.memory_space<hbm>> -> memref<10000x128xf32, #tpu.memory_space<hbm>>
        tpu.wait_indirect_dma semaphore(%run_scoped3A : memref<!tpu.dma_semaphore, #tpu.memory_space<semaphore_mem>>) src(%dma_wait3A_107 : memref<10000x128xf32, #tpu.memory_space<hbm>>) dst(%arg8 : memref<256x128xf32, #tpu.memory_space<vmem>>)
        tpu.yield
      }) : () -> ()
      "tpu.region"() ({
        %run_scoped3A = tpu.sem_alloc : memref<!tpu.dma_semaphore, #tpu.memory_space<semaphore_mem>>
        %dma_start3A_102 = arith.constant 0 : i32
        %dma_start3A_103 = arith.constant 0 : i32
        %dma_start3A_104 = tpu.memref_slice %arg7[%dma_start3A_102, %dma_start3A_103] : memref<10008x128xf32, #tpu.memory_space<vmem_shared>> -> memref<10008x128xf32, #tpu.memory_space<vmem_shared>>
        tpu.enqueue_indirect_dma source(%arg8 : memref<256x128xf32, #tpu.memory_space<vmem>>) target(%dma_start3A_104 : memref<10008x128xf32, #tpu.memory_space<vmem_shared>>) offsets(%arg14 : memref<256xi32, #tpu.memory_space<vmem>>) semaphore(%run_scoped3A : memref<!tpu.dma_semaphore, #tpu.memory_space<semaphore_mem>>) {add = true}
        %dma_wait3A_105 = arith.constant 0 : i32
        %dma_wait3A_106 = arith.constant 0 : i32
        %dma_wait3A_107 = tpu.memref_slice %arg7[%dma_wait3A_105, %dma_wait3A_106] : memref<10008x128xf32, #tpu.memory_space<vmem_shared>> -> memref<10008x128xf32, #tpu.memory_space<vmem_shared>>
        tpu.wait_indirect_dma semaphore(%run_scoped3A : memref<!tpu.dma_semaphore, #tpu.memory_space<semaphore_mem>>) src(%arg8 : memref<256x128xf32, #tpu.memory_space<vmem>>) dst(%dma_wait3A_107 : memref<10008x128xf32, #tpu.memory_space<vmem_shared>>)
        tpu.yield
      }) : () -> ()
      %add3A_69 = arith.constant 4 : i32
      %add3A_70 = arith.addi %add3A_64, %add3A_69 : i32
      %lt3A_71 = arith.constant 40 : i32
      %lt3A_72 = arith.cmpi slt, %add3A_70, %lt3A_71 : i32
      %convert_element_type3A_73 = arith.extui %lt3A_72 : i1 to i32
      %cond3A_74 = arith.constant 0 : i32
      %cond3A_75 = arith.cmpi ne, %convert_element_type3A_73, %cond3A_74 : i32
      scf.if %cond3A_75 {
        %add3A_102 = arith.constant 4 : i32
        %add3A_103 = arith.addi %add3A_64, %add3A_102 : i32
        %mul3A_104 = arith.constant 256 : i32
        %mul3A_105 = arith.muli %add3A_103, %mul3A_104 : i32
        %add3A_106 = arith.addi %mul3A_2, %mul3A_105 : i32
        %dma_start3A_107 = tpu.memref_slice %arg3[%add3A_106] : memref<327680xi32, #tpu.memory_space<hbm>> -> memref<256xi32, #tpu.memory_space<hbm>>
        %dma_start3A_108 = tpu.memref_slice %arg3[%add3A_106] : memref<327680xi32, #tpu.memory_space<hbm>> -> memref<256xi32, #tpu.memory_space<hbm>>
        tpu.enqueue_dma source(%dma_start3A_108 : memref<256xi32, #tpu.memory_space<hbm>>) target(%arg10 : memref<256xi32, #tpu.memory_space<vmem>>) target_semaphore(%arg18 : memref<!tpu.dma_semaphore, #tpu.memory_space<semaphore_mem>>)
        %add3A_109 = arith.constant 4 : i32
        %add3A_110 = arith.addi %add3A_64, %add3A_109 : i32
        %mul3A_111 = arith.constant 256 : i32
        %mul3A_112 = arith.muli %add3A_110, %mul3A_111 : i32
        %add3A_113 = arith.addi %mul3A_2, %mul3A_112 : i32
        %dma_start3A_114 = tpu.memref_slice %arg4[%add3A_113] : memref<327680xi32, #tpu.memory_space<hbm>> -> memref<256xi32, #tpu.memory_space<hbm>>
        %dma_start3A_115 = tpu.memref_slice %arg4[%add3A_113] : memref<327680xi32, #tpu.memory_space<hbm>> -> memref<256xi32, #tpu.memory_space<hbm>>
        tpu.enqueue_dma source(%dma_start3A_115 : memref<256xi32, #tpu.memory_space<hbm>>) target(%arg14 : memref<256xi32, #tpu.memory_space<vmem>>) target_semaphore(%arg22 : memref<!tpu.dma_semaphore, #tpu.memory_space<semaphore_mem>>)
      } else {
      }
      %add3A_76 = arith.constant 2 : i32
      %add3A_77 = arith.addi %add3A_50, %add3A_76 : i32
      %dma_wait3A_78 = tpu.memref_slice %arg3[%mul3A_2] : memref<327680xi32, #tpu.memory_space<hbm>> -> memref<256xi32, #tpu.memory_space<hbm>>
      %dma_wait3A_79 = tpu.memref_slice %arg3[%mul3A_2] : memref<327680xi32, #tpu.memory_space<hbm>> -> memref<256xi32, #tpu.memory_space<hbm>>
      tpu.wait_dma2 semaphore(%arg19 : memref<!tpu.dma_semaphore, #tpu.memory_space<semaphore_mem>>) src(%dma_wait3A_79 : memref<256xi32, #tpu.memory_space<hbm>>) dst(%arg11 : memref<256xi32, #tpu.memory_space<vmem>>)
      %dma_wait3A_80 = tpu.memref_slice %arg4[%mul3A_2] : memref<327680xi32, #tpu.memory_space<hbm>> -> memref<256xi32, #tpu.memory_space<hbm>>
      %dma_wait3A_81 = tpu.memref_slice %arg4[%mul3A_2] : memref<327680xi32, #tpu.memory_space<hbm>> -> memref<256xi32, #tpu.memory_space<hbm>>
      tpu.wait_dma2 semaphore(%arg23 : memref<!tpu.dma_semaphore, #tpu.memory_space<semaphore_mem>>) src(%dma_wait3A_81 : memref<256xi32, #tpu.memory_space<hbm>>) dst(%arg15 : memref<256xi32, #tpu.memory_space<vmem>>)
      "tpu.region"() ({
        %run_scoped3A = tpu.sem_alloc : memref<!tpu.dma_semaphore, #tpu.memory_space<semaphore_mem>>
        %dma_start3A_102 = arith.constant 0 : i32
        %dma_start3A_103 = arith.constant 0 : i32
        %dma_start3A_104 = tpu.memref_slice %arg2[%dma_start3A_102, %dma_start3A_103] : memref<10000x128xf32, #tpu.memory_space<hbm>> -> memref<10000x128xf32, #tpu.memory_space<hbm>>
        tpu.enqueue_indirect_dma source(%dma_start3A_104 : memref<10000x128xf32, #tpu.memory_space<hbm>>) target(%arg8 : memref<256x128xf32, #tpu.memory_space<vmem>>) offsets(%arg11 : memref<256xi32, #tpu.memory_space<vmem>>) semaphore(%run_scoped3A : memref<!tpu.dma_semaphore, #tpu.memory_space<semaphore_mem>>)
        %dma_wait3A_105 = arith.constant 0 : i32
        %dma_wait3A_106 = arith.constant 0 : i32
        %dma_wait3A_107 = tpu.memref_slice %arg2[%dma_wait3A_105, %dma_wait3A_106] : memref<10000x128xf32, #tpu.memory_space<hbm>> -> memref<10000x128xf32, #tpu.memory_space<hbm>>
        tpu.wait_indirect_dma semaphore(%run_scoped3A : memref<!tpu.dma_semaphore, #tpu.memory_space<semaphore_mem>>) src(%dma_wait3A_107 : memref<10000x128xf32, #tpu.memory_space<hbm>>) dst(%arg8 : memref<256x128xf32, #tpu.memory_space<vmem>>)
        tpu.yield
      }) : () -> ()
      "tpu.region"() ({
        %run_scoped3A = tpu.sem_alloc : memref<!tpu.dma_semaphore, #tpu.memory_space<semaphore_mem>>
        %dma_start3A_102 = arith.constant 0 : i32
        %dma_start3A_103 = arith.constant 0 : i32
        %dma_start3A_104 = tpu.memref_slice %arg7[%dma_start3A_102, %dma_start3A_103] : memref<10008x128xf32, #tpu.memory_space<vmem_shared>> -> memref<10008x128xf32, #tpu.memory_space<vmem_shared>>
        tpu.enqueue_indirect_dma source(%arg8 : memref<256x128xf32, #tpu.memory_space<vmem>>) target(%dma_start3A_104 : memref<10008x128xf32, #tpu.memory_space<vmem_shared>>) offsets(%arg15 : memref<256xi32, #tpu.memory_space<vmem>>) semaphore(%run_scoped3A : memref<!tpu.dma_semaphore, #tpu.memory_space<semaphore_mem>>) {add = true}
        %dma_wait3A_105 = arith.constant 0 : i32
        %dma_wait3A_106 = arith.constant 0 : i32
        %dma_wait3A_107 = tpu.memref_slice %arg7[%dma_wait3A_105, %dma_wait3A_106] : memref<10008x128xf32, #tpu.memory_space<vmem_shared>> -> memref<10008x128xf32, #tpu.memory_space<vmem_shared>>
        tpu.wait_indirect_dma semaphore(%run_scoped3A : memref<!tpu.dma_semaphore, #tpu.memory_space<semaphore_mem>>) src(%arg8 : memref<256x128xf32, #tpu.memory_space<vmem>>) dst(%dma_wait3A_107 : memref<10008x128xf32, #tpu.memory_space<vmem_shared>>)
        tpu.yield
      }) : () -> ()
      %add3A_82 = arith.constant 4 : i32
      %add3A_83 = arith.addi %add3A_77, %add3A_82 : i32
      %lt3A_84 = arith.constant 40 : i32
      %lt3A_85 = arith.cmpi slt, %add3A_83, %lt3A_84 : i32
      %convert_element_type3A_86 = arith.extui %lt3A_85 : i1 to i32
      %cond3A_87 = arith.constant 0 : i32
      %cond3A_88 = arith.cmpi ne, %convert_element_type3A_86, %cond3A_87 : i32
      scf.if %cond3A_88 {
        %add3A_102 = arith.constant 4 : i32
        %add3A_103 = arith.addi %add3A_77, %add3A_102 : i32
        %mul3A_104 = arith.constant 256 : i32
        %mul3A_105 = arith.muli %add3A_103, %mul3A_104 : i32
        %add3A_106 = arith.addi %mul3A_2, %mul3A_105 : i32
        %dma_start3A_107 = tpu.memref_slice %arg3[%add3A_106] : memref<327680xi32, #tpu.memory_space<hbm>> -> memref<256xi32, #tpu.memory_space<hbm>>
        %dma_start3A_108 = tpu.memref_slice %arg3[%add3A_106] : memref<327680xi32, #tpu.memory_space<hbm>> -> memref<256xi32, #tpu.memory_space<hbm>>
        tpu.enqueue_dma source(%dma_start3A_108 : memref<256xi32, #tpu.memory_space<hbm>>) target(%arg11 : memref<256xi32, #tpu.memory_space<vmem>>) target_semaphore(%arg19 : memref<!tpu.dma_semaphore, #tpu.memory_space<semaphore_mem>>)
        %add3A_109 = arith.constant 4 : i32
        %add3A_110 = arith.addi %add3A_77, %add3A_109 : i32
        %mul3A_111 = arith.constant 256 : i32
        %mul3A_112 = arith.muli %add3A_110, %mul3A_111 : i32
        %add3A_113 = arith.addi %mul3A_2, %mul3A_112 : i32
        %dma_start3A_114 = tpu.memref_slice %arg4[%add3A_113] : memref<327680xi32, #tpu.memory_space<hbm>> -> memref<256xi32, #tpu.memory_space<hbm>>
        %dma_start3A_115 = tpu.memref_slice %arg4[%add3A_113] : memref<327680xi32, #tpu.memory_space<hbm>> -> memref<256xi32, #tpu.memory_space<hbm>>
        tpu.enqueue_dma source(%dma_start3A_115 : memref<256xi32, #tpu.memory_space<hbm>>) target(%arg15 : memref<256xi32, #tpu.memory_space<vmem>>) target_semaphore(%arg23 : memref<!tpu.dma_semaphore, #tpu.memory_space<semaphore_mem>>)
      } else {
      }
      %add3A_89 = arith.constant 3 : i32
      %add3A_90 = arith.addi %add3A_50, %add3A_89 : i32
      %dma_wait3A_91 = tpu.memref_slice %arg3[%mul3A_2] : memref<327680xi32, #tpu.memory_space<hbm>> -> memref<256xi32, #tpu.memory_space<hbm>>
      %dma_wait3A_92 = tpu.memref_slice %arg3[%mul3A_2] : memref<327680xi32, #tpu.memory_space<hbm>> -> memref<256xi32, #tpu.memory_space<hbm>>
      tpu.wait_dma2 semaphore(%arg20 : memref<!tpu.dma_semaphore, #tpu.memory_space<semaphore_mem>>) src(%dma_wait3A_92 : memref<256xi32, #tpu.memory_space<hbm>>) dst(%arg12 : memref<256xi32, #tpu.memory_space<vmem>>)
      %dma_wait3A_93 = tpu.memref_slice %arg4[%mul3A_2] : memref<327680xi32, #tpu.memory_space<hbm>> -> memref<256xi32, #tpu.memory_space<hbm>>
      %dma_wait3A_94 = tpu.memref_slice %arg4[%mul3A_2] : memref<327680xi32, #tpu.memory_space<hbm>> -> memref<256xi32, #tpu.memory_space<hbm>>
      tpu.wait_dma2 semaphore(%arg24 : memref<!tpu.dma_semaphore, #tpu.memory_space<semaphore_mem>>) src(%dma_wait3A_94 : memref<256xi32, #tpu.memory_space<hbm>>) dst(%arg16 : memref<256xi32, #tpu.memory_space<vmem>>)
      "tpu.region"() ({
        %run_scoped3A = tpu.sem_alloc : memref<!tpu.dma_semaphore, #tpu.memory_space<semaphore_mem>>
        %dma_start3A_102 = arith.constant 0 : i32
        %dma_start3A_103 = arith.constant 0 : i32
        %dma_start3A_104 = tpu.memref_slice %arg2[%dma_start3A_102, %dma_start3A_103] : memref<10000x128xf32, #tpu.memory_space<hbm>> -> memref<10000x128xf32, #tpu.memory_space<hbm>>
        tpu.enqueue_indirect_dma source(%dma_start3A_104 : memref<10000x128xf32, #tpu.memory_space<hbm>>) target(%arg8 : memref<256x128xf32, #tpu.memory_space<vmem>>) offsets(%arg12 : memref<256xi32, #tpu.memory_space<vmem>>) semaphore(%run_scoped3A : memref<!tpu.dma_semaphore, #tpu.memory_space<semaphore_mem>>)
        %dma_wait3A_105 = arith.constant 0 : i32
        %dma_wait3A_106 = arith.constant 0 : i32
        %dma_wait3A_107 = tpu.memref_slice %arg2[%dma_wait3A_105, %dma_wait3A_106] : memref<10000x128xf32, #tpu.memory_space<hbm>> -> memref<10000x128xf32, #tpu.memory_space<hbm>>
        tpu.wait_indirect_dma semaphore(%run_scoped3A : memref<!tpu.dma_semaphore, #tpu.memory_space<semaphore_mem>>) src(%dma_wait3A_107 : memref<10000x128xf32, #tpu.memory_space<hbm>>) dst(%arg8 : memref<256x128xf32, #tpu.memory_space<vmem>>)
        tpu.yield
      }) : () -> ()
      "tpu.region"() ({
        %run_scoped3A = tpu.sem_alloc : memref<!tpu.dma_semaphore, #tpu.memory_space<semaphore_mem>>
        %dma_start3A_102 = arith.constant 0 : i32
        %dma_start3A_103 = arith.constant 0 : i32
        %dma_start3A_104 = tpu.memref_slice %arg7[%dma_start3A_102, %dma_start3A_103] : memref<10008x128xf32, #tpu.memory_space<vmem_shared>> -> memref<10008x128xf32, #tpu.memory_space<vmem_shared>>
        tpu.enqueue_indirect_dma source(%arg8 : memref<256x128xf32, #tpu.memory_space<vmem>>) target(%dma_start3A_104 : memref<10008x128xf32, #tpu.memory_space<vmem_shared>>) offsets(%arg16 : memref<256xi32, #tpu.memory_space<vmem>>) semaphore(%run_scoped3A : memref<!tpu.dma_semaphore, #tpu.memory_space<semaphore_mem>>) {add = true}
        %dma_wait3A_105 = arith.constant 0 : i32
        %dma_wait3A_106 = arith.constant 0 : i32
        %dma_wait3A_107 = tpu.memref_slice %arg7[%dma_wait3A_105, %dma_wait3A_106] : memref<10008x128xf32, #tpu.memory_space<vmem_shared>> -> memref<10008x128xf32, #tpu.memory_space<vmem_shared>>
        tpu.wait_indirect_dma semaphore(%run_scoped3A : memref<!tpu.dma_semaphore, #tpu.memory_space<semaphore_mem>>) src(%arg8 : memref<256x128xf32, #tpu.memory_space<vmem>>) dst(%dma_wait3A_107 : memref<10008x128xf32, #tpu.memory_space<vmem_shared>>)
        tpu.yield
      }) : () -> ()
      %add3A_95 = arith.constant 4 : i32
      %add3A_96 = arith.addi %add3A_90, %add3A_95 : i32
      %lt3A_97 = arith.constant 40 : i32
      %lt3A_98 = arith.cmpi slt, %add3A_96, %lt3A_97 : i32
      %convert_element_type3A_99 = arith.extui %lt3A_98 : i1 to i32
      %cond3A_100 = arith.constant 0 : i32
      %cond3A_101 = arith.cmpi ne, %convert_element_type3A_99, %cond3A_100 : i32
      scf.if %cond3A_101 {
        %add3A_102 = arith.constant 4 : i32
        %add3A_103 = arith.addi %add3A_90, %add3A_102 : i32
        %mul3A_104 = arith.constant 256 : i32
        %mul3A_105 = arith.muli %add3A_103, %mul3A_104 : i32
        %add3A_106 = arith.addi %mul3A_2, %mul3A_105 : i32
        %dma_start3A_107 = tpu.memref_slice %arg3[%add3A_106] : memref<327680xi32, #tpu.memory_space<hbm>> -> memref<256xi32, #tpu.memory_space<hbm>>
        %dma_start3A_108 = tpu.memref_slice %arg3[%add3A_106] : memref<327680xi32, #tpu.memory_space<hbm>> -> memref<256xi32, #tpu.memory_space<hbm>>
        tpu.enqueue_dma source(%dma_start3A_108 : memref<256xi32, #tpu.memory_space<hbm>>) target(%arg12 : memref<256xi32, #tpu.memory_space<vmem>>) target_semaphore(%arg20 : memref<!tpu.dma_semaphore, #tpu.memory_space<semaphore_mem>>)
        %add3A_109 = arith.constant 4 : i32
        %add3A_110 = arith.addi %add3A_90, %add3A_109 : i32
        %mul3A_111 = arith.constant 256 : i32
        %mul3A_112 = arith.muli %add3A_110, %mul3A_111 : i32
        %add3A_113 = arith.addi %mul3A_2, %mul3A_112 : i32
        %dma_start3A_114 = tpu.memref_slice %arg4[%add3A_113] : memref<327680xi32, #tpu.memory_space<hbm>> -> memref<256xi32, #tpu.memory_space<hbm>>
        %dma_start3A_115 = tpu.memref_slice %arg4[%add3A_113] : memref<327680xi32, #tpu.memory_space<hbm>> -> memref<256xi32, #tpu.memory_space<hbm>>
        tpu.enqueue_dma source(%dma_start3A_115 : memref<256xi32, #tpu.memory_space<hbm>>) target(%arg16 : memref<256xi32, #tpu.memory_space<vmem>>) target_semaphore(%arg24 : memref<!tpu.dma_semaphore, #tpu.memory_space<semaphore_mem>>)
      } else {
      }
    }
    %scan3A_39 = arith.constant 10 : i32
    %barrier3A_40 = arith.constant 0 : index
    tpu.barrier barrier_id(%barrier3A_40)
    %lt3A_41 = arith.constant 10 : i32
    %lt3A_42 = arith.cmpi slt, %arg1, %lt3A_41 : i32
    %convert_element_type3A_43 = arith.extui %lt3A_42 : i1 to i32
    %cond3A_44 = arith.constant 0 : i32
    %cond3A_45 = arith.cmpi ne, %convert_element_type3A_43, %cond3A_44 : i32
    scf.if %cond3A_45 {
      %mul3A_46 = arith.constant 1000 : i32
      %mul3A_47 = arith.muli %arg1, %mul3A_46 : i32
      %mul3A_48 = arith.constant 1000 : i32
      %mul3A_49 = arith.muli %arg1, %mul3A_48 : i32
      "tpu.region"() ({
        %run_scoped3A = tpu.sem_alloc : memref<!tpu.dma_semaphore, #tpu.memory_space<semaphore_mem>>
        %dma_start3A_50 = arith.constant 0 : i32
        %dma_start3A_51 = arith.constant 0 : i32
        %dma_start3A_52 = tpu.memref_slice %arg6[%arg0, %dma_start3A_50, %dma_start3A_51] : memref<2x10000x128xf32, #tpu.memory_space<hbm>> -> memref<1x10000x128xf32, #tpu.memory_space<hbm>>
        %dma_start3A_53 = tpu.memref_squeeze %dma_start3A_52 : memref<1x10000x128xf32, #tpu.memory_space<hbm>> -> memref<10000x128xf32, #tpu.memory_space<hbm>>
        %dma_start3A_54 = arith.constant 0 : i32
        %dma_start3A_55 = tpu.memref_slice %dma_start3A_53[%mul3A_49, %dma_start3A_54] : memref<10000x128xf32, #tpu.memory_space<hbm>> -> memref<1000x128xf32, #tpu.memory_space<hbm>>
        %dma_start3A_56 = arith.constant 0 : i32
        %dma_start3A_57 = tpu.memref_slice %arg7[%mul3A_47, %dma_start3A_56] : memref<10008x128xf32, #tpu.memory_space<vmem_shared>> -> memref<1000x128xf32, #tpu.memory_space<vmem_shared>>
        tpu.enqueue_dma source(%dma_start3A_57 : memref<1000x128xf32, #tpu.memory_space<vmem_shared>>) target(%dma_start3A_55 : memref<1000x128xf32, #tpu.memory_space<hbm>>) target_semaphore(%run_scoped3A : memref<!tpu.dma_semaphore, #tpu.memory_space<semaphore_mem>>)
        %dma_wait3A = arith.constant 0 : i32
        %dma_wait3A_58 = arith.constant 0 : i32
        %dma_wait3A_59 = tpu.memref_slice %arg6[%arg0, %dma_wait3A, %dma_wait3A_58] : memref<2x10000x128xf32, #tpu.memory_space<hbm>> -> memref<1x10000x128xf32, #tpu.memory_space<hbm>>
        %dma_wait3A_60 = tpu.memref_squeeze %dma_wait3A_59 : memref<1x10000x128xf32, #tpu.memory_space<hbm>> -> memref<10000x128xf32, #tpu.memory_space<hbm>>
        %dma_wait3A_61 = arith.constant 0 : i32
        %dma_wait3A_62 = tpu.memref_slice %dma_wait3A_60[%mul3A_49, %dma_wait3A_61] : memref<10000x128xf32, #tpu.memory_space<hbm>> -> memref<1000x128xf32, #tpu.memory_space<hbm>>
        %dma_wait3A_63 = arith.constant 0 : i32
        %dma_wait3A_64 = tpu.memref_slice %arg7[%mul3A_47, %dma_wait3A_63] : memref<10008x128xf32, #tpu.memory_space<vmem_shared>> -> memref<1000x128xf32, #tpu.memory_space<vmem_shared>>
        tpu.wait_dma2 semaphore(%run_scoped3A : memref<!tpu.dma_semaphore, #tpu.memory_space<semaphore_mem>>) src(%dma_wait3A_64 : memref<1000x128xf32, #tpu.memory_space<vmem_shared>>) dst(%dma_wait3A_62 : memref<1000x128xf32, #tpu.memory_space<hbm>>)
        tpu.yield
      }) : () -> ()
    } else {
    }
    return
  }
}

#map = affine_map<(d0, d1) -> (0)>
#map1 = affine_map<(d0, d1) -> (0, 0)>
#map2 = affine_map<(d0, d1) -> (0, 0, 0)>
module attributes {stable_mosaic.version = 14 : i64} {
  func.func @deg_kernel(%arg0: i32, %arg1: i32, %arg2: memref<327680xi32, #tpu.memory_space<hbm>>, %arg3: memref<10000x16xf32, #tpu.memory_space<hbm>>, %arg4: memref<256x16xf32, #tpu.memory_space<hbm>>, %arg5: memref<2x10000x16xf32, #tpu.memory_space<hbm>>, %arg6: memref<10008x16xf32, #tpu.memory_space<vmem_shared>>, %arg7: memref<256x16xf32, #tpu.memory_space<vmem>>, %arg8: memref<256xi32, #tpu.memory_space<vmem>>, %arg9: memref<256xi32, #tpu.memory_space<vmem>>, %arg10: memref<256xi32, #tpu.memory_space<vmem>>, %arg11: memref<256xi32, #tpu.memory_space<vmem>>, %arg12: memref<!tpu.dma_semaphore, #tpu.memory_space<semaphore_mem>>, %arg13: memref<!tpu.dma_semaphore, #tpu.memory_space<semaphore_mem>>, %arg14: memref<!tpu.dma_semaphore, #tpu.memory_space<semaphore_mem>>, %arg15: memref<!tpu.dma_semaphore, #tpu.memory_space<semaphore_mem>>, %arg16: memref<!tpu.dma_semaphore, #tpu.memory_space<semaphore_mem>>) attributes {dimension_semantics = [#tpu.dimension_semantics<core_parallel>, #tpu.dimension_semantics<subcore_parallel>], iteration_bounds = array<i64: 2, 16>, scalar_prefetch = 0 : i64, scratch_operands = 11 : i64, tpu.core_type = #tpu.core_type<sc_vector_subcore>, window_params = [{transform_indices = #map}, {transform_indices = #map1}, {transform_indices = #map1}, {transform_indices = #map2}]} {
    %mul3A = arith.constant 16 : i32
    %mul3A_0 = arith.muli %arg0, %mul3A : i32
    %add3A = arith.addi %mul3A_0, %arg1 : i32
    %mul3A_1 = arith.constant 10240 : i32
    %mul3A_2 = arith.muli %add3A, %mul3A_1 : i32
    %lt3A = arith.constant 10 : i32
    %lt3A_3 = arith.cmpi slt, %arg1, %lt3A : i32
    %convert_element_type3A = arith.extui %lt3A_3 : i1 to i32
    %cond3A = arith.constant 0 : i32
    %cond3A_4 = arith.cmpi ne, %convert_element_type3A, %cond3A : i32
    scf.if %cond3A_4 {
      %mul3A_30 = arith.constant 1000 : i32
      %mul3A_31 = arith.muli %arg1, %mul3A_30 : i32
      %mul3A_32 = arith.constant 1000 : i32
      %mul3A_33 = arith.muli %arg1, %mul3A_32 : i32
      "tpu.region"() ({
        %run_scoped3A = tpu.sem_alloc : memref<!tpu.dma_semaphore, #tpu.memory_space<semaphore_mem>>
        %dma_start3A_34 = arith.constant 0 : i32
        %dma_start3A_35 = tpu.memref_slice %arg6[%mul3A_33, %dma_start3A_34] : memref<10008x16xf32, #tpu.memory_space<vmem_shared>> -> memref<1000x16xf32, #tpu.memory_space<vmem_shared>>
        %dma_start3A_36 = arith.constant 0 : i32
        %dma_start3A_37 = tpu.memref_slice %arg3[%mul3A_31, %dma_start3A_36] : memref<10000x16xf32, #tpu.memory_space<hbm>> -> memref<1000x16xf32, #tpu.memory_space<hbm>>
        tpu.enqueue_dma source(%dma_start3A_37 : memref<1000x16xf32, #tpu.memory_space<hbm>>) target(%dma_start3A_35 : memref<1000x16xf32, #tpu.memory_space<vmem_shared>>) target_semaphore(%run_scoped3A : memref<!tpu.dma_semaphore, #tpu.memory_space<semaphore_mem>>)
        %dma_wait3A = arith.constant 0 : i32
        %dma_wait3A_38 = tpu.memref_slice %arg6[%mul3A_33, %dma_wait3A] : memref<10008x16xf32, #tpu.memory_space<vmem_shared>> -> memref<1000x16xf32, #tpu.memory_space<vmem_shared>>
        %dma_wait3A_39 = arith.constant 0 : i32
        %dma_wait3A_40 = tpu.memref_slice %arg3[%mul3A_31, %dma_wait3A_39] : memref<10000x16xf32, #tpu.memory_space<hbm>> -> memref<1000x16xf32, #tpu.memory_space<hbm>>
        tpu.wait_dma2 semaphore(%run_scoped3A : memref<!tpu.dma_semaphore, #tpu.memory_space<semaphore_mem>>) src(%dma_wait3A_40 : memref<1000x16xf32, #tpu.memory_space<hbm>>) dst(%dma_wait3A_38 : memref<1000x16xf32, #tpu.memory_space<vmem_shared>>)
        tpu.yield
      }) : () -> ()
    } else {
    }
    "tpu.region"() ({
      %run_scoped3A = tpu.sem_alloc : memref<!tpu.dma_semaphore, #tpu.memory_space<semaphore_mem>>
      tpu.enqueue_dma source(%arg4 : memref<256x16xf32, #tpu.memory_space<hbm>>) target(%arg7 : memref<256x16xf32, #tpu.memory_space<vmem>>) target_semaphore(%run_scoped3A : memref<!tpu.dma_semaphore, #tpu.memory_space<semaphore_mem>>)
      tpu.wait_dma2 semaphore(%run_scoped3A : memref<!tpu.dma_semaphore, #tpu.memory_space<semaphore_mem>>) src(%arg4 : memref<256x16xf32, #tpu.memory_space<hbm>>) dst(%arg7 : memref<256x16xf32, #tpu.memory_space<vmem>>)
      tpu.yield
    }) : () -> ()
    %add3A_5 = arith.constant 0 : i32
    %add3A_6 = arith.addi %mul3A_2, %add3A_5 : i32
    %dma_start3A = tpu.memref_slice %arg2[%add3A_6] : memref<327680xi32, #tpu.memory_space<hbm>> -> memref<256xi32, #tpu.memory_space<hbm>>
    %dma_start3A_7 = tpu.memref_slice %arg2[%add3A_6] : memref<327680xi32, #tpu.memory_space<hbm>> -> memref<256xi32, #tpu.memory_space<hbm>>
    tpu.enqueue_dma source(%dma_start3A_7 : memref<256xi32, #tpu.memory_space<hbm>>) target(%arg8 : memref<256xi32, #tpu.memory_space<vmem>>) target_semaphore(%arg12 : memref<!tpu.dma_semaphore, #tpu.memory_space<semaphore_mem>>)
    %add3A_8 = arith.constant 256 : i32
    %add3A_9 = arith.addi %mul3A_2, %add3A_8 : i32
    %dma_start3A_10 = tpu.memref_slice %arg2[%add3A_9] : memref<327680xi32, #tpu.memory_space<hbm>> -> memref<256xi32, #tpu.memory_space<hbm>>
    %dma_start3A_11 = tpu.memref_slice %arg2[%add3A_9] : memref<327680xi32, #tpu.memory_space<hbm>> -> memref<256xi32, #tpu.memory_space<hbm>>
    tpu.enqueue_dma source(%dma_start3A_11 : memref<256xi32, #tpu.memory_space<hbm>>) target(%arg9 : memref<256xi32, #tpu.memory_space<vmem>>) target_semaphore(%arg13 : memref<!tpu.dma_semaphore, #tpu.memory_space<semaphore_mem>>)
    %add3A_12 = arith.constant 512 : i32
    %add3A_13 = arith.addi %mul3A_2, %add3A_12 : i32
    %dma_start3A_14 = tpu.memref_slice %arg2[%add3A_13] : memref<327680xi32, #tpu.memory_space<hbm>> -> memref<256xi32, #tpu.memory_space<hbm>>
    %dma_start3A_15 = tpu.memref_slice %arg2[%add3A_13] : memref<327680xi32, #tpu.memory_space<hbm>> -> memref<256xi32, #tpu.memory_space<hbm>>
    tpu.enqueue_dma source(%dma_start3A_15 : memref<256xi32, #tpu.memory_space<hbm>>) target(%arg10 : memref<256xi32, #tpu.memory_space<vmem>>) target_semaphore(%arg14 : memref<!tpu.dma_semaphore, #tpu.memory_space<semaphore_mem>>)
    %add3A_16 = arith.constant 768 : i32
    %add3A_17 = arith.addi %mul3A_2, %add3A_16 : i32
    %dma_start3A_18 = tpu.memref_slice %arg2[%add3A_17] : memref<327680xi32, #tpu.memory_space<hbm>> -> memref<256xi32, #tpu.memory_space<hbm>>
    %dma_start3A_19 = tpu.memref_slice %arg2[%add3A_17] : memref<327680xi32, #tpu.memory_space<hbm>> -> memref<256xi32, #tpu.memory_space<hbm>>
    tpu.enqueue_dma source(%dma_start3A_19 : memref<256xi32, #tpu.memory_space<hbm>>) target(%arg11 : memref<256xi32, #tpu.memory_space<vmem>>) target_semaphore(%arg15 : memref<!tpu.dma_semaphore, #tpu.memory_space<semaphore_mem>>)
    %barrier3A = arith.constant 0 : index
    tpu.barrier barrier_id(%barrier3A)
    %scan3A = arith.constant 0 : i32
    %scan3A_20 = arith.constant 10 : i32
    %scan3A_21 = arith.addi %scan3A, %scan3A_20 : i32
    %scan3A_22 = arith.constant 1 : i32
    scf.for %scan3A_30 = %scan3A to %scan3A_21 step %scan3A_22  : i32 {
      %mul3A_31 = arith.constant 4 : i32
      %mul3A_32 = arith.muli %scan3A_30, %mul3A_31 : i32
      %add3A_33 = arith.constant 0 : i32
      %add3A_34 = arith.addi %add3A_33, %mul3A_32 : i32
      %dma_wait3A = tpu.memref_slice %arg2[%mul3A_2] : memref<327680xi32, #tpu.memory_space<hbm>> -> memref<256xi32, #tpu.memory_space<hbm>>
      %dma_wait3A_35 = tpu.memref_slice %arg2[%mul3A_2] : memref<327680xi32, #tpu.memory_space<hbm>> -> memref<256xi32, #tpu.memory_space<hbm>>
      tpu.wait_dma2 semaphore(%arg12 : memref<!tpu.dma_semaphore, #tpu.memory_space<semaphore_mem>>) src(%dma_wait3A_35 : memref<256xi32, #tpu.memory_space<hbm>>) dst(%arg8 : memref<256xi32, #tpu.memory_space<vmem>>)
      "tpu.region"() ({
        %run_scoped3A = tpu.sem_alloc : memref<!tpu.dma_semaphore, #tpu.memory_space<semaphore_mem>>
        %dma_start3A_78 = arith.constant 0 : i32
        %dma_start3A_79 = arith.constant 0 : i32
        %dma_start3A_80 = tpu.memref_slice %arg6[%dma_start3A_78, %dma_start3A_79] : memref<10008x16xf32, #tpu.memory_space<vmem_shared>> -> memref<10008x16xf32, #tpu.memory_space<vmem_shared>>
        tpu.enqueue_indirect_dma source(%arg7 : memref<256x16xf32, #tpu.memory_space<vmem>>) target(%dma_start3A_80 : memref<10008x16xf32, #tpu.memory_space<vmem_shared>>) offsets(%arg8 : memref<256xi32, #tpu.memory_space<vmem>>) semaphore(%run_scoped3A : memref<!tpu.dma_semaphore, #tpu.memory_space<semaphore_mem>>) {add = true}
        %dma_wait3A_81 = arith.constant 0 : i32
        %dma_wait3A_82 = arith.constant 0 : i32
        %dma_wait3A_83 = tpu.memref_slice %arg6[%dma_wait3A_81, %dma_wait3A_82] : memref<10008x16xf32, #tpu.memory_space<vmem_shared>> -> memref<10008x16xf32, #tpu.memory_space<vmem_shared>>
        tpu.wait_indirect_dma semaphore(%run_scoped3A : memref<!tpu.dma_semaphore, #tpu.memory_space<semaphore_mem>>) src(%arg7 : memref<256x16xf32, #tpu.memory_space<vmem>>) dst(%dma_wait3A_83 : memref<10008x16xf32, #tpu.memory_space<vmem_shared>>)
        tpu.yield
      }) : () -> ()
      %add3A_36 = arith.constant 4 : i32
      %add3A_37 = arith.addi %add3A_34, %add3A_36 : i32
      %add3A_38 = arith.constant 0 : i32
      %add3A_39 = arith.addi %add3A_37, %add3A_38 : i32
      %lt3A_40 = arith.constant 40 : i32
      %lt3A_41 = arith.cmpi slt, %add3A_39, %lt3A_40 : i32
      %convert_element_type3A_42 = arith.extui %lt3A_41 : i1 to i32
      %cond3A_43 = arith.constant 0 : i32
      %cond3A_44 = arith.cmpi ne, %convert_element_type3A_42, %cond3A_43 : i32
      scf.if %cond3A_44 {
        %add3A_78 = arith.constant 4 : i32
        %add3A_79 = arith.addi %add3A_34, %add3A_78 : i32
        %add3A_80 = arith.constant 0 : i32
        %add3A_81 = arith.addi %add3A_79, %add3A_80 : i32
        %mul3A_82 = arith.constant 256 : i32
        %mul3A_83 = arith.muli %add3A_81, %mul3A_82 : i32
        %add3A_84 = arith.addi %mul3A_2, %mul3A_83 : i32
        %dma_start3A_85 = tpu.memref_slice %arg2[%add3A_84] : memref<327680xi32, #tpu.memory_space<hbm>> -> memref<256xi32, #tpu.memory_space<hbm>>
        %dma_start3A_86 = tpu.memref_slice %arg2[%add3A_84] : memref<327680xi32, #tpu.memory_space<hbm>> -> memref<256xi32, #tpu.memory_space<hbm>>
        tpu.enqueue_dma source(%dma_start3A_86 : memref<256xi32, #tpu.memory_space<hbm>>) target(%arg8 : memref<256xi32, #tpu.memory_space<vmem>>) target_semaphore(%arg12 : memref<!tpu.dma_semaphore, #tpu.memory_space<semaphore_mem>>)
      } else {
      }
      %dma_wait3A_45 = tpu.memref_slice %arg2[%mul3A_2] : memref<327680xi32, #tpu.memory_space<hbm>> -> memref<256xi32, #tpu.memory_space<hbm>>
      %dma_wait3A_46 = tpu.memref_slice %arg2[%mul3A_2] : memref<327680xi32, #tpu.memory_space<hbm>> -> memref<256xi32, #tpu.memory_space<hbm>>
      tpu.wait_dma2 semaphore(%arg13 : memref<!tpu.dma_semaphore, #tpu.memory_space<semaphore_mem>>) src(%dma_wait3A_46 : memref<256xi32, #tpu.memory_space<hbm>>) dst(%arg9 : memref<256xi32, #tpu.memory_space<vmem>>)
      "tpu.region"() ({
        %run_scoped3A = tpu.sem_alloc : memref<!tpu.dma_semaphore, #tpu.memory_space<semaphore_mem>>
        %dma_start3A_78 = arith.constant 0 : i32
        %dma_start3A_79 = arith.constant 0 : i32
        %dma_start3A_80 = tpu.memref_slice %arg6[%dma_start3A_78, %dma_start3A_79] : memref<10008x16xf32, #tpu.memory_space<vmem_shared>> -> memref<10008x16xf32, #tpu.memory_space<vmem_shared>>
        tpu.enqueue_indirect_dma source(%arg7 : memref<256x16xf32, #tpu.memory_space<vmem>>) target(%dma_start3A_80 : memref<10008x16xf32, #tpu.memory_space<vmem_shared>>) offsets(%arg9 : memref<256xi32, #tpu.memory_space<vmem>>) semaphore(%run_scoped3A : memref<!tpu.dma_semaphore, #tpu.memory_space<semaphore_mem>>) {add = true}
        %dma_wait3A_81 = arith.constant 0 : i32
        %dma_wait3A_82 = arith.constant 0 : i32
        %dma_wait3A_83 = tpu.memref_slice %arg6[%dma_wait3A_81, %dma_wait3A_82] : memref<10008x16xf32, #tpu.memory_space<vmem_shared>> -> memref<10008x16xf32, #tpu.memory_space<vmem_shared>>
        tpu.wait_indirect_dma semaphore(%run_scoped3A : memref<!tpu.dma_semaphore, #tpu.memory_space<semaphore_mem>>) src(%arg7 : memref<256x16xf32, #tpu.memory_space<vmem>>) dst(%dma_wait3A_83 : memref<10008x16xf32, #tpu.memory_space<vmem_shared>>)
        tpu.yield
      }) : () -> ()
      %add3A_47 = arith.constant 4 : i32
      %add3A_48 = arith.addi %add3A_34, %add3A_47 : i32
      %add3A_49 = arith.constant 1 : i32
      %add3A_50 = arith.addi %add3A_48, %add3A_49 : i32
      %lt3A_51 = arith.constant 40 : i32
      %lt3A_52 = arith.cmpi slt, %add3A_50, %lt3A_51 : i32
      %convert_element_type3A_53 = arith.extui %lt3A_52 : i1 to i32
      %cond3A_54 = arith.constant 0 : i32
      %cond3A_55 = arith.cmpi ne, %convert_element_type3A_53, %cond3A_54 : i32
      scf.if %cond3A_55 {
        %add3A_78 = arith.constant 4 : i32
        %add3A_79 = arith.addi %add3A_34, %add3A_78 : i32
        %add3A_80 = arith.constant 1 : i32
        %add3A_81 = arith.addi %add3A_79, %add3A_80 : i32
        %mul3A_82 = arith.constant 256 : i32
        %mul3A_83 = arith.muli %add3A_81, %mul3A_82 : i32
        %add3A_84 = arith.addi %mul3A_2, %mul3A_83 : i32
        %dma_start3A_85 = tpu.memref_slice %arg2[%add3A_84] : memref<327680xi32, #tpu.memory_space<hbm>> -> memref<256xi32, #tpu.memory_space<hbm>>
        %dma_start3A_86 = tpu.memref_slice %arg2[%add3A_84] : memref<327680xi32, #tpu.memory_space<hbm>> -> memref<256xi32, #tpu.memory_space<hbm>>
        tpu.enqueue_dma source(%dma_start3A_86 : memref<256xi32, #tpu.memory_space<hbm>>) target(%arg9 : memref<256xi32, #tpu.memory_space<vmem>>) target_semaphore(%arg13 : memref<!tpu.dma_semaphore, #tpu.memory_space<semaphore_mem>>)
      } else {
      }
      %dma_wait3A_56 = tpu.memref_slice %arg2[%mul3A_2] : memref<327680xi32, #tpu.memory_space<hbm>> -> memref<256xi32, #tpu.memory_space<hbm>>
      %dma_wait3A_57 = tpu.memref_slice %arg2[%mul3A_2] : memref<327680xi32, #tpu.memory_space<hbm>> -> memref<256xi32, #tpu.memory_space<hbm>>
      tpu.wait_dma2 semaphore(%arg14 : memref<!tpu.dma_semaphore, #tpu.memory_space<semaphore_mem>>) src(%dma_wait3A_57 : memref<256xi32, #tpu.memory_space<hbm>>) dst(%arg10 : memref<256xi32, #tpu.memory_space<vmem>>)
      "tpu.region"() ({
        %run_scoped3A = tpu.sem_alloc : memref<!tpu.dma_semaphore, #tpu.memory_space<semaphore_mem>>
        %dma_start3A_78 = arith.constant 0 : i32
        %dma_start3A_79 = arith.constant 0 : i32
        %dma_start3A_80 = tpu.memref_slice %arg6[%dma_start3A_78, %dma_start3A_79] : memref<10008x16xf32, #tpu.memory_space<vmem_shared>> -> memref<10008x16xf32, #tpu.memory_space<vmem_shared>>
        tpu.enqueue_indirect_dma source(%arg7 : memref<256x16xf32, #tpu.memory_space<vmem>>) target(%dma_start3A_80 : memref<10008x16xf32, #tpu.memory_space<vmem_shared>>) offsets(%arg10 : memref<256xi32, #tpu.memory_space<vmem>>) semaphore(%run_scoped3A : memref<!tpu.dma_semaphore, #tpu.memory_space<semaphore_mem>>) {add = true}
        %dma_wait3A_81 = arith.constant 0 : i32
        %dma_wait3A_82 = arith.constant 0 : i32
        %dma_wait3A_83 = tpu.memref_slice %arg6[%dma_wait3A_81, %dma_wait3A_82] : memref<10008x16xf32, #tpu.memory_space<vmem_shared>> -> memref<10008x16xf32, #tpu.memory_space<vmem_shared>>
        tpu.wait_indirect_dma semaphore(%run_scoped3A : memref<!tpu.dma_semaphore, #tpu.memory_space<semaphore_mem>>) src(%arg7 : memref<256x16xf32, #tpu.memory_space<vmem>>) dst(%dma_wait3A_83 : memref<10008x16xf32, #tpu.memory_space<vmem_shared>>)
        tpu.yield
      }) : () -> ()
      %add3A_58 = arith.constant 4 : i32
      %add3A_59 = arith.addi %add3A_34, %add3A_58 : i32
      %add3A_60 = arith.constant 2 : i32
      %add3A_61 = arith.addi %add3A_59, %add3A_60 : i32
      %lt3A_62 = arith.constant 40 : i32
      %lt3A_63 = arith.cmpi slt, %add3A_61, %lt3A_62 : i32
      %convert_element_type3A_64 = arith.extui %lt3A_63 : i1 to i32
      %cond3A_65 = arith.constant 0 : i32
      %cond3A_66 = arith.cmpi ne, %convert_element_type3A_64, %cond3A_65 : i32
      scf.if %cond3A_66 {
        %add3A_78 = arith.constant 4 : i32
        %add3A_79 = arith.addi %add3A_34, %add3A_78 : i32
        %add3A_80 = arith.constant 2 : i32
        %add3A_81 = arith.addi %add3A_79, %add3A_80 : i32
        %mul3A_82 = arith.constant 256 : i32
        %mul3A_83 = arith.muli %add3A_81, %mul3A_82 : i32
        %add3A_84 = arith.addi %mul3A_2, %mul3A_83 : i32
        %dma_start3A_85 = tpu.memref_slice %arg2[%add3A_84] : memref<327680xi32, #tpu.memory_space<hbm>> -> memref<256xi32, #tpu.memory_space<hbm>>
        %dma_start3A_86 = tpu.memref_slice %arg2[%add3A_84] : memref<327680xi32, #tpu.memory_space<hbm>> -> memref<256xi32, #tpu.memory_space<hbm>>
        tpu.enqueue_dma source(%dma_start3A_86 : memref<256xi32, #tpu.memory_space<hbm>>) target(%arg10 : memref<256xi32, #tpu.memory_space<vmem>>) target_semaphore(%arg14 : memref<!tpu.dma_semaphore, #tpu.memory_space<semaphore_mem>>)
      } else {
      }
      %dma_wait3A_67 = tpu.memref_slice %arg2[%mul3A_2] : memref<327680xi32, #tpu.memory_space<hbm>> -> memref<256xi32, #tpu.memory_space<hbm>>
      %dma_wait3A_68 = tpu.memref_slice %arg2[%mul3A_2] : memref<327680xi32, #tpu.memory_space<hbm>> -> memref<256xi32, #tpu.memory_space<hbm>>
      tpu.wait_dma2 semaphore(%arg15 : memref<!tpu.dma_semaphore, #tpu.memory_space<semaphore_mem>>) src(%dma_wait3A_68 : memref<256xi32, #tpu.memory_space<hbm>>) dst(%arg11 : memref<256xi32, #tpu.memory_space<vmem>>)
      "tpu.region"() ({
        %run_scoped3A = tpu.sem_alloc : memref<!tpu.dma_semaphore, #tpu.memory_space<semaphore_mem>>
        %dma_start3A_78 = arith.constant 0 : i32
        %dma_start3A_79 = arith.constant 0 : i32
        %dma_start3A_80 = tpu.memref_slice %arg6[%dma_start3A_78, %dma_start3A_79] : memref<10008x16xf32, #tpu.memory_space<vmem_shared>> -> memref<10008x16xf32, #tpu.memory_space<vmem_shared>>
        tpu.enqueue_indirect_dma source(%arg7 : memref<256x16xf32, #tpu.memory_space<vmem>>) target(%dma_start3A_80 : memref<10008x16xf32, #tpu.memory_space<vmem_shared>>) offsets(%arg11 : memref<256xi32, #tpu.memory_space<vmem>>) semaphore(%run_scoped3A : memref<!tpu.dma_semaphore, #tpu.memory_space<semaphore_mem>>) {add = true}
        %dma_wait3A_81 = arith.constant 0 : i32
        %dma_wait3A_82 = arith.constant 0 : i32
        %dma_wait3A_83 = tpu.memref_slice %arg6[%dma_wait3A_81, %dma_wait3A_82] : memref<10008x16xf32, #tpu.memory_space<vmem_shared>> -> memref<10008x16xf32, #tpu.memory_space<vmem_shared>>
        tpu.wait_indirect_dma semaphore(%run_scoped3A : memref<!tpu.dma_semaphore, #tpu.memory_space<semaphore_mem>>) src(%arg7 : memref<256x16xf32, #tpu.memory_space<vmem>>) dst(%dma_wait3A_83 : memref<10008x16xf32, #tpu.memory_space<vmem_shared>>)
        tpu.yield
      }) : () -> ()
      %add3A_69 = arith.constant 4 : i32
      %add3A_70 = arith.addi %add3A_34, %add3A_69 : i32
      %add3A_71 = arith.constant 3 : i32
      %add3A_72 = arith.addi %add3A_70, %add3A_71 : i32
      %lt3A_73 = arith.constant 40 : i32
      %lt3A_74 = arith.cmpi slt, %add3A_72, %lt3A_73 : i32
      %convert_element_type3A_75 = arith.extui %lt3A_74 : i1 to i32
      %cond3A_76 = arith.constant 0 : i32
      %cond3A_77 = arith.cmpi ne, %convert_element_type3A_75, %cond3A_76 : i32
      scf.if %cond3A_77 {
        %add3A_78 = arith.constant 4 : i32
        %add3A_79 = arith.addi %add3A_34, %add3A_78 : i32
        %add3A_80 = arith.constant 3 : i32
        %add3A_81 = arith.addi %add3A_79, %add3A_80 : i32
        %mul3A_82 = arith.constant 256 : i32
        %mul3A_83 = arith.muli %add3A_81, %mul3A_82 : i32
        %add3A_84 = arith.addi %mul3A_2, %mul3A_83 : i32
        %dma_start3A_85 = tpu.memref_slice %arg2[%add3A_84] : memref<327680xi32, #tpu.memory_space<hbm>> -> memref<256xi32, #tpu.memory_space<hbm>>
        %dma_start3A_86 = tpu.memref_slice %arg2[%add3A_84] : memref<327680xi32, #tpu.memory_space<hbm>> -> memref<256xi32, #tpu.memory_space<hbm>>
        tpu.enqueue_dma source(%dma_start3A_86 : memref<256xi32, #tpu.memory_space<hbm>>) target(%arg11 : memref<256xi32, #tpu.memory_space<vmem>>) target_semaphore(%arg15 : memref<!tpu.dma_semaphore, #tpu.memory_space<semaphore_mem>>)
      } else {
      }
    }
    %scan3A_23 = arith.constant 10 : i32
    %barrier3A_24 = arith.constant 0 : index
    tpu.barrier barrier_id(%barrier3A_24)
    %lt3A_25 = arith.constant 10 : i32
    %lt3A_26 = arith.cmpi slt, %arg1, %lt3A_25 : i32
    %convert_element_type3A_27 = arith.extui %lt3A_26 : i1 to i32
    %cond3A_28 = arith.constant 0 : i32
    %cond3A_29 = arith.cmpi ne, %convert_element_type3A_27, %cond3A_28 : i32
    scf.if %cond3A_29 {
      %mul3A_30 = arith.constant 1000 : i32
      %mul3A_31 = arith.muli %arg1, %mul3A_30 : i32
      %mul3A_32 = arith.constant 1000 : i32
      %mul3A_33 = arith.muli %arg1, %mul3A_32 : i32
      "tpu.region"() ({
        %run_scoped3A = tpu.sem_alloc : memref<!tpu.dma_semaphore, #tpu.memory_space<semaphore_mem>>
        %dma_start3A_34 = arith.constant 0 : i32
        %dma_start3A_35 = arith.constant 0 : i32
        %dma_start3A_36 = tpu.memref_slice %arg5[%arg0, %dma_start3A_34, %dma_start3A_35] : memref<2x10000x16xf32, #tpu.memory_space<hbm>> -> memref<1x10000x16xf32, #tpu.memory_space<hbm>>
        %dma_start3A_37 = tpu.memref_squeeze %dma_start3A_36 : memref<1x10000x16xf32, #tpu.memory_space<hbm>> -> memref<10000x16xf32, #tpu.memory_space<hbm>>
        %dma_start3A_38 = arith.constant 0 : i32
        %dma_start3A_39 = tpu.memref_slice %dma_start3A_37[%mul3A_33, %dma_start3A_38] : memref<10000x16xf32, #tpu.memory_space<hbm>> -> memref<1000x16xf32, #tpu.memory_space<hbm>>
        %dma_start3A_40 = arith.constant 0 : i32
        %dma_start3A_41 = tpu.memref_slice %arg6[%mul3A_31, %dma_start3A_40] : memref<10008x16xf32, #tpu.memory_space<vmem_shared>> -> memref<1000x16xf32, #tpu.memory_space<vmem_shared>>
        tpu.enqueue_dma source(%dma_start3A_41 : memref<1000x16xf32, #tpu.memory_space<vmem_shared>>) target(%dma_start3A_39 : memref<1000x16xf32, #tpu.memory_space<hbm>>) target_semaphore(%run_scoped3A : memref<!tpu.dma_semaphore, #tpu.memory_space<semaphore_mem>>)
        %dma_wait3A = arith.constant 0 : i32
        %dma_wait3A_42 = arith.constant 0 : i32
        %dma_wait3A_43 = tpu.memref_slice %arg5[%arg0, %dma_wait3A, %dma_wait3A_42] : memref<2x10000x16xf32, #tpu.memory_space<hbm>> -> memref<1x10000x16xf32, #tpu.memory_space<hbm>>
        %dma_wait3A_44 = tpu.memref_squeeze %dma_wait3A_43 : memref<1x10000x16xf32, #tpu.memory_space<hbm>> -> memref<10000x16xf32, #tpu.memory_space<hbm>>
        %dma_wait3A_45 = arith.constant 0 : i32
        %dma_wait3A_46 = tpu.memref_slice %dma_wait3A_44[%mul3A_33, %dma_wait3A_45] : memref<10000x16xf32, #tpu.memory_space<hbm>> -> memref<1000x16xf32, #tpu.memory_space<hbm>>
        %dma_wait3A_47 = arith.constant 0 : i32
        %dma_wait3A_48 = tpu.memref_slice %arg6[%mul3A_31, %dma_wait3A_47] : memref<10008x16xf32, #tpu.memory_space<vmem_shared>> -> memref<1000x16xf32, #tpu.memory_space<vmem_shared>>
        tpu.wait_dma2 semaphore(%run_scoped3A : memref<!tpu.dma_semaphore, #tpu.memory_space<semaphore_mem>>) src(%dma_wait3A_48 : memref<1000x16xf32, #tpu.memory_space<vmem_shared>>) dst(%dma_wait3A_46 : memref<1000x16xf32, #tpu.memory_space<hbm>>)
        tpu.yield
      }) : () -> ()
    } else {
    }
    return
  }
}

#map = affine_map<(d0, d1) -> (0, 0)>
#map1 = affine_map<(d0, d1) -> (0)>
#map2 = affine_map<(d0, d1) -> (0, 0, 0)>
module attributes {stable_mosaic.version = 14 : i64} {
  func.func @agg_kernel(%arg0: i32, %arg1: i32, %arg2: memref<10000x128xf32, #tpu.memory_space<hbm>>, %arg3: memref<327680xi32, #tpu.memory_space<hbm>>, %arg4: memref<327680xi32, #tpu.memory_space<hbm>>, %arg5: memref<10000x128xf32, #tpu.memory_space<hbm>>, %arg6: memref<2x10000x128xf32, #tpu.memory_space<hbm>>, %arg7: memref<10008x128xf32, #tpu.memory_space<vmem_shared>>, %arg8: memref<256x128xf32, #tpu.memory_space<vmem>>, %arg9: memref<256xi32, #tpu.memory_space<vmem>>, %arg10: memref<256xi32, #tpu.memory_space<vmem>>, %arg11: memref<256xi32, #tpu.memory_space<vmem>>, %arg12: memref<256xi32, #tpu.memory_space<vmem>>, %arg13: memref<256xi32, #tpu.memory_space<vmem>>, %arg14: memref<256xi32, #tpu.memory_space<vmem>>, %arg15: memref<256xi32, #tpu.memory_space<vmem>>, %arg16: memref<256xi32, #tpu.memory_space<vmem>>, %arg17: memref<!tpu.dma_semaphore, #tpu.memory_space<semaphore_mem>>, %arg18: memref<!tpu.dma_semaphore, #tpu.memory_space<semaphore_mem>>, %arg19: memref<!tpu.dma_semaphore, #tpu.memory_space<semaphore_mem>>, %arg20: memref<!tpu.dma_semaphore, #tpu.memory_space<semaphore_mem>>, %arg21: memref<!tpu.dma_semaphore, #tpu.memory_space<semaphore_mem>>, %arg22: memref<!tpu.dma_semaphore, #tpu.memory_space<semaphore_mem>>, %arg23: memref<!tpu.dma_semaphore, #tpu.memory_space<semaphore_mem>>, %arg24: memref<!tpu.dma_semaphore, #tpu.memory_space<semaphore_mem>>) attributes {dimension_semantics = [#tpu.dimension_semantics<core_parallel>, #tpu.dimension_semantics<subcore_parallel>], iteration_bounds = array<i64: 2, 16>, scalar_prefetch = 0 : i64, scratch_operands = 18 : i64, tpu.core_type = #tpu.core_type<sc_vector_subcore>, window_params = [{transform_indices = #map}, {transform_indices = #map1}, {transform_indices = #map1}, {transform_indices = #map}, {transform_indices = #map2}]} {
    %mul3A = arith.constant 16 : i32
    %mul3A_0 = arith.muli %arg0, %mul3A : i32
    %add3A = arith.addi %mul3A_0, %arg1 : i32
    %mul3A_1 = arith.constant 10240 : i32
    %mul3A_2 = arith.muli %add3A, %mul3A_1 : i32
    %lt3A = arith.constant 10 : i32
    %lt3A_3 = arith.cmpi slt, %arg1, %lt3A : i32
    %convert_element_type3A = arith.extui %lt3A_3 : i1 to i32
    %cond3A = arith.constant 0 : i32
    %cond3A_4 = arith.cmpi ne, %convert_element_type3A, %cond3A : i32
    scf.if %cond3A_4 {
      %mul3A_46 = arith.constant 1000 : i32
      %mul3A_47 = arith.muli %arg1, %mul3A_46 : i32
      %mul3A_48 = arith.constant 1000 : i32
      %mul3A_49 = arith.muli %arg1, %mul3A_48 : i32
      "tpu.region"() ({
        %run_scoped3A = tpu.sem_alloc : memref<!tpu.dma_semaphore, #tpu.memory_space<semaphore_mem>>
        %dma_start3A_50 = arith.constant 0 : i32
        %dma_start3A_51 = tpu.memref_slice %arg7[%mul3A_49, %dma_start3A_50] : memref<10008x128xf32, #tpu.memory_space<vmem_shared>> -> memref<1000x128xf32, #tpu.memory_space<vmem_shared>>
        %dma_start3A_52 = arith.constant 0 : i32
        %dma_start3A_53 = tpu.memref_slice %arg5[%mul3A_47, %dma_start3A_52] : memref<10000x128xf32, #tpu.memory_space<hbm>> -> memref<1000x128xf32, #tpu.memory_space<hbm>>
        tpu.enqueue_dma source(%dma_start3A_53 : memref<1000x128xf32, #tpu.memory_space<hbm>>) target(%dma_start3A_51 : memref<1000x128xf32, #tpu.memory_space<vmem_shared>>) target_semaphore(%run_scoped3A : memref<!tpu.dma_semaphore, #tpu.memory_space<semaphore_mem>>)
        %dma_wait3A = arith.constant 0 : i32
        %dma_wait3A_54 = tpu.memref_slice %arg7[%mul3A_49, %dma_wait3A] : memref<10008x128xf32, #tpu.memory_space<vmem_shared>> -> memref<1000x128xf32, #tpu.memory_space<vmem_shared>>
        %dma_wait3A_55 = arith.constant 0 : i32
        %dma_wait3A_56 = tpu.memref_slice %arg5[%mul3A_47, %dma_wait3A_55] : memref<10000x128xf32, #tpu.memory_space<hbm>> -> memref<1000x128xf32, #tpu.memory_space<hbm>>
        tpu.wait_dma2 semaphore(%run_scoped3A : memref<!tpu.dma_semaphore, #tpu.memory_space<semaphore_mem>>) src(%dma_wait3A_56 : memref<1000x128xf32, #tpu.memory_space<hbm>>) dst(%dma_wait3A_54 : memref<1000x128xf32, #tpu.memory_space<vmem_shared>>)
        tpu.yield
      }) : () -> ()
    } else {
    }
    %add3A_5 = arith.constant 0 : i32
    %add3A_6 = arith.addi %mul3A_2, %add3A_5 : i32
    %dma_start3A = tpu.memref_slice %arg3[%add3A_6] : memref<327680xi32, #tpu.memory_space<hbm>> -> memref<256xi32, #tpu.memory_space<hbm>>
    %dma_start3A_7 = tpu.memref_slice %arg3[%add3A_6] : memref<327680xi32, #tpu.memory_space<hbm>> -> memref<256xi32, #tpu.memory_space<hbm>>
    tpu.enqueue_dma source(%dma_start3A_7 : memref<256xi32, #tpu.memory_space<hbm>>) target(%arg9 : memref<256xi32, #tpu.memory_space<vmem>>) target_semaphore(%arg17 : memref<!tpu.dma_semaphore, #tpu.memory_space<semaphore_mem>>)
    %add3A_8 = arith.constant 0 : i32
    %add3A_9 = arith.addi %mul3A_2, %add3A_8 : i32
    %dma_start3A_10 = tpu.memref_slice %arg4[%add3A_9] : memref<327680xi32, #tpu.memory_space<hbm>> -> memref<256xi32, #tpu.memory_space<hbm>>
    %dma_start3A_11 = tpu.memref_slice %arg4[%add3A_9] : memref<327680xi32, #tpu.memory_space<hbm>> -> memref<256xi32, #tpu.memory_space<hbm>>
    tpu.enqueue_dma source(%dma_start3A_11 : memref<256xi32, #tpu.memory_space<hbm>>) target(%arg13 : memref<256xi32, #tpu.memory_space<vmem>>) target_semaphore(%arg21 : memref<!tpu.dma_semaphore, #tpu.memory_space<semaphore_mem>>)
    %add3A_12 = arith.constant 256 : i32
    %add3A_13 = arith.addi %mul3A_2, %add3A_12 : i32
    %dma_start3A_14 = tpu.memref_slice %arg3[%add3A_13] : memref<327680xi32, #tpu.memory_space<hbm>> -> memref<256xi32, #tpu.memory_space<hbm>>
    %dma_start3A_15 = tpu.memref_slice %arg3[%add3A_13] : memref<327680xi32, #tpu.memory_space<hbm>> -> memref<256xi32, #tpu.memory_space<hbm>>
    tpu.enqueue_dma source(%dma_start3A_15 : memref<256xi32, #tpu.memory_space<hbm>>) target(%arg10 : memref<256xi32, #tpu.memory_space<vmem>>) target_semaphore(%arg18 : memref<!tpu.dma_semaphore, #tpu.memory_space<semaphore_mem>>)
    %add3A_16 = arith.constant 256 : i32
    %add3A_17 = arith.addi %mul3A_2, %add3A_16 : i32
    %dma_start3A_18 = tpu.memref_slice %arg4[%add3A_17] : memref<327680xi32, #tpu.memory_space<hbm>> -> memref<256xi32, #tpu.memory_space<hbm>>
    %dma_start3A_19 = tpu.memref_slice %arg4[%add3A_17] : memref<327680xi32, #tpu.memory_space<hbm>> -> memref<256xi32, #tpu.memory_space<hbm>>
    tpu.enqueue_dma source(%dma_start3A_19 : memref<256xi32, #tpu.memory_space<hbm>>) target(%arg14 : memref<256xi32, #tpu.memory_space<vmem>>) target_semaphore(%arg22 : memref<!tpu.dma_semaphore, #tpu.memory_space<semaphore_mem>>)
    %add3A_20 = arith.constant 512 : i32
    %add3A_21 = arith.addi %mul3A_2, %add3A_20 : i32
    %dma_start3A_22 = tpu.memref_slice %arg3[%add3A_21] : memref<327680xi32, #tpu.memory_space<hbm>> -> memref<256xi32, #tpu.memory_space<hbm>>
    %dma_start3A_23 = tpu.memref_slice %arg3[%add3A_21] : memref<327680xi32, #tpu.memory_space<hbm>> -> memref<256xi32, #tpu.memory_space<hbm>>
    tpu.enqueue_dma source(%dma_start3A_23 : memref<256xi32, #tpu.memory_space<hbm>>) target(%arg11 : memref<256xi32, #tpu.memory_space<vmem>>) target_semaphore(%arg19 : memref<!tpu.dma_semaphore, #tpu.memory_space<semaphore_mem>>)
    %add3A_24 = arith.constant 512 : i32
    %add3A_25 = arith.addi %mul3A_2, %add3A_24 : i32
    %dma_start3A_26 = tpu.memref_slice %arg4[%add3A_25] : memref<327680xi32, #tpu.memory_space<hbm>> -> memref<256xi32, #tpu.memory_space<hbm>>
    %dma_start3A_27 = tpu.memref_slice %arg4[%add3A_25] : memref<327680xi32, #tpu.memory_space<hbm>> -> memref<256xi32, #tpu.memory_space<hbm>>
    tpu.enqueue_dma source(%dma_start3A_27 : memref<256xi32, #tpu.memory_space<hbm>>) target(%arg15 : memref<256xi32, #tpu.memory_space<vmem>>) target_semaphore(%arg23 : memref<!tpu.dma_semaphore, #tpu.memory_space<semaphore_mem>>)
    %add3A_28 = arith.constant 768 : i32
    %add3A_29 = arith.addi %mul3A_2, %add3A_28 : i32
    %dma_start3A_30 = tpu.memref_slice %arg3[%add3A_29] : memref<327680xi32, #tpu.memory_space<hbm>> -> memref<256xi32, #tpu.memory_space<hbm>>
    %dma_start3A_31 = tpu.memref_slice %arg3[%add3A_29] : memref<327680xi32, #tpu.memory_space<hbm>> -> memref<256xi32, #tpu.memory_space<hbm>>
    tpu.enqueue_dma source(%dma_start3A_31 : memref<256xi32, #tpu.memory_space<hbm>>) target(%arg12 : memref<256xi32, #tpu.memory_space<vmem>>) target_semaphore(%arg20 : memref<!tpu.dma_semaphore, #tpu.memory_space<semaphore_mem>>)
    %add3A_32 = arith.constant 768 : i32
    %add3A_33 = arith.addi %mul3A_2, %add3A_32 : i32
    %dma_start3A_34 = tpu.memref_slice %arg4[%add3A_33] : memref<327680xi32, #tpu.memory_space<hbm>> -> memref<256xi32, #tpu.memory_space<hbm>>
    %dma_start3A_35 = tpu.memref_slice %arg4[%add3A_33] : memref<327680xi32, #tpu.memory_space<hbm>> -> memref<256xi32, #tpu.memory_space<hbm>>
    tpu.enqueue_dma source(%dma_start3A_35 : memref<256xi32, #tpu.memory_space<hbm>>) target(%arg16 : memref<256xi32, #tpu.memory_space<vmem>>) target_semaphore(%arg24 : memref<!tpu.dma_semaphore, #tpu.memory_space<semaphore_mem>>)
    %barrier3A = arith.constant 0 : index
    tpu.barrier barrier_id(%barrier3A)
    %scan3A = arith.constant 0 : i32
    %scan3A_36 = arith.constant 10 : i32
    %scan3A_37 = arith.addi %scan3A, %scan3A_36 : i32
    %scan3A_38 = arith.constant 1 : i32
    scf.for %scan3A_46 = %scan3A to %scan3A_37 step %scan3A_38  : i32 {
      %mul3A_47 = arith.constant 4 : i32
      %mul3A_48 = arith.muli %scan3A_46, %mul3A_47 : i32
      %add3A_49 = arith.constant 0 : i32
      %add3A_50 = arith.addi %add3A_49, %mul3A_48 : i32
      %add3A_51 = arith.constant 0 : i32
      %add3A_52 = arith.addi %add3A_50, %add3A_51 : i32
      %dma_wait3A = tpu.memref_slice %arg3[%mul3A_2] : memref<327680xi32, #tpu.memory_space<hbm>> -> memref<256xi32, #tpu.memory_space<hbm>>
      %dma_wait3A_53 = tpu.memref_slice %arg3[%mul3A_2] : memref<327680xi32, #tpu.memory_space<hbm>> -> memref<256xi32, #tpu.memory_space<hbm>>
      tpu.wait_dma2 semaphore(%arg17 : memref<!tpu.dma_semaphore, #tpu.memory_space<semaphore_mem>>) src(%dma_wait3A_53 : memref<256xi32, #tpu.memory_space<hbm>>) dst(%arg9 : memref<256xi32, #tpu.memory_space<vmem>>)
      %dma_wait3A_54 = tpu.memref_slice %arg4[%mul3A_2] : memref<327680xi32, #tpu.memory_space<hbm>> -> memref<256xi32, #tpu.memory_space<hbm>>
      %dma_wait3A_55 = tpu.memref_slice %arg4[%mul3A_2] : memref<327680xi32, #tpu.memory_space<hbm>> -> memref<256xi32, #tpu.memory_space<hbm>>
      tpu.wait_dma2 semaphore(%arg21 : memref<!tpu.dma_semaphore, #tpu.memory_space<semaphore_mem>>) src(%dma_wait3A_55 : memref<256xi32, #tpu.memory_space<hbm>>) dst(%arg13 : memref<256xi32, #tpu.memory_space<vmem>>)
      "tpu.region"() ({
        %run_scoped3A = tpu.sem_alloc : memref<!tpu.dma_semaphore, #tpu.memory_space<semaphore_mem>>
        %dma_start3A_102 = arith.constant 0 : i32
        %dma_start3A_103 = arith.constant 0 : i32
        %dma_start3A_104 = tpu.memref_slice %arg2[%dma_start3A_102, %dma_start3A_103] : memref<10000x128xf32, #tpu.memory_space<hbm>> -> memref<10000x128xf32, #tpu.memory_space<hbm>>
        tpu.enqueue_indirect_dma source(%dma_start3A_104 : memref<10000x128xf32, #tpu.memory_space<hbm>>) target(%arg8 : memref<256x128xf32, #tpu.memory_space<vmem>>) offsets(%arg9 : memref<256xi32, #tpu.memory_space<vmem>>) semaphore(%run_scoped3A : memref<!tpu.dma_semaphore, #tpu.memory_space<semaphore_mem>>)
        %dma_wait3A_105 = arith.constant 0 : i32
        %dma_wait3A_106 = arith.constant 0 : i32
        %dma_wait3A_107 = tpu.memref_slice %arg2[%dma_wait3A_105, %dma_wait3A_106] : memref<10000x128xf32, #tpu.memory_space<hbm>> -> memref<10000x128xf32, #tpu.memory_space<hbm>>
        tpu.wait_indirect_dma semaphore(%run_scoped3A : memref<!tpu.dma_semaphore, #tpu.memory_space<semaphore_mem>>) src(%dma_wait3A_107 : memref<10000x128xf32, #tpu.memory_space<hbm>>) dst(%arg8 : memref<256x128xf32, #tpu.memory_space<vmem>>)
        tpu.yield
      }) : () -> ()
      "tpu.region"() ({
        %run_scoped3A = tpu.sem_alloc : memref<!tpu.dma_semaphore, #tpu.memory_space<semaphore_mem>>
        %dma_start3A_102 = arith.constant 0 : i32
        %dma_start3A_103 = arith.constant 0 : i32
        %dma_start3A_104 = tpu.memref_slice %arg7[%dma_start3A_102, %dma_start3A_103] : memref<10008x128xf32, #tpu.memory_space<vmem_shared>> -> memref<10008x128xf32, #tpu.memory_space<vmem_shared>>
        tpu.enqueue_indirect_dma source(%arg8 : memref<256x128xf32, #tpu.memory_space<vmem>>) target(%dma_start3A_104 : memref<10008x128xf32, #tpu.memory_space<vmem_shared>>) offsets(%arg13 : memref<256xi32, #tpu.memory_space<vmem>>) semaphore(%run_scoped3A : memref<!tpu.dma_semaphore, #tpu.memory_space<semaphore_mem>>) {add = true}
        %dma_wait3A_105 = arith.constant 0 : i32
        %dma_wait3A_106 = arith.constant 0 : i32
        %dma_wait3A_107 = tpu.memref_slice %arg7[%dma_wait3A_105, %dma_wait3A_106] : memref<10008x128xf32, #tpu.memory_space<vmem_shared>> -> memref<10008x128xf32, #tpu.memory_space<vmem_shared>>
        tpu.wait_indirect_dma semaphore(%run_scoped3A : memref<!tpu.dma_semaphore, #tpu.memory_space<semaphore_mem>>) src(%arg8 : memref<256x128xf32, #tpu.memory_space<vmem>>) dst(%dma_wait3A_107 : memref<10008x128xf32, #tpu.memory_space<vmem_shared>>)
        tpu.yield
      }) : () -> ()
      %add3A_56 = arith.constant 4 : i32
      %add3A_57 = arith.addi %add3A_52, %add3A_56 : i32
      %lt3A_58 = arith.constant 40 : i32
      %lt3A_59 = arith.cmpi slt, %add3A_57, %lt3A_58 : i32
      %convert_element_type3A_60 = arith.extui %lt3A_59 : i1 to i32
      %cond3A_61 = arith.constant 0 : i32
      %cond3A_62 = arith.cmpi ne, %convert_element_type3A_60, %cond3A_61 : i32
      scf.if %cond3A_62 {
        %add3A_102 = arith.constant 4 : i32
        %add3A_103 = arith.addi %add3A_52, %add3A_102 : i32
        %mul3A_104 = arith.constant 256 : i32
        %mul3A_105 = arith.muli %add3A_103, %mul3A_104 : i32
        %add3A_106 = arith.addi %mul3A_2, %mul3A_105 : i32
        %dma_start3A_107 = tpu.memref_slice %arg3[%add3A_106] : memref<327680xi32, #tpu.memory_space<hbm>> -> memref<256xi32, #tpu.memory_space<hbm>>
        %dma_start3A_108 = tpu.memref_slice %arg3[%add3A_106] : memref<327680xi32, #tpu.memory_space<hbm>> -> memref<256xi32, #tpu.memory_space<hbm>>
        tpu.enqueue_dma source(%dma_start3A_108 : memref<256xi32, #tpu.memory_space<hbm>>) target(%arg9 : memref<256xi32, #tpu.memory_space<vmem>>) target_semaphore(%arg17 : memref<!tpu.dma_semaphore, #tpu.memory_space<semaphore_mem>>)
        %add3A_109 = arith.constant 4 : i32
        %add3A_110 = arith.addi %add3A_52, %add3A_109 : i32
        %mul3A_111 = arith.constant 256 : i32
        %mul3A_112 = arith.muli %add3A_110, %mul3A_111 : i32
        %add3A_113 = arith.addi %mul3A_2, %mul3A_112 : i32
        %dma_start3A_114 = tpu.memref_slice %arg4[%add3A_113] : memref<327680xi32, #tpu.memory_space<hbm>> -> memref<256xi32, #tpu.memory_space<hbm>>
        %dma_start3A_115 = tpu.memref_slice %arg4[%add3A_113] : memref<327680xi32, #tpu.memory_space<hbm>> -> memref<256xi32, #tpu.memory_space<hbm>>
        tpu.enqueue_dma source(%dma_start3A_115 : memref<256xi32, #tpu.memory_space<hbm>>) target(%arg13 : memref<256xi32, #tpu.memory_space<vmem>>) target_semaphore(%arg21 : memref<!tpu.dma_semaphore, #tpu.memory_space<semaphore_mem>>)
      } else {
      }
      %add3A_63 = arith.constant 1 : i32
      %add3A_64 = arith.addi %add3A_50, %add3A_63 : i32
      %dma_wait3A_65 = tpu.memref_slice %arg3[%mul3A_2] : memref<327680xi32, #tpu.memory_space<hbm>> -> memref<256xi32, #tpu.memory_space<hbm>>
      %dma_wait3A_66 = tpu.memref_slice %arg3[%mul3A_2] : memref<327680xi32, #tpu.memory_space<hbm>> -> memref<256xi32, #tpu.memory_space<hbm>>
      tpu.wait_dma2 semaphore(%arg18 : memref<!tpu.dma_semaphore, #tpu.memory_space<semaphore_mem>>) src(%dma_wait3A_66 : memref<256xi32, #tpu.memory_space<hbm>>) dst(%arg10 : memref<256xi32, #tpu.memory_space<vmem>>)
      %dma_wait3A_67 = tpu.memref_slice %arg4[%mul3A_2] : memref<327680xi32, #tpu.memory_space<hbm>> -> memref<256xi32, #tpu.memory_space<hbm>>
      %dma_wait3A_68 = tpu.memref_slice %arg4[%mul3A_2] : memref<327680xi32, #tpu.memory_space<hbm>> -> memref<256xi32, #tpu.memory_space<hbm>>
      tpu.wait_dma2 semaphore(%arg22 : memref<!tpu.dma_semaphore, #tpu.memory_space<semaphore_mem>>) src(%dma_wait3A_68 : memref<256xi32, #tpu.memory_space<hbm>>) dst(%arg14 : memref<256xi32, #tpu.memory_space<vmem>>)
      "tpu.region"() ({
        %run_scoped3A = tpu.sem_alloc : memref<!tpu.dma_semaphore, #tpu.memory_space<semaphore_mem>>
        %dma_start3A_102 = arith.constant 0 : i32
        %dma_start3A_103 = arith.constant 0 : i32
        %dma_start3A_104 = tpu.memref_slice %arg2[%dma_start3A_102, %dma_start3A_103] : memref<10000x128xf32, #tpu.memory_space<hbm>> -> memref<10000x128xf32, #tpu.memory_space<hbm>>
        tpu.enqueue_indirect_dma source(%dma_start3A_104 : memref<10000x128xf32, #tpu.memory_space<hbm>>) target(%arg8 : memref<256x128xf32, #tpu.memory_space<vmem>>) offsets(%arg10 : memref<256xi32, #tpu.memory_space<vmem>>) semaphore(%run_scoped3A : memref<!tpu.dma_semaphore, #tpu.memory_space<semaphore_mem>>)
        %dma_wait3A_105 = arith.constant 0 : i32
        %dma_wait3A_106 = arith.constant 0 : i32
        %dma_wait3A_107 = tpu.memref_slice %arg2[%dma_wait3A_105, %dma_wait3A_106] : memref<10000x128xf32, #tpu.memory_space<hbm>> -> memref<10000x128xf32, #tpu.memory_space<hbm>>
        tpu.wait_indirect_dma semaphore(%run_scoped3A : memref<!tpu.dma_semaphore, #tpu.memory_space<semaphore_mem>>) src(%dma_wait3A_107 : memref<10000x128xf32, #tpu.memory_space<hbm>>) dst(%arg8 : memref<256x128xf32, #tpu.memory_space<vmem>>)
        tpu.yield
      }) : () -> ()
      "tpu.region"() ({
        %run_scoped3A = tpu.sem_alloc : memref<!tpu.dma_semaphore, #tpu.memory_space<semaphore_mem>>
        %dma_start3A_102 = arith.constant 0 : i32
        %dma_start3A_103 = arith.constant 0 : i32
        %dma_start3A_104 = tpu.memref_slice %arg7[%dma_start3A_102, %dma_start3A_103] : memref<10008x128xf32, #tpu.memory_space<vmem_shared>> -> memref<10008x128xf32, #tpu.memory_space<vmem_shared>>
        tpu.enqueue_indirect_dma source(%arg8 : memref<256x128xf32, #tpu.memory_space<vmem>>) target(%dma_start3A_104 : memref<10008x128xf32, #tpu.memory_space<vmem_shared>>) offsets(%arg14 : memref<256xi32, #tpu.memory_space<vmem>>) semaphore(%run_scoped3A : memref<!tpu.dma_semaphore, #tpu.memory_space<semaphore_mem>>) {add = true}
        %dma_wait3A_105 = arith.constant 0 : i32
        %dma_wait3A_106 = arith.constant 0 : i32
        %dma_wait3A_107 = tpu.memref_slice %arg7[%dma_wait3A_105, %dma_wait3A_106] : memref<10008x128xf32, #tpu.memory_space<vmem_shared>> -> memref<10008x128xf32, #tpu.memory_space<vmem_shared>>
        tpu.wait_indirect_dma semaphore(%run_scoped3A : memref<!tpu.dma_semaphore, #tpu.memory_space<semaphore_mem>>) src(%arg8 : memref<256x128xf32, #tpu.memory_space<vmem>>) dst(%dma_wait3A_107 : memref<10008x128xf32, #tpu.memory_space<vmem_shared>>)
        tpu.yield
      }) : () -> ()
      %add3A_69 = arith.constant 4 : i32
      %add3A_70 = arith.addi %add3A_64, %add3A_69 : i32
      %lt3A_71 = arith.constant 40 : i32
      %lt3A_72 = arith.cmpi slt, %add3A_70, %lt3A_71 : i32
      %convert_element_type3A_73 = arith.extui %lt3A_72 : i1 to i32
      %cond3A_74 = arith.constant 0 : i32
      %cond3A_75 = arith.cmpi ne, %convert_element_type3A_73, %cond3A_74 : i32
      scf.if %cond3A_75 {
        %add3A_102 = arith.constant 4 : i32
        %add3A_103 = arith.addi %add3A_64, %add3A_102 : i32
        %mul3A_104 = arith.constant 256 : i32
        %mul3A_105 = arith.muli %add3A_103, %mul3A_104 : i32
        %add3A_106 = arith.addi %mul3A_2, %mul3A_105 : i32
        %dma_start3A_107 = tpu.memref_slice %arg3[%add3A_106] : memref<327680xi32, #tpu.memory_space<hbm>> -> memref<256xi32, #tpu.memory_space<hbm>>
        %dma_start3A_108 = tpu.memref_slice %arg3[%add3A_106] : memref<327680xi32, #tpu.memory_space<hbm>> -> memref<256xi32, #tpu.memory_space<hbm>>
        tpu.enqueue_dma source(%dma_start3A_108 : memref<256xi32, #tpu.memory_space<hbm>>) target(%arg10 : memref<256xi32, #tpu.memory_space<vmem>>) target_semaphore(%arg18 : memref<!tpu.dma_semaphore, #tpu.memory_space<semaphore_mem>>)
        %add3A_109 = arith.constant 4 : i32
        %add3A_110 = arith.addi %add3A_64, %add3A_109 : i32
        %mul3A_111 = arith.constant 256 : i32
        %mul3A_112 = arith.muli %add3A_110, %mul3A_111 : i32
        %add3A_113 = arith.addi %mul3A_2, %mul3A_112 : i32
        %dma_start3A_114 = tpu.memref_slice %arg4[%add3A_113] : memref<327680xi32, #tpu.memory_space<hbm>> -> memref<256xi32, #tpu.memory_space<hbm>>
        %dma_start3A_115 = tpu.memref_slice %arg4[%add3A_113] : memref<327680xi32, #tpu.memory_space<hbm>> -> memref<256xi32, #tpu.memory_space<hbm>>
        tpu.enqueue_dma source(%dma_start3A_115 : memref<256xi32, #tpu.memory_space<hbm>>) target(%arg14 : memref<256xi32, #tpu.memory_space<vmem>>) target_semaphore(%arg22 : memref<!tpu.dma_semaphore, #tpu.memory_space<semaphore_mem>>)
      } else {
      }
      %add3A_76 = arith.constant 2 : i32
      %add3A_77 = arith.addi %add3A_50, %add3A_76 : i32
      %dma_wait3A_78 = tpu.memref_slice %arg3[%mul3A_2] : memref<327680xi32, #tpu.memory_space<hbm>> -> memref<256xi32, #tpu.memory_space<hbm>>
      %dma_wait3A_79 = tpu.memref_slice %arg3[%mul3A_2] : memref<327680xi32, #tpu.memory_space<hbm>> -> memref<256xi32, #tpu.memory_space<hbm>>
      tpu.wait_dma2 semaphore(%arg19 : memref<!tpu.dma_semaphore, #tpu.memory_space<semaphore_mem>>) src(%dma_wait3A_79 : memref<256xi32, #tpu.memory_space<hbm>>) dst(%arg11 : memref<256xi32, #tpu.memory_space<vmem>>)
      %dma_wait3A_80 = tpu.memref_slice %arg4[%mul3A_2] : memref<327680xi32, #tpu.memory_space<hbm>> -> memref<256xi32, #tpu.memory_space<hbm>>
      %dma_wait3A_81 = tpu.memref_slice %arg4[%mul3A_2] : memref<327680xi32, #tpu.memory_space<hbm>> -> memref<256xi32, #tpu.memory_space<hbm>>
      tpu.wait_dma2 semaphore(%arg23 : memref<!tpu.dma_semaphore, #tpu.memory_space<semaphore_mem>>) src(%dma_wait3A_81 : memref<256xi32, #tpu.memory_space<hbm>>) dst(%arg15 : memref<256xi32, #tpu.memory_space<vmem>>)
      "tpu.region"() ({
        %run_scoped3A = tpu.sem_alloc : memref<!tpu.dma_semaphore, #tpu.memory_space<semaphore_mem>>
        %dma_start3A_102 = arith.constant 0 : i32
        %dma_start3A_103 = arith.constant 0 : i32
        %dma_start3A_104 = tpu.memref_slice %arg2[%dma_start3A_102, %dma_start3A_103] : memref<10000x128xf32, #tpu.memory_space<hbm>> -> memref<10000x128xf32, #tpu.memory_space<hbm>>
        tpu.enqueue_indirect_dma source(%dma_start3A_104 : memref<10000x128xf32, #tpu.memory_space<hbm>>) target(%arg8 : memref<256x128xf32, #tpu.memory_space<vmem>>) offsets(%arg11 : memref<256xi32, #tpu.memory_space<vmem>>) semaphore(%run_scoped3A : memref<!tpu.dma_semaphore, #tpu.memory_space<semaphore_mem>>)
        %dma_wait3A_105 = arith.constant 0 : i32
        %dma_wait3A_106 = arith.constant 0 : i32
        %dma_wait3A_107 = tpu.memref_slice %arg2[%dma_wait3A_105, %dma_wait3A_106] : memref<10000x128xf32, #tpu.memory_space<hbm>> -> memref<10000x128xf32, #tpu.memory_space<hbm>>
        tpu.wait_indirect_dma semaphore(%run_scoped3A : memref<!tpu.dma_semaphore, #tpu.memory_space<semaphore_mem>>) src(%dma_wait3A_107 : memref<10000x128xf32, #tpu.memory_space<hbm>>) dst(%arg8 : memref<256x128xf32, #tpu.memory_space<vmem>>)
        tpu.yield
      }) : () -> ()
      "tpu.region"() ({
        %run_scoped3A = tpu.sem_alloc : memref<!tpu.dma_semaphore, #tpu.memory_space<semaphore_mem>>
        %dma_start3A_102 = arith.constant 0 : i32
        %dma_start3A_103 = arith.constant 0 : i32
        %dma_start3A_104 = tpu.memref_slice %arg7[%dma_start3A_102, %dma_start3A_103] : memref<10008x128xf32, #tpu.memory_space<vmem_shared>> -> memref<10008x128xf32, #tpu.memory_space<vmem_shared>>
        tpu.enqueue_indirect_dma source(%arg8 : memref<256x128xf32, #tpu.memory_space<vmem>>) target(%dma_start3A_104 : memref<10008x128xf32, #tpu.memory_space<vmem_shared>>) offsets(%arg15 : memref<256xi32, #tpu.memory_space<vmem>>) semaphore(%run_scoped3A : memref<!tpu.dma_semaphore, #tpu.memory_space<semaphore_mem>>) {add = true}
        %dma_wait3A_105 = arith.constant 0 : i32
        %dma_wait3A_106 = arith.constant 0 : i32
        %dma_wait3A_107 = tpu.memref_slice %arg7[%dma_wait3A_105, %dma_wait3A_106] : memref<10008x128xf32, #tpu.memory_space<vmem_shared>> -> memref<10008x128xf32, #tpu.memory_space<vmem_shared>>
        tpu.wait_indirect_dma semaphore(%run_scoped3A : memref<!tpu.dma_semaphore, #tpu.memory_space<semaphore_mem>>) src(%arg8 : memref<256x128xf32, #tpu.memory_space<vmem>>) dst(%dma_wait3A_107 : memref<10008x128xf32, #tpu.memory_space<vmem_shared>>)
        tpu.yield
      }) : () -> ()
      %add3A_82 = arith.constant 4 : i32
      %add3A_83 = arith.addi %add3A_77, %add3A_82 : i32
      %lt3A_84 = arith.constant 40 : i32
      %lt3A_85 = arith.cmpi slt, %add3A_83, %lt3A_84 : i32
      %convert_element_type3A_86 = arith.extui %lt3A_85 : i1 to i32
      %cond3A_87 = arith.constant 0 : i32
      %cond3A_88 = arith.cmpi ne, %convert_element_type3A_86, %cond3A_87 : i32
      scf.if %cond3A_88 {
        %add3A_102 = arith.constant 4 : i32
        %add3A_103 = arith.addi %add3A_77, %add3A_102 : i32
        %mul3A_104 = arith.constant 256 : i32
        %mul3A_105 = arith.muli %add3A_103, %mul3A_104 : i32
        %add3A_106 = arith.addi %mul3A_2, %mul3A_105 : i32
        %dma_start3A_107 = tpu.memref_slice %arg3[%add3A_106] : memref<327680xi32, #tpu.memory_space<hbm>> -> memref<256xi32, #tpu.memory_space<hbm>>
        %dma_start3A_108 = tpu.memref_slice %arg3[%add3A_106] : memref<327680xi32, #tpu.memory_space<hbm>> -> memref<256xi32, #tpu.memory_space<hbm>>
        tpu.enqueue_dma source(%dma_start3A_108 : memref<256xi32, #tpu.memory_space<hbm>>) target(%arg11 : memref<256xi32, #tpu.memory_space<vmem>>) target_semaphore(%arg19 : memref<!tpu.dma_semaphore, #tpu.memory_space<semaphore_mem>>)
        %add3A_109 = arith.constant 4 : i32
        %add3A_110 = arith.addi %add3A_77, %add3A_109 : i32
        %mul3A_111 = arith.constant 256 : i32
        %mul3A_112 = arith.muli %add3A_110, %mul3A_111 : i32
        %add3A_113 = arith.addi %mul3A_2, %mul3A_112 : i32
        %dma_start3A_114 = tpu.memref_slice %arg4[%add3A_113] : memref<327680xi32, #tpu.memory_space<hbm>> -> memref<256xi32, #tpu.memory_space<hbm>>
        %dma_start3A_115 = tpu.memref_slice %arg4[%add3A_113] : memref<327680xi32, #tpu.memory_space<hbm>> -> memref<256xi32, #tpu.memory_space<hbm>>
        tpu.enqueue_dma source(%dma_start3A_115 : memref<256xi32, #tpu.memory_space<hbm>>) target(%arg15 : memref<256xi32, #tpu.memory_space<vmem>>) target_semaphore(%arg23 : memref<!tpu.dma_semaphore, #tpu.memory_space<semaphore_mem>>)
      } else {
      }
      %add3A_89 = arith.constant 3 : i32
      %add3A_90 = arith.addi %add3A_50, %add3A_89 : i32
      %dma_wait3A_91 = tpu.memref_slice %arg3[%mul3A_2] : memref<327680xi32, #tpu.memory_space<hbm>> -> memref<256xi32, #tpu.memory_space<hbm>>
      %dma_wait3A_92 = tpu.memref_slice %arg3[%mul3A_2] : memref<327680xi32, #tpu.memory_space<hbm>> -> memref<256xi32, #tpu.memory_space<hbm>>
      tpu.wait_dma2 semaphore(%arg20 : memref<!tpu.dma_semaphore, #tpu.memory_space<semaphore_mem>>) src(%dma_wait3A_92 : memref<256xi32, #tpu.memory_space<hbm>>) dst(%arg12 : memref<256xi32, #tpu.memory_space<vmem>>)
      %dma_wait3A_93 = tpu.memref_slice %arg4[%mul3A_2] : memref<327680xi32, #tpu.memory_space<hbm>> -> memref<256xi32, #tpu.memory_space<hbm>>
      %dma_wait3A_94 = tpu.memref_slice %arg4[%mul3A_2] : memref<327680xi32, #tpu.memory_space<hbm>> -> memref<256xi32, #tpu.memory_space<hbm>>
      tpu.wait_dma2 semaphore(%arg24 : memref<!tpu.dma_semaphore, #tpu.memory_space<semaphore_mem>>) src(%dma_wait3A_94 : memref<256xi32, #tpu.memory_space<hbm>>) dst(%arg16 : memref<256xi32, #tpu.memory_space<vmem>>)
      "tpu.region"() ({
        %run_scoped3A = tpu.sem_alloc : memref<!tpu.dma_semaphore, #tpu.memory_space<semaphore_mem>>
        %dma_start3A_102 = arith.constant 0 : i32
        %dma_start3A_103 = arith.constant 0 : i32
        %dma_start3A_104 = tpu.memref_slice %arg2[%dma_start3A_102, %dma_start3A_103] : memref<10000x128xf32, #tpu.memory_space<hbm>> -> memref<10000x128xf32, #tpu.memory_space<hbm>>
        tpu.enqueue_indirect_dma source(%dma_start3A_104 : memref<10000x128xf32, #tpu.memory_space<hbm>>) target(%arg8 : memref<256x128xf32, #tpu.memory_space<vmem>>) offsets(%arg12 : memref<256xi32, #tpu.memory_space<vmem>>) semaphore(%run_scoped3A : memref<!tpu.dma_semaphore, #tpu.memory_space<semaphore_mem>>)
        %dma_wait3A_105 = arith.constant 0 : i32
        %dma_wait3A_106 = arith.constant 0 : i32
        %dma_wait3A_107 = tpu.memref_slice %arg2[%dma_wait3A_105, %dma_wait3A_106] : memref<10000x128xf32, #tpu.memory_space<hbm>> -> memref<10000x128xf32, #tpu.memory_space<hbm>>
        tpu.wait_indirect_dma semaphore(%run_scoped3A : memref<!tpu.dma_semaphore, #tpu.memory_space<semaphore_mem>>) src(%dma_wait3A_107 : memref<10000x128xf32, #tpu.memory_space<hbm>>) dst(%arg8 : memref<256x128xf32, #tpu.memory_space<vmem>>)
        tpu.yield
      }) : () -> ()
      "tpu.region"() ({
        %run_scoped3A = tpu.sem_alloc : memref<!tpu.dma_semaphore, #tpu.memory_space<semaphore_mem>>
        %dma_start3A_102 = arith.constant 0 : i32
        %dma_start3A_103 = arith.constant 0 : i32
        %dma_start3A_104 = tpu.memref_slice %arg7[%dma_start3A_102, %dma_start3A_103] : memref<10008x128xf32, #tpu.memory_space<vmem_shared>> -> memref<10008x128xf32, #tpu.memory_space<vmem_shared>>
        tpu.enqueue_indirect_dma source(%arg8 : memref<256x128xf32, #tpu.memory_space<vmem>>) target(%dma_start3A_104 : memref<10008x128xf32, #tpu.memory_space<vmem_shared>>) offsets(%arg16 : memref<256xi32, #tpu.memory_space<vmem>>) semaphore(%run_scoped3A : memref<!tpu.dma_semaphore, #tpu.memory_space<semaphore_mem>>) {add = true}
        %dma_wait3A_105 = arith.constant 0 : i32
        %dma_wait3A_106 = arith.constant 0 : i32
        %dma_wait3A_107 = tpu.memref_slice %arg7[%dma_wait3A_105, %dma_wait3A_106] : memref<10008x128xf32, #tpu.memory_space<vmem_shared>> -> memref<10008x128xf32, #tpu.memory_space<vmem_shared>>
        tpu.wait_indirect_dma semaphore(%run_scoped3A : memref<!tpu.dma_semaphore, #tpu.memory_space<semaphore_mem>>) src(%arg8 : memref<256x128xf32, #tpu.memory_space<vmem>>) dst(%dma_wait3A_107 : memref<10008x128xf32, #tpu.memory_space<vmem_shared>>)
        tpu.yield
      }) : () -> ()
      %add3A_95 = arith.constant 4 : i32
      %add3A_96 = arith.addi %add3A_90, %add3A_95 : i32
      %lt3A_97 = arith.constant 40 : i32
      %lt3A_98 = arith.cmpi slt, %add3A_96, %lt3A_97 : i32
      %convert_element_type3A_99 = arith.extui %lt3A_98 : i1 to i32
      %cond3A_100 = arith.constant 0 : i32
      %cond3A_101 = arith.cmpi ne, %convert_element_type3A_99, %cond3A_100 : i32
      scf.if %cond3A_101 {
        %add3A_102 = arith.constant 4 : i32
        %add3A_103 = arith.addi %add3A_90, %add3A_102 : i32
        %mul3A_104 = arith.constant 256 : i32
        %mul3A_105 = arith.muli %add3A_103, %mul3A_104 : i32
        %add3A_106 = arith.addi %mul3A_2, %mul3A_105 : i32
        %dma_start3A_107 = tpu.memref_slice %arg3[%add3A_106] : memref<327680xi32, #tpu.memory_space<hbm>> -> memref<256xi32, #tpu.memory_space<hbm>>
        %dma_start3A_108 = tpu.memref_slice %arg3[%add3A_106] : memref<327680xi32, #tpu.memory_space<hbm>> -> memref<256xi32, #tpu.memory_space<hbm>>
        tpu.enqueue_dma source(%dma_start3A_108 : memref<256xi32, #tpu.memory_space<hbm>>) target(%arg12 : memref<256xi32, #tpu.memory_space<vmem>>) target_semaphore(%arg20 : memref<!tpu.dma_semaphore, #tpu.memory_space<semaphore_mem>>)
        %add3A_109 = arith.constant 4 : i32
        %add3A_110 = arith.addi %add3A_90, %add3A_109 : i32
        %mul3A_111 = arith.constant 256 : i32
        %mul3A_112 = arith.muli %add3A_110, %mul3A_111 : i32
        %add3A_113 = arith.addi %mul3A_2, %mul3A_112 : i32
        %dma_start3A_114 = tpu.memref_slice %arg4[%add3A_113] : memref<327680xi32, #tpu.memory_space<hbm>> -> memref<256xi32, #tpu.memory_space<hbm>>
        %dma_start3A_115 = tpu.memref_slice %arg4[%add3A_113] : memref<327680xi32, #tpu.memory_space<hbm>> -> memref<256xi32, #tpu.memory_space<hbm>>
        tpu.enqueue_dma source(%dma_start3A_115 : memref<256xi32, #tpu.memory_space<hbm>>) target(%arg16 : memref<256xi32, #tpu.memory_space<vmem>>) target_semaphore(%arg24 : memref<!tpu.dma_semaphore, #tpu.memory_space<semaphore_mem>>)
      } else {
      }
    }
    %scan3A_39 = arith.constant 10 : i32
    %barrier3A_40 = arith.constant 0 : index
    tpu.barrier barrier_id(%barrier3A_40)
    %lt3A_41 = arith.constant 10 : i32
    %lt3A_42 = arith.cmpi slt, %arg1, %lt3A_41 : i32
    %convert_element_type3A_43 = arith.extui %lt3A_42 : i1 to i32
    %cond3A_44 = arith.constant 0 : i32
    %cond3A_45 = arith.cmpi ne, %convert_element_type3A_43, %cond3A_44 : i32
    scf.if %cond3A_45 {
      %mul3A_46 = arith.constant 1000 : i32
      %mul3A_47 = arith.muli %arg1, %mul3A_46 : i32
      %mul3A_48 = arith.constant 1000 : i32
      %mul3A_49 = arith.muli %arg1, %mul3A_48 : i32
      "tpu.region"() ({
        %run_scoped3A = tpu.sem_alloc : memref<!tpu.dma_semaphore, #tpu.memory_space<semaphore_mem>>
        %dma_start3A_50 = arith.constant 0 : i32
        %dma_start3A_51 = arith.constant 0 : i32
        %dma_start3A_52 = tpu.memref_slice %arg6[%arg0, %dma_start3A_50, %dma_start3A_51] : memref<2x10000x128xf32, #tpu.memory_space<hbm>> -> memref<1x10000x128xf32, #tpu.memory_space<hbm>>
        %dma_start3A_53 = tpu.memref_squeeze %dma_start3A_52 : memref<1x10000x128xf32, #tpu.memory_space<hbm>> -> memref<10000x128xf32, #tpu.memory_space<hbm>>
        %dma_start3A_54 = arith.constant 0 : i32
        %dma_start3A_55 = tpu.memref_slice %dma_start3A_53[%mul3A_49, %dma_start3A_54] : memref<10000x128xf32, #tpu.memory_space<hbm>> -> memref<1000x128xf32, #tpu.memory_space<hbm>>
        %dma_start3A_56 = arith.constant 0 : i32
        %dma_start3A_57 = tpu.memref_slice %arg7[%mul3A_47, %dma_start3A_56] : memref<10008x128xf32, #tpu.memory_space<vmem_shared>> -> memref<1000x128xf32, #tpu.memory_space<vmem_shared>>
        tpu.enqueue_dma source(%dma_start3A_57 : memref<1000x128xf32, #tpu.memory_space<vmem_shared>>) target(%dma_start3A_55 : memref<1000x128xf32, #tpu.memory_space<hbm>>) target_semaphore(%run_scoped3A : memref<!tpu.dma_semaphore, #tpu.memory_space<semaphore_mem>>)
        %dma_wait3A = arith.constant 0 : i32
        %dma_wait3A_58 = arith.constant 0 : i32
        %dma_wait3A_59 = tpu.memref_slice %arg6[%arg0, %dma_wait3A, %dma_wait3A_58] : memref<2x10000x128xf32, #tpu.memory_space<hbm>> -> memref<1x10000x128xf32, #tpu.memory_space<hbm>>
        %dma_wait3A_60 = tpu.memref_squeeze %dma_wait3A_59 : memref<1x10000x128xf32, #tpu.memory_space<hbm>> -> memref<10000x128xf32, #tpu.memory_space<hbm>>
        %dma_wait3A_61 = arith.constant 0 : i32
        %dma_wait3A_62 = tpu.memref_slice %dma_wait3A_60[%mul3A_49, %dma_wait3A_61] : memref<10000x128xf32, #tpu.memory_space<hbm>> -> memref<1000x128xf32, #tpu.memory_space<hbm>>
        %dma_wait3A_63 = arith.constant 0 : i32
        %dma_wait3A_64 = tpu.memref_slice %arg7[%mul3A_47, %dma_wait3A_63] : memref<10008x128xf32, #tpu.memory_space<vmem_shared>> -> memref<1000x128xf32, #tpu.memory_space<vmem_shared>>
        tpu.wait_dma2 semaphore(%run_scoped3A : memref<!tpu.dma_semaphore, #tpu.memory_space<semaphore_mem>>) src(%dma_wait3A_64 : memref<1000x128xf32, #tpu.memory_space<vmem_shared>>) dst(%dma_wait3A_62 : memref<1000x128xf32, #tpu.memory_space<hbm>>)
        tpu.yield
      }) : () -> ()
    } else {
    }
    return
  }
}

#map = affine_map<(d0, d1) -> (0, 0)>
#map1 = affine_map<(d0, d1) -> (0)>
#map2 = affine_map<(d0, d1) -> (0, 0, 0)>
module attributes {stable_mosaic.version = 14 : i64} {
  func.func @agg_kernel(%arg0: i32, %arg1: i32, %arg2: memref<10000x128xf32, #tpu.memory_space<hbm>>, %arg3: memref<327680xi32, #tpu.memory_space<hbm>>, %arg4: memref<327680xi32, #tpu.memory_space<hbm>>, %arg5: memref<10000x128xf32, #tpu.memory_space<hbm>>, %arg6: memref<2x10000x128xf32, #tpu.memory_space<hbm>>, %arg7: memref<10008x128xf32, #tpu.memory_space<vmem_shared>>, %arg8: memref<256x128xf32, #tpu.memory_space<vmem>>, %arg9: memref<256xi32, #tpu.memory_space<vmem>>, %arg10: memref<256xi32, #tpu.memory_space<vmem>>, %arg11: memref<256xi32, #tpu.memory_space<vmem>>, %arg12: memref<256xi32, #tpu.memory_space<vmem>>, %arg13: memref<256xi32, #tpu.memory_space<vmem>>, %arg14: memref<256xi32, #tpu.memory_space<vmem>>, %arg15: memref<256xi32, #tpu.memory_space<vmem>>, %arg16: memref<256xi32, #tpu.memory_space<vmem>>, %arg17: memref<!tpu.dma_semaphore, #tpu.memory_space<semaphore_mem>>, %arg18: memref<!tpu.dma_semaphore, #tpu.memory_space<semaphore_mem>>, %arg19: memref<!tpu.dma_semaphore, #tpu.memory_space<semaphore_mem>>, %arg20: memref<!tpu.dma_semaphore, #tpu.memory_space<semaphore_mem>>, %arg21: memref<!tpu.dma_semaphore, #tpu.memory_space<semaphore_mem>>, %arg22: memref<!tpu.dma_semaphore, #tpu.memory_space<semaphore_mem>>, %arg23: memref<!tpu.dma_semaphore, #tpu.memory_space<semaphore_mem>>, %arg24: memref<!tpu.dma_semaphore, #tpu.memory_space<semaphore_mem>>) attributes {dimension_semantics = [#tpu.dimension_semantics<core_parallel>, #tpu.dimension_semantics<subcore_parallel>], iteration_bounds = array<i64: 2, 16>, scalar_prefetch = 0 : i64, scratch_operands = 18 : i64, tpu.core_type = #tpu.core_type<sc_vector_subcore>, window_params = [{transform_indices = #map}, {transform_indices = #map1}, {transform_indices = #map1}, {transform_indices = #map}, {transform_indices = #map2}]} {
    %mul3A = arith.constant 16 : i32
    %mul3A_0 = arith.muli %arg0, %mul3A : i32
    %add3A = arith.addi %mul3A_0, %arg1 : i32
    %mul3A_1 = arith.constant 10240 : i32
    %mul3A_2 = arith.muli %add3A, %mul3A_1 : i32
    %lt3A = arith.constant 10 : i32
    %lt3A_3 = arith.cmpi slt, %arg1, %lt3A : i32
    %convert_element_type3A = arith.extui %lt3A_3 : i1 to i32
    %cond3A = arith.constant 0 : i32
    %cond3A_4 = arith.cmpi ne, %convert_element_type3A, %cond3A : i32
    scf.if %cond3A_4 {
      %mul3A_46 = arith.constant 1000 : i32
      %mul3A_47 = arith.muli %arg1, %mul3A_46 : i32
      %mul3A_48 = arith.constant 1000 : i32
      %mul3A_49 = arith.muli %arg1, %mul3A_48 : i32
      "tpu.region"() ({
        %run_scoped3A = tpu.sem_alloc : memref<!tpu.dma_semaphore, #tpu.memory_space<semaphore_mem>>
        %dma_start3A_50 = arith.constant 0 : i32
        %dma_start3A_51 = tpu.memref_slice %arg7[%mul3A_49, %dma_start3A_50] : memref<10008x128xf32, #tpu.memory_space<vmem_shared>> -> memref<1000x128xf32, #tpu.memory_space<vmem_shared>>
        %dma_start3A_52 = arith.constant 0 : i32
        %dma_start3A_53 = tpu.memref_slice %arg5[%mul3A_47, %dma_start3A_52] : memref<10000x128xf32, #tpu.memory_space<hbm>> -> memref<1000x128xf32, #tpu.memory_space<hbm>>
        tpu.enqueue_dma source(%dma_start3A_53 : memref<1000x128xf32, #tpu.memory_space<hbm>>) target(%dma_start3A_51 : memref<1000x128xf32, #tpu.memory_space<vmem_shared>>) target_semaphore(%run_scoped3A : memref<!tpu.dma_semaphore, #tpu.memory_space<semaphore_mem>>)
        %dma_wait3A = arith.constant 0 : i32
        %dma_wait3A_54 = tpu.memref_slice %arg7[%mul3A_49, %dma_wait3A] : memref<10008x128xf32, #tpu.memory_space<vmem_shared>> -> memref<1000x128xf32, #tpu.memory_space<vmem_shared>>
        %dma_wait3A_55 = arith.constant 0 : i32
        %dma_wait3A_56 = tpu.memref_slice %arg5[%mul3A_47, %dma_wait3A_55] : memref<10000x128xf32, #tpu.memory_space<hbm>> -> memref<1000x128xf32, #tpu.memory_space<hbm>>
        tpu.wait_dma2 semaphore(%run_scoped3A : memref<!tpu.dma_semaphore, #tpu.memory_space<semaphore_mem>>) src(%dma_wait3A_56 : memref<1000x128xf32, #tpu.memory_space<hbm>>) dst(%dma_wait3A_54 : memref<1000x128xf32, #tpu.memory_space<vmem_shared>>)
        tpu.yield
      }) : () -> ()
    } else {
    }
    %add3A_5 = arith.constant 0 : i32
    %add3A_6 = arith.addi %mul3A_2, %add3A_5 : i32
    %dma_start3A = tpu.memref_slice %arg3[%add3A_6] : memref<327680xi32, #tpu.memory_space<hbm>> -> memref<256xi32, #tpu.memory_space<hbm>>
    %dma_start3A_7 = tpu.memref_slice %arg3[%add3A_6] : memref<327680xi32, #tpu.memory_space<hbm>> -> memref<256xi32, #tpu.memory_space<hbm>>
    tpu.enqueue_dma source(%dma_start3A_7 : memref<256xi32, #tpu.memory_space<hbm>>) target(%arg9 : memref<256xi32, #tpu.memory_space<vmem>>) target_semaphore(%arg17 : memref<!tpu.dma_semaphore, #tpu.memory_space<semaphore_mem>>)
    %add3A_8 = arith.constant 0 : i32
    %add3A_9 = arith.addi %mul3A_2, %add3A_8 : i32
    %dma_start3A_10 = tpu.memref_slice %arg4[%add3A_9] : memref<327680xi32, #tpu.memory_space<hbm>> -> memref<256xi32, #tpu.memory_space<hbm>>
    %dma_start3A_11 = tpu.memref_slice %arg4[%add3A_9] : memref<327680xi32, #tpu.memory_space<hbm>> -> memref<256xi32, #tpu.memory_space<hbm>>
    tpu.enqueue_dma source(%dma_start3A_11 : memref<256xi32, #tpu.memory_space<hbm>>) target(%arg13 : memref<256xi32, #tpu.memory_space<vmem>>) target_semaphore(%arg21 : memref<!tpu.dma_semaphore, #tpu.memory_space<semaphore_mem>>)
    %add3A_12 = arith.constant 256 : i32
    %add3A_13 = arith.addi %mul3A_2, %add3A_12 : i32
    %dma_start3A_14 = tpu.memref_slice %arg3[%add3A_13] : memref<327680xi32, #tpu.memory_space<hbm>> -> memref<256xi32, #tpu.memory_space<hbm>>
    %dma_start3A_15 = tpu.memref_slice %arg3[%add3A_13] : memref<327680xi32, #tpu.memory_space<hbm>> -> memref<256xi32, #tpu.memory_space<hbm>>
    tpu.enqueue_dma source(%dma_start3A_15 : memref<256xi32, #tpu.memory_space<hbm>>) target(%arg10 : memref<256xi32, #tpu.memory_space<vmem>>) target_semaphore(%arg18 : memref<!tpu.dma_semaphore, #tpu.memory_space<semaphore_mem>>)
    %add3A_16 = arith.constant 256 : i32
    %add3A_17 = arith.addi %mul3A_2, %add3A_16 : i32
    %dma_start3A_18 = tpu.memref_slice %arg4[%add3A_17] : memref<327680xi32, #tpu.memory_space<hbm>> -> memref<256xi32, #tpu.memory_space<hbm>>
    %dma_start3A_19 = tpu.memref_slice %arg4[%add3A_17] : memref<327680xi32, #tpu.memory_space<hbm>> -> memref<256xi32, #tpu.memory_space<hbm>>
    tpu.enqueue_dma source(%dma_start3A_19 : memref<256xi32, #tpu.memory_space<hbm>>) target(%arg14 : memref<256xi32, #tpu.memory_space<vmem>>) target_semaphore(%arg22 : memref<!tpu.dma_semaphore, #tpu.memory_space<semaphore_mem>>)
    %add3A_20 = arith.constant 512 : i32
    %add3A_21 = arith.addi %mul3A_2, %add3A_20 : i32
    %dma_start3A_22 = tpu.memref_slice %arg3[%add3A_21] : memref<327680xi32, #tpu.memory_space<hbm>> -> memref<256xi32, #tpu.memory_space<hbm>>
    %dma_start3A_23 = tpu.memref_slice %arg3[%add3A_21] : memref<327680xi32, #tpu.memory_space<hbm>> -> memref<256xi32, #tpu.memory_space<hbm>>
    tpu.enqueue_dma source(%dma_start3A_23 : memref<256xi32, #tpu.memory_space<hbm>>) target(%arg11 : memref<256xi32, #tpu.memory_space<vmem>>) target_semaphore(%arg19 : memref<!tpu.dma_semaphore, #tpu.memory_space<semaphore_mem>>)
    %add3A_24 = arith.constant 512 : i32
    %add3A_25 = arith.addi %mul3A_2, %add3A_24 : i32
    %dma_start3A_26 = tpu.memref_slice %arg4[%add3A_25] : memref<327680xi32, #tpu.memory_space<hbm>> -> memref<256xi32, #tpu.memory_space<hbm>>
    %dma_start3A_27 = tpu.memref_slice %arg4[%add3A_25] : memref<327680xi32, #tpu.memory_space<hbm>> -> memref<256xi32, #tpu.memory_space<hbm>>
    tpu.enqueue_dma source(%dma_start3A_27 : memref<256xi32, #tpu.memory_space<hbm>>) target(%arg15 : memref<256xi32, #tpu.memory_space<vmem>>) target_semaphore(%arg23 : memref<!tpu.dma_semaphore, #tpu.memory_space<semaphore_mem>>)
    %add3A_28 = arith.constant 768 : i32
    %add3A_29 = arith.addi %mul3A_2, %add3A_28 : i32
    %dma_start3A_30 = tpu.memref_slice %arg3[%add3A_29] : memref<327680xi32, #tpu.memory_space<hbm>> -> memref<256xi32, #tpu.memory_space<hbm>>
    %dma_start3A_31 = tpu.memref_slice %arg3[%add3A_29] : memref<327680xi32, #tpu.memory_space<hbm>> -> memref<256xi32, #tpu.memory_space<hbm>>
    tpu.enqueue_dma source(%dma_start3A_31 : memref<256xi32, #tpu.memory_space<hbm>>) target(%arg12 : memref<256xi32, #tpu.memory_space<vmem>>) target_semaphore(%arg20 : memref<!tpu.dma_semaphore, #tpu.memory_space<semaphore_mem>>)
    %add3A_32 = arith.constant 768 : i32
    %add3A_33 = arith.addi %mul3A_2, %add3A_32 : i32
    %dma_start3A_34 = tpu.memref_slice %arg4[%add3A_33] : memref<327680xi32, #tpu.memory_space<hbm>> -> memref<256xi32, #tpu.memory_space<hbm>>
    %dma_start3A_35 = tpu.memref_slice %arg4[%add3A_33] : memref<327680xi32, #tpu.memory_space<hbm>> -> memref<256xi32, #tpu.memory_space<hbm>>
    tpu.enqueue_dma source(%dma_start3A_35 : memref<256xi32, #tpu.memory_space<hbm>>) target(%arg16 : memref<256xi32, #tpu.memory_space<vmem>>) target_semaphore(%arg24 : memref<!tpu.dma_semaphore, #tpu.memory_space<semaphore_mem>>)
    %barrier3A = arith.constant 0 : index
    tpu.barrier barrier_id(%barrier3A)
    %scan3A = arith.constant 0 : i32
    %scan3A_36 = arith.constant 10 : i32
    %scan3A_37 = arith.addi %scan3A, %scan3A_36 : i32
    %scan3A_38 = arith.constant 1 : i32
    scf.for %scan3A_46 = %scan3A to %scan3A_37 step %scan3A_38  : i32 {
      %mul3A_47 = arith.constant 4 : i32
      %mul3A_48 = arith.muli %scan3A_46, %mul3A_47 : i32
      %add3A_49 = arith.constant 0 : i32
      %add3A_50 = arith.addi %add3A_49, %mul3A_48 : i32
      %add3A_51 = arith.constant 0 : i32
      %add3A_52 = arith.addi %add3A_50, %add3A_51 : i32
      %dma_wait3A = tpu.memref_slice %arg3[%mul3A_2] : memref<327680xi32, #tpu.memory_space<hbm>> -> memref<256xi32, #tpu.memory_space<hbm>>
      %dma_wait3A_53 = tpu.memref_slice %arg3[%mul3A_2] : memref<327680xi32, #tpu.memory_space<hbm>> -> memref<256xi32, #tpu.memory_space<hbm>>
      tpu.wait_dma2 semaphore(%arg17 : memref<!tpu.dma_semaphore, #tpu.memory_space<semaphore_mem>>) src(%dma_wait3A_53 : memref<256xi32, #tpu.memory_space<hbm>>) dst(%arg9 : memref<256xi32, #tpu.memory_space<vmem>>)
      %dma_wait3A_54 = tpu.memref_slice %arg4[%mul3A_2] : memref<327680xi32, #tpu.memory_space<hbm>> -> memref<256xi32, #tpu.memory_space<hbm>>
      %dma_wait3A_55 = tpu.memref_slice %arg4[%mul3A_2] : memref<327680xi32, #tpu.memory_space<hbm>> -> memref<256xi32, #tpu.memory_space<hbm>>
      tpu.wait_dma2 semaphore(%arg21 : memref<!tpu.dma_semaphore, #tpu.memory_space<semaphore_mem>>) src(%dma_wait3A_55 : memref<256xi32, #tpu.memory_space<hbm>>) dst(%arg13 : memref<256xi32, #tpu.memory_space<vmem>>)
      "tpu.region"() ({
        %run_scoped3A = tpu.sem_alloc : memref<!tpu.dma_semaphore, #tpu.memory_space<semaphore_mem>>
        %dma_start3A_102 = arith.constant 0 : i32
        %dma_start3A_103 = arith.constant 0 : i32
        %dma_start3A_104 = tpu.memref_slice %arg2[%dma_start3A_102, %dma_start3A_103] : memref<10000x128xf32, #tpu.memory_space<hbm>> -> memref<10000x128xf32, #tpu.memory_space<hbm>>
        tpu.enqueue_indirect_dma source(%dma_start3A_104 : memref<10000x128xf32, #tpu.memory_space<hbm>>) target(%arg8 : memref<256x128xf32, #tpu.memory_space<vmem>>) offsets(%arg9 : memref<256xi32, #tpu.memory_space<vmem>>) semaphore(%run_scoped3A : memref<!tpu.dma_semaphore, #tpu.memory_space<semaphore_mem>>)
        %dma_wait3A_105 = arith.constant 0 : i32
        %dma_wait3A_106 = arith.constant 0 : i32
        %dma_wait3A_107 = tpu.memref_slice %arg2[%dma_wait3A_105, %dma_wait3A_106] : memref<10000x128xf32, #tpu.memory_space<hbm>> -> memref<10000x128xf32, #tpu.memory_space<hbm>>
        tpu.wait_indirect_dma semaphore(%run_scoped3A : memref<!tpu.dma_semaphore, #tpu.memory_space<semaphore_mem>>) src(%dma_wait3A_107 : memref<10000x128xf32, #tpu.memory_space<hbm>>) dst(%arg8 : memref<256x128xf32, #tpu.memory_space<vmem>>)
        tpu.yield
      }) : () -> ()
      "tpu.region"() ({
        %run_scoped3A = tpu.sem_alloc : memref<!tpu.dma_semaphore, #tpu.memory_space<semaphore_mem>>
        %dma_start3A_102 = arith.constant 0 : i32
        %dma_start3A_103 = arith.constant 0 : i32
        %dma_start3A_104 = tpu.memref_slice %arg7[%dma_start3A_102, %dma_start3A_103] : memref<10008x128xf32, #tpu.memory_space<vmem_shared>> -> memref<10008x128xf32, #tpu.memory_space<vmem_shared>>
        tpu.enqueue_indirect_dma source(%arg8 : memref<256x128xf32, #tpu.memory_space<vmem>>) target(%dma_start3A_104 : memref<10008x128xf32, #tpu.memory_space<vmem_shared>>) offsets(%arg13 : memref<256xi32, #tpu.memory_space<vmem>>) semaphore(%run_scoped3A : memref<!tpu.dma_semaphore, #tpu.memory_space<semaphore_mem>>) {add = true}
        %dma_wait3A_105 = arith.constant 0 : i32
        %dma_wait3A_106 = arith.constant 0 : i32
        %dma_wait3A_107 = tpu.memref_slice %arg7[%dma_wait3A_105, %dma_wait3A_106] : memref<10008x128xf32, #tpu.memory_space<vmem_shared>> -> memref<10008x128xf32, #tpu.memory_space<vmem_shared>>
        tpu.wait_indirect_dma semaphore(%run_scoped3A : memref<!tpu.dma_semaphore, #tpu.memory_space<semaphore_mem>>) src(%arg8 : memref<256x128xf32, #tpu.memory_space<vmem>>) dst(%dma_wait3A_107 : memref<10008x128xf32, #tpu.memory_space<vmem_shared>>)
        tpu.yield
      }) : () -> ()
      %add3A_56 = arith.constant 4 : i32
      %add3A_57 = arith.addi %add3A_52, %add3A_56 : i32
      %lt3A_58 = arith.constant 40 : i32
      %lt3A_59 = arith.cmpi slt, %add3A_57, %lt3A_58 : i32
      %convert_element_type3A_60 = arith.extui %lt3A_59 : i1 to i32
      %cond3A_61 = arith.constant 0 : i32
      %cond3A_62 = arith.cmpi ne, %convert_element_type3A_60, %cond3A_61 : i32
      scf.if %cond3A_62 {
        %add3A_102 = arith.constant 4 : i32
        %add3A_103 = arith.addi %add3A_52, %add3A_102 : i32
        %mul3A_104 = arith.constant 256 : i32
        %mul3A_105 = arith.muli %add3A_103, %mul3A_104 : i32
        %add3A_106 = arith.addi %mul3A_2, %mul3A_105 : i32
        %dma_start3A_107 = tpu.memref_slice %arg3[%add3A_106] : memref<327680xi32, #tpu.memory_space<hbm>> -> memref<256xi32, #tpu.memory_space<hbm>>
        %dma_start3A_108 = tpu.memref_slice %arg3[%add3A_106] : memref<327680xi32, #tpu.memory_space<hbm>> -> memref<256xi32, #tpu.memory_space<hbm>>
        tpu.enqueue_dma source(%dma_start3A_108 : memref<256xi32, #tpu.memory_space<hbm>>) target(%arg9 : memref<256xi32, #tpu.memory_space<vmem>>) target_semaphore(%arg17 : memref<!tpu.dma_semaphore, #tpu.memory_space<semaphore_mem>>)
        %add3A_109 = arith.constant 4 : i32
        %add3A_110 = arith.addi %add3A_52, %add3A_109 : i32
        %mul3A_111 = arith.constant 256 : i32
        %mul3A_112 = arith.muli %add3A_110, %mul3A_111 : i32
        %add3A_113 = arith.addi %mul3A_2, %mul3A_112 : i32
        %dma_start3A_114 = tpu.memref_slice %arg4[%add3A_113] : memref<327680xi32, #tpu.memory_space<hbm>> -> memref<256xi32, #tpu.memory_space<hbm>>
        %dma_start3A_115 = tpu.memref_slice %arg4[%add3A_113] : memref<327680xi32, #tpu.memory_space<hbm>> -> memref<256xi32, #tpu.memory_space<hbm>>
        tpu.enqueue_dma source(%dma_start3A_115 : memref<256xi32, #tpu.memory_space<hbm>>) target(%arg13 : memref<256xi32, #tpu.memory_space<vmem>>) target_semaphore(%arg21 : memref<!tpu.dma_semaphore, #tpu.memory_space<semaphore_mem>>)
      } else {
      }
      %add3A_63 = arith.constant 1 : i32
      %add3A_64 = arith.addi %add3A_50, %add3A_63 : i32
      %dma_wait3A_65 = tpu.memref_slice %arg3[%mul3A_2] : memref<327680xi32, #tpu.memory_space<hbm>> -> memref<256xi32, #tpu.memory_space<hbm>>
      %dma_wait3A_66 = tpu.memref_slice %arg3[%mul3A_2] : memref<327680xi32, #tpu.memory_space<hbm>> -> memref<256xi32, #tpu.memory_space<hbm>>
      tpu.wait_dma2 semaphore(%arg18 : memref<!tpu.dma_semaphore, #tpu.memory_space<semaphore_mem>>) src(%dma_wait3A_66 : memref<256xi32, #tpu.memory_space<hbm>>) dst(%arg10 : memref<256xi32, #tpu.memory_space<vmem>>)
      %dma_wait3A_67 = tpu.memref_slice %arg4[%mul3A_2] : memref<327680xi32, #tpu.memory_space<hbm>> -> memref<256xi32, #tpu.memory_space<hbm>>
      %dma_wait3A_68 = tpu.memref_slice %arg4[%mul3A_2] : memref<327680xi32, #tpu.memory_space<hbm>> -> memref<256xi32, #tpu.memory_space<hbm>>
      tpu.wait_dma2 semaphore(%arg22 : memref<!tpu.dma_semaphore, #tpu.memory_space<semaphore_mem>>) src(%dma_wait3A_68 : memref<256xi32, #tpu.memory_space<hbm>>) dst(%arg14 : memref<256xi32, #tpu.memory_space<vmem>>)
      "tpu.region"() ({
        %run_scoped3A = tpu.sem_alloc : memref<!tpu.dma_semaphore, #tpu.memory_space<semaphore_mem>>
        %dma_start3A_102 = arith.constant 0 : i32
        %dma_start3A_103 = arith.constant 0 : i32
        %dma_start3A_104 = tpu.memref_slice %arg2[%dma_start3A_102, %dma_start3A_103] : memref<10000x128xf32, #tpu.memory_space<hbm>> -> memref<10000x128xf32, #tpu.memory_space<hbm>>
        tpu.enqueue_indirect_dma source(%dma_start3A_104 : memref<10000x128xf32, #tpu.memory_space<hbm>>) target(%arg8 : memref<256x128xf32, #tpu.memory_space<vmem>>) offsets(%arg10 : memref<256xi32, #tpu.memory_space<vmem>>) semaphore(%run_scoped3A : memref<!tpu.dma_semaphore, #tpu.memory_space<semaphore_mem>>)
        %dma_wait3A_105 = arith.constant 0 : i32
        %dma_wait3A_106 = arith.constant 0 : i32
        %dma_wait3A_107 = tpu.memref_slice %arg2[%dma_wait3A_105, %dma_wait3A_106] : memref<10000x128xf32, #tpu.memory_space<hbm>> -> memref<10000x128xf32, #tpu.memory_space<hbm>>
        tpu.wait_indirect_dma semaphore(%run_scoped3A : memref<!tpu.dma_semaphore, #tpu.memory_space<semaphore_mem>>) src(%dma_wait3A_107 : memref<10000x128xf32, #tpu.memory_space<hbm>>) dst(%arg8 : memref<256x128xf32, #tpu.memory_space<vmem>>)
        tpu.yield
      }) : () -> ()
      "tpu.region"() ({
        %run_scoped3A = tpu.sem_alloc : memref<!tpu.dma_semaphore, #tpu.memory_space<semaphore_mem>>
        %dma_start3A_102 = arith.constant 0 : i32
        %dma_start3A_103 = arith.constant 0 : i32
        %dma_start3A_104 = tpu.memref_slice %arg7[%dma_start3A_102, %dma_start3A_103] : memref<10008x128xf32, #tpu.memory_space<vmem_shared>> -> memref<10008x128xf32, #tpu.memory_space<vmem_shared>>
        tpu.enqueue_indirect_dma source(%arg8 : memref<256x128xf32, #tpu.memory_space<vmem>>) target(%dma_start3A_104 : memref<10008x128xf32, #tpu.memory_space<vmem_shared>>) offsets(%arg14 : memref<256xi32, #tpu.memory_space<vmem>>) semaphore(%run_scoped3A : memref<!tpu.dma_semaphore, #tpu.memory_space<semaphore_mem>>) {add = true}
        %dma_wait3A_105 = arith.constant 0 : i32
        %dma_wait3A_106 = arith.constant 0 : i32
        %dma_wait3A_107 = tpu.memref_slice %arg7[%dma_wait3A_105, %dma_wait3A_106] : memref<10008x128xf32, #tpu.memory_space<vmem_shared>> -> memref<10008x128xf32, #tpu.memory_space<vmem_shared>>
        tpu.wait_indirect_dma semaphore(%run_scoped3A : memref<!tpu.dma_semaphore, #tpu.memory_space<semaphore_mem>>) src(%arg8 : memref<256x128xf32, #tpu.memory_space<vmem>>) dst(%dma_wait3A_107 : memref<10008x128xf32, #tpu.memory_space<vmem_shared>>)
        tpu.yield
      }) : () -> ()
      %add3A_69 = arith.constant 4 : i32
      %add3A_70 = arith.addi %add3A_64, %add3A_69 : i32
      %lt3A_71 = arith.constant 40 : i32
      %lt3A_72 = arith.cmpi slt, %add3A_70, %lt3A_71 : i32
      %convert_element_type3A_73 = arith.extui %lt3A_72 : i1 to i32
      %cond3A_74 = arith.constant 0 : i32
      %cond3A_75 = arith.cmpi ne, %convert_element_type3A_73, %cond3A_74 : i32
      scf.if %cond3A_75 {
        %add3A_102 = arith.constant 4 : i32
        %add3A_103 = arith.addi %add3A_64, %add3A_102 : i32
        %mul3A_104 = arith.constant 256 : i32
        %mul3A_105 = arith.muli %add3A_103, %mul3A_104 : i32
        %add3A_106 = arith.addi %mul3A_2, %mul3A_105 : i32
        %dma_start3A_107 = tpu.memref_slice %arg3[%add3A_106] : memref<327680xi32, #tpu.memory_space<hbm>> -> memref<256xi32, #tpu.memory_space<hbm>>
        %dma_start3A_108 = tpu.memref_slice %arg3[%add3A_106] : memref<327680xi32, #tpu.memory_space<hbm>> -> memref<256xi32, #tpu.memory_space<hbm>>
        tpu.enqueue_dma source(%dma_start3A_108 : memref<256xi32, #tpu.memory_space<hbm>>) target(%arg10 : memref<256xi32, #tpu.memory_space<vmem>>) target_semaphore(%arg18 : memref<!tpu.dma_semaphore, #tpu.memory_space<semaphore_mem>>)
        %add3A_109 = arith.constant 4 : i32
        %add3A_110 = arith.addi %add3A_64, %add3A_109 : i32
        %mul3A_111 = arith.constant 256 : i32
        %mul3A_112 = arith.muli %add3A_110, %mul3A_111 : i32
        %add3A_113 = arith.addi %mul3A_2, %mul3A_112 : i32
        %dma_start3A_114 = tpu.memref_slice %arg4[%add3A_113] : memref<327680xi32, #tpu.memory_space<hbm>> -> memref<256xi32, #tpu.memory_space<hbm>>
        %dma_start3A_115 = tpu.memref_slice %arg4[%add3A_113] : memref<327680xi32, #tpu.memory_space<hbm>> -> memref<256xi32, #tpu.memory_space<hbm>>
        tpu.enqueue_dma source(%dma_start3A_115 : memref<256xi32, #tpu.memory_space<hbm>>) target(%arg14 : memref<256xi32, #tpu.memory_space<vmem>>) target_semaphore(%arg22 : memref<!tpu.dma_semaphore, #tpu.memory_space<semaphore_mem>>)
      } else {
      }
      %add3A_76 = arith.constant 2 : i32
      %add3A_77 = arith.addi %add3A_50, %add3A_76 : i32
      %dma_wait3A_78 = tpu.memref_slice %arg3[%mul3A_2] : memref<327680xi32, #tpu.memory_space<hbm>> -> memref<256xi32, #tpu.memory_space<hbm>>
      %dma_wait3A_79 = tpu.memref_slice %arg3[%mul3A_2] : memref<327680xi32, #tpu.memory_space<hbm>> -> memref<256xi32, #tpu.memory_space<hbm>>
      tpu.wait_dma2 semaphore(%arg19 : memref<!tpu.dma_semaphore, #tpu.memory_space<semaphore_mem>>) src(%dma_wait3A_79 : memref<256xi32, #tpu.memory_space<hbm>>) dst(%arg11 : memref<256xi32, #tpu.memory_space<vmem>>)
      %dma_wait3A_80 = tpu.memref_slice %arg4[%mul3A_2] : memref<327680xi32, #tpu.memory_space<hbm>> -> memref<256xi32, #tpu.memory_space<hbm>>
      %dma_wait3A_81 = tpu.memref_slice %arg4[%mul3A_2] : memref<327680xi32, #tpu.memory_space<hbm>> -> memref<256xi32, #tpu.memory_space<hbm>>
      tpu.wait_dma2 semaphore(%arg23 : memref<!tpu.dma_semaphore, #tpu.memory_space<semaphore_mem>>) src(%dma_wait3A_81 : memref<256xi32, #tpu.memory_space<hbm>>) dst(%arg15 : memref<256xi32, #tpu.memory_space<vmem>>)
      "tpu.region"() ({
        %run_scoped3A = tpu.sem_alloc : memref<!tpu.dma_semaphore, #tpu.memory_space<semaphore_mem>>
        %dma_start3A_102 = arith.constant 0 : i32
        %dma_start3A_103 = arith.constant 0 : i32
        %dma_start3A_104 = tpu.memref_slice %arg2[%dma_start3A_102, %dma_start3A_103] : memref<10000x128xf32, #tpu.memory_space<hbm>> -> memref<10000x128xf32, #tpu.memory_space<hbm>>
        tpu.enqueue_indirect_dma source(%dma_start3A_104 : memref<10000x128xf32, #tpu.memory_space<hbm>>) target(%arg8 : memref<256x128xf32, #tpu.memory_space<vmem>>) offsets(%arg11 : memref<256xi32, #tpu.memory_space<vmem>>) semaphore(%run_scoped3A : memref<!tpu.dma_semaphore, #tpu.memory_space<semaphore_mem>>)
        %dma_wait3A_105 = arith.constant 0 : i32
        %dma_wait3A_106 = arith.constant 0 : i32
        %dma_wait3A_107 = tpu.memref_slice %arg2[%dma_wait3A_105, %dma_wait3A_106] : memref<10000x128xf32, #tpu.memory_space<hbm>> -> memref<10000x128xf32, #tpu.memory_space<hbm>>
        tpu.wait_indirect_dma semaphore(%run_scoped3A : memref<!tpu.dma_semaphore, #tpu.memory_space<semaphore_mem>>) src(%dma_wait3A_107 : memref<10000x128xf32, #tpu.memory_space<hbm>>) dst(%arg8 : memref<256x128xf32, #tpu.memory_space<vmem>>)
        tpu.yield
      }) : () -> ()
      "tpu.region"() ({
        %run_scoped3A = tpu.sem_alloc : memref<!tpu.dma_semaphore, #tpu.memory_space<semaphore_mem>>
        %dma_start3A_102 = arith.constant 0 : i32
        %dma_start3A_103 = arith.constant 0 : i32
        %dma_start3A_104 = tpu.memref_slice %arg7[%dma_start3A_102, %dma_start3A_103] : memref<10008x128xf32, #tpu.memory_space<vmem_shared>> -> memref<10008x128xf32, #tpu.memory_space<vmem_shared>>
        tpu.enqueue_indirect_dma source(%arg8 : memref<256x128xf32, #tpu.memory_space<vmem>>) target(%dma_start3A_104 : memref<10008x128xf32, #tpu.memory_space<vmem_shared>>) offsets(%arg15 : memref<256xi32, #tpu.memory_space<vmem>>) semaphore(%run_scoped3A : memref<!tpu.dma_semaphore, #tpu.memory_space<semaphore_mem>>) {add = true}
        %dma_wait3A_105 = arith.constant 0 : i32
        %dma_wait3A_106 = arith.constant 0 : i32
        %dma_wait3A_107 = tpu.memref_slice %arg7[%dma_wait3A_105, %dma_wait3A_106] : memref<10008x128xf32, #tpu.memory_space<vmem_shared>> -> memref<10008x128xf32, #tpu.memory_space<vmem_shared>>
        tpu.wait_indirect_dma semaphore(%run_scoped3A : memref<!tpu.dma_semaphore, #tpu.memory_space<semaphore_mem>>) src(%arg8 : memref<256x128xf32, #tpu.memory_space<vmem>>) dst(%dma_wait3A_107 : memref<10008x128xf32, #tpu.memory_space<vmem_shared>>)
        tpu.yield
      }) : () -> ()
      %add3A_82 = arith.constant 4 : i32
      %add3A_83 = arith.addi %add3A_77, %add3A_82 : i32
      %lt3A_84 = arith.constant 40 : i32
      %lt3A_85 = arith.cmpi slt, %add3A_83, %lt3A_84 : i32
      %convert_element_type3A_86 = arith.extui %lt3A_85 : i1 to i32
      %cond3A_87 = arith.constant 0 : i32
      %cond3A_88 = arith.cmpi ne, %convert_element_type3A_86, %cond3A_87 : i32
      scf.if %cond3A_88 {
        %add3A_102 = arith.constant 4 : i32
        %add3A_103 = arith.addi %add3A_77, %add3A_102 : i32
        %mul3A_104 = arith.constant 256 : i32
        %mul3A_105 = arith.muli %add3A_103, %mul3A_104 : i32
        %add3A_106 = arith.addi %mul3A_2, %mul3A_105 : i32
        %dma_start3A_107 = tpu.memref_slice %arg3[%add3A_106] : memref<327680xi32, #tpu.memory_space<hbm>> -> memref<256xi32, #tpu.memory_space<hbm>>
        %dma_start3A_108 = tpu.memref_slice %arg3[%add3A_106] : memref<327680xi32, #tpu.memory_space<hbm>> -> memref<256xi32, #tpu.memory_space<hbm>>
        tpu.enqueue_dma source(%dma_start3A_108 : memref<256xi32, #tpu.memory_space<hbm>>) target(%arg11 : memref<256xi32, #tpu.memory_space<vmem>>) target_semaphore(%arg19 : memref<!tpu.dma_semaphore, #tpu.memory_space<semaphore_mem>>)
        %add3A_109 = arith.constant 4 : i32
        %add3A_110 = arith.addi %add3A_77, %add3A_109 : i32
        %mul3A_111 = arith.constant 256 : i32
        %mul3A_112 = arith.muli %add3A_110, %mul3A_111 : i32
        %add3A_113 = arith.addi %mul3A_2, %mul3A_112 : i32
        %dma_start3A_114 = tpu.memref_slice %arg4[%add3A_113] : memref<327680xi32, #tpu.memory_space<hbm>> -> memref<256xi32, #tpu.memory_space<hbm>>
        %dma_start3A_115 = tpu.memref_slice %arg4[%add3A_113] : memref<327680xi32, #tpu.memory_space<hbm>> -> memref<256xi32, #tpu.memory_space<hbm>>
        tpu.enqueue_dma source(%dma_start3A_115 : memref<256xi32, #tpu.memory_space<hbm>>) target(%arg15 : memref<256xi32, #tpu.memory_space<vmem>>) target_semaphore(%arg23 : memref<!tpu.dma_semaphore, #tpu.memory_space<semaphore_mem>>)
      } else {
      }
      %add3A_89 = arith.constant 3 : i32
      %add3A_90 = arith.addi %add3A_50, %add3A_89 : i32
      %dma_wait3A_91 = tpu.memref_slice %arg3[%mul3A_2] : memref<327680xi32, #tpu.memory_space<hbm>> -> memref<256xi32, #tpu.memory_space<hbm>>
      %dma_wait3A_92 = tpu.memref_slice %arg3[%mul3A_2] : memref<327680xi32, #tpu.memory_space<hbm>> -> memref<256xi32, #tpu.memory_space<hbm>>
      tpu.wait_dma2 semaphore(%arg20 : memref<!tpu.dma_semaphore, #tpu.memory_space<semaphore_mem>>) src(%dma_wait3A_92 : memref<256xi32, #tpu.memory_space<hbm>>) dst(%arg12 : memref<256xi32, #tpu.memory_space<vmem>>)
      %dma_wait3A_93 = tpu.memref_slice %arg4[%mul3A_2] : memref<327680xi32, #tpu.memory_space<hbm>> -> memref<256xi32, #tpu.memory_space<hbm>>
      %dma_wait3A_94 = tpu.memref_slice %arg4[%mul3A_2] : memref<327680xi32, #tpu.memory_space<hbm>> -> memref<256xi32, #tpu.memory_space<hbm>>
      tpu.wait_dma2 semaphore(%arg24 : memref<!tpu.dma_semaphore, #tpu.memory_space<semaphore_mem>>) src(%dma_wait3A_94 : memref<256xi32, #tpu.memory_space<hbm>>) dst(%arg16 : memref<256xi32, #tpu.memory_space<vmem>>)
      "tpu.region"() ({
        %run_scoped3A = tpu.sem_alloc : memref<!tpu.dma_semaphore, #tpu.memory_space<semaphore_mem>>
        %dma_start3A_102 = arith.constant 0 : i32
        %dma_start3A_103 = arith.constant 0 : i32
        %dma_start3A_104 = tpu.memref_slice %arg2[%dma_start3A_102, %dma_start3A_103] : memref<10000x128xf32, #tpu.memory_space<hbm>> -> memref<10000x128xf32, #tpu.memory_space<hbm>>
        tpu.enqueue_indirect_dma source(%dma_start3A_104 : memref<10000x128xf32, #tpu.memory_space<hbm>>) target(%arg8 : memref<256x128xf32, #tpu.memory_space<vmem>>) offsets(%arg12 : memref<256xi32, #tpu.memory_space<vmem>>) semaphore(%run_scoped3A : memref<!tpu.dma_semaphore, #tpu.memory_space<semaphore_mem>>)
        %dma_wait3A_105 = arith.constant 0 : i32
        %dma_wait3A_106 = arith.constant 0 : i32
        %dma_wait3A_107 = tpu.memref_slice %arg2[%dma_wait3A_105, %dma_wait3A_106] : memref<10000x128xf32, #tpu.memory_space<hbm>> -> memref<10000x128xf32, #tpu.memory_space<hbm>>
        tpu.wait_indirect_dma semaphore(%run_scoped3A : memref<!tpu.dma_semaphore, #tpu.memory_space<semaphore_mem>>) src(%dma_wait3A_107 : memref<10000x128xf32, #tpu.memory_space<hbm>>) dst(%arg8 : memref<256x128xf32, #tpu.memory_space<vmem>>)
        tpu.yield
      }) : () -> ()
      "tpu.region"() ({
        %run_scoped3A = tpu.sem_alloc : memref<!tpu.dma_semaphore, #tpu.memory_space<semaphore_mem>>
        %dma_start3A_102 = arith.constant 0 : i32
        %dma_start3A_103 = arith.constant 0 : i32
        %dma_start3A_104 = tpu.memref_slice %arg7[%dma_start3A_102, %dma_start3A_103] : memref<10008x128xf32, #tpu.memory_space<vmem_shared>> -> memref<10008x128xf32, #tpu.memory_space<vmem_shared>>
        tpu.enqueue_indirect_dma source(%arg8 : memref<256x128xf32, #tpu.memory_space<vmem>>) target(%dma_start3A_104 : memref<10008x128xf32, #tpu.memory_space<vmem_shared>>) offsets(%arg16 : memref<256xi32, #tpu.memory_space<vmem>>) semaphore(%run_scoped3A : memref<!tpu.dma_semaphore, #tpu.memory_space<semaphore_mem>>) {add = true}
        %dma_wait3A_105 = arith.constant 0 : i32
        %dma_wait3A_106 = arith.constant 0 : i32
        %dma_wait3A_107 = tpu.memref_slice %arg7[%dma_wait3A_105, %dma_wait3A_106] : memref<10008x128xf32, #tpu.memory_space<vmem_shared>> -> memref<10008x128xf32, #tpu.memory_space<vmem_shared>>
        tpu.wait_indirect_dma semaphore(%run_scoped3A : memref<!tpu.dma_semaphore, #tpu.memory_space<semaphore_mem>>) src(%arg8 : memref<256x128xf32, #tpu.memory_space<vmem>>) dst(%dma_wait3A_107 : memref<10008x128xf32, #tpu.memory_space<vmem_shared>>)
        tpu.yield
      }) : () -> ()
      %add3A_95 = arith.constant 4 : i32
      %add3A_96 = arith.addi %add3A_90, %add3A_95 : i32
      %lt3A_97 = arith.constant 40 : i32
      %lt3A_98 = arith.cmpi slt, %add3A_96, %lt3A_97 : i32
      %convert_element_type3A_99 = arith.extui %lt3A_98 : i1 to i32
      %cond3A_100 = arith.constant 0 : i32
      %cond3A_101 = arith.cmpi ne, %convert_element_type3A_99, %cond3A_100 : i32
      scf.if %cond3A_101 {
        %add3A_102 = arith.constant 4 : i32
        %add3A_103 = arith.addi %add3A_90, %add3A_102 : i32
        %mul3A_104 = arith.constant 256 : i32
        %mul3A_105 = arith.muli %add3A_103, %mul3A_104 : i32
        %add3A_106 = arith.addi %mul3A_2, %mul3A_105 : i32
        %dma_start3A_107 = tpu.memref_slice %arg3[%add3A_106] : memref<327680xi32, #tpu.memory_space<hbm>> -> memref<256xi32, #tpu.memory_space<hbm>>
        %dma_start3A_108 = tpu.memref_slice %arg3[%add3A_106] : memref<327680xi32, #tpu.memory_space<hbm>> -> memref<256xi32, #tpu.memory_space<hbm>>
        tpu.enqueue_dma source(%dma_start3A_108 : memref<256xi32, #tpu.memory_space<hbm>>) target(%arg12 : memref<256xi32, #tpu.memory_space<vmem>>) target_semaphore(%arg20 : memref<!tpu.dma_semaphore, #tpu.memory_space<semaphore_mem>>)
        %add3A_109 = arith.constant 4 : i32
        %add3A_110 = arith.addi %add3A_90, %add3A_109 : i32
        %mul3A_111 = arith.constant 256 : i32
        %mul3A_112 = arith.muli %add3A_110, %mul3A_111 : i32
        %add3A_113 = arith.addi %mul3A_2, %mul3A_112 : i32
        %dma_start3A_114 = tpu.memref_slice %arg4[%add3A_113] : memref<327680xi32, #tpu.memory_space<hbm>> -> memref<256xi32, #tpu.memory_space<hbm>>
        %dma_start3A_115 = tpu.memref_slice %arg4[%add3A_113] : memref<327680xi32, #tpu.memory_space<hbm>> -> memref<256xi32, #tpu.memory_space<hbm>>
        tpu.enqueue_dma source(%dma_start3A_115 : memref<256xi32, #tpu.memory_space<hbm>>) target(%arg16 : memref<256xi32, #tpu.memory_space<vmem>>) target_semaphore(%arg24 : memref<!tpu.dma_semaphore, #tpu.memory_space<semaphore_mem>>)
      } else {
      }
    }
    %scan3A_39 = arith.constant 10 : i32
    %barrier3A_40 = arith.constant 0 : index
    tpu.barrier barrier_id(%barrier3A_40)
    %lt3A_41 = arith.constant 10 : i32
    %lt3A_42 = arith.cmpi slt, %arg1, %lt3A_41 : i32
    %convert_element_type3A_43 = arith.extui %lt3A_42 : i1 to i32
    %cond3A_44 = arith.constant 0 : i32
    %cond3A_45 = arith.cmpi ne, %convert_element_type3A_43, %cond3A_44 : i32
    scf.if %cond3A_45 {
      %mul3A_46 = arith.constant 1000 : i32
      %mul3A_47 = arith.muli %arg1, %mul3A_46 : i32
      %mul3A_48 = arith.constant 1000 : i32
      %mul3A_49 = arith.muli %arg1, %mul3A_48 : i32
      "tpu.region"() ({
        %run_scoped3A = tpu.sem_alloc : memref<!tpu.dma_semaphore, #tpu.memory_space<semaphore_mem>>
        %dma_start3A_50 = arith.constant 0 : i32
        %dma_start3A_51 = arith.constant 0 : i32
        %dma_start3A_52 = tpu.memref_slice %arg6[%arg0, %dma_start3A_50, %dma_start3A_51] : memref<2x10000x128xf32, #tpu.memory_space<hbm>> -> memref<1x10000x128xf32, #tpu.memory_space<hbm>>
        %dma_start3A_53 = tpu.memref_squeeze %dma_start3A_52 : memref<1x10000x128xf32, #tpu.memory_space<hbm>> -> memref<10000x128xf32, #tpu.memory_space<hbm>>
        %dma_start3A_54 = arith.constant 0 : i32
        %dma_start3A_55 = tpu.memref_slice %dma_start3A_53[%mul3A_49, %dma_start3A_54] : memref<10000x128xf32, #tpu.memory_space<hbm>> -> memref<1000x128xf32, #tpu.memory_space<hbm>>
        %dma_start3A_56 = arith.constant 0 : i32
        %dma_start3A_57 = tpu.memref_slice %arg7[%mul3A_47, %dma_start3A_56] : memref<10008x128xf32, #tpu.memory_space<vmem_shared>> -> memref<1000x128xf32, #tpu.memory_space<vmem_shared>>
        tpu.enqueue_dma source(%dma_start3A_57 : memref<1000x128xf32, #tpu.memory_space<vmem_shared>>) target(%dma_start3A_55 : memref<1000x128xf32, #tpu.memory_space<hbm>>) target_semaphore(%run_scoped3A : memref<!tpu.dma_semaphore, #tpu.memory_space<semaphore_mem>>)
        %dma_wait3A = arith.constant 0 : i32
        %dma_wait3A_58 = arith.constant 0 : i32
        %dma_wait3A_59 = tpu.memref_slice %arg6[%arg0, %dma_wait3A, %dma_wait3A_58] : memref<2x10000x128xf32, #tpu.memory_space<hbm>> -> memref<1x10000x128xf32, #tpu.memory_space<hbm>>
        %dma_wait3A_60 = tpu.memref_squeeze %dma_wait3A_59 : memref<1x10000x128xf32, #tpu.memory_space<hbm>> -> memref<10000x128xf32, #tpu.memory_space<hbm>>
        %dma_wait3A_61 = arith.constant 0 : i32
        %dma_wait3A_62 = tpu.memref_slice %dma_wait3A_60[%mul3A_49, %dma_wait3A_61] : memref<10000x128xf32, #tpu.memory_space<hbm>> -> memref<1000x128xf32, #tpu.memory_space<hbm>>
        %dma_wait3A_63 = arith.constant 0 : i32
        %dma_wait3A_64 = tpu.memref_slice %arg7[%mul3A_47, %dma_wait3A_63] : memref<10008x128xf32, #tpu.memory_space<vmem_shared>> -> memref<1000x128xf32, #tpu.memory_space<vmem_shared>>
        tpu.wait_dma2 semaphore(%run_scoped3A : memref<!tpu.dma_semaphore, #tpu.memory_space<semaphore_mem>>) src(%dma_wait3A_64 : memref<1000x128xf32, #tpu.memory_space<vmem_shared>>) dst(%dma_wait3A_62 : memref<1000x128xf32, #tpu.memory_space<hbm>>)
        tpu.yield
      }) : () -> ()
    } else {
    }
    return
  }
}

module attributes {stable_mosaic.version = 14 : i64} {
  func.func @_stage0_body(%arg0: i32, %arg1: memref<2x1000x16xf32, #tpu.memory_space<vmem>>, %arg2: memref<1000x128xf32, #tpu.memory_space<vmem>>, %arg3: memref<128x128xf32, #tpu.memory_space<vmem>>, %arg4: memref<1000x128xf32, #tpu.memory_space<vmem>>, %arg5: memref<1000x128xf32, #tpu.memory_space<vmem>>) attributes {dimension_semantics = [#tpu.dimension_semantics<arbitrary>], iteration_bounds = array<i64: 10>, scalar_prefetch = 0 : i64, scratch_operands = 0 : i64, tpu.core_type = #tpu.core_type<tc>, window_params = [{transform_indices = @transform_0, window_bounds = array<i64: 2, 1000, 16>}, {transform_indices = @transform_1, window_bounds = array<i64: 1000, 128>}, {pipeline_mode = #tpu.pipeline_mode<synchronous>, transform_indices = @transform_2, window_bounds = array<i64: 128, 128>}, {transform_indices = @transform_3, window_bounds = array<i64: 1000, 128>}, {transform_indices = @transform_4, window_bounds = array<i64: 1000, 128>}]} {
    %get3A = arith.constant 0 : index
    %get3A_0 = arith.constant 0 : index
    %get3A_1 = arith.constant 0 : index
    %get3A_2 = vector.load %arg1[%get3A, %get3A_0, %get3A_1] : memref<2x1000x16xf32, #tpu.memory_space<vmem>>, vector<1x1000x1xf32>
    %get3A_3 = vector.shape_cast %get3A_2 : vector<1x1000x1xf32> to vector<1000x1xf32>
    %get3A_4 = arith.constant 1 : index
    %get3A_5 = arith.constant 0 : index
    %get3A_6 = arith.constant 0 : index
    %get3A_7 = vector.load %arg1[%get3A_4, %get3A_5, %get3A_6] : memref<2x1000x16xf32, #tpu.memory_space<vmem>>, vector<1x1000x1xf32>
    %get3A_8 = vector.shape_cast %get3A_7 : vector<1x1000x1xf32> to vector<1000x1xf32>
    %add3A = arith.addf %get3A_3, %get3A_8 : vector<1000x1xf32>
    %add3A_9 = arith.constant 1.000000e+00 : f32
    %add3A_10 = vector.broadcast %add3A_9 : f32 to vector<1000x1xf32>
    %add3A_11 = arith.addf %add3A, %add3A_10 : vector<1000x1xf32>
    %rsqrt3A = math.rsqrt %add3A_11 : vector<1000x1xf32>
    %get3A_12 = arith.constant 0 : index
    %get3A_13 = arith.constant 0 : index
    %get3A_14 = vector.load %arg2[%get3A_12, %get3A_13] : memref<1000x128xf32, #tpu.memory_space<vmem>>, vector<1000x128xf32>
    %get3A_15 = arith.constant 0 : index
    %get3A_16 = arith.constant 0 : index
    %get3A_17 = vector.load %arg3[%get3A_15, %get3A_16] : memref<128x128xf32, #tpu.memory_space<vmem>>, vector<128x128xf32>
    %dot_general3A = arith.constant dense<0.000000e+00> : vector<1000x128xf32>
    %dot_general3A_18 = tpu.matmul %get3A_14, %get3A_17, %dot_general3A {dimension_numbers = #tpu.dot_dimension_numbers<[1], [0], [0], [1], [0, 0, 1, 1], [], []>, transpose_lhs_hint = false} : vector<1000x128xf32>, vector<128x128xf32>, vector<1000x128xf32> -> vector<1000x128xf32>
    %mul3A = vector.broadcast %rsqrt3A : vector<1000x1xf32> to vector<1000x128xf32>
    %mul3A_19 = arith.mulf %dot_general3A_18, %mul3A : vector<1000x128xf32>
    %swap3A = arith.constant 0 : index
    %swap3A_20 = arith.constant 0 : index
    %swap3A_21 = vector.load %arg4[%swap3A, %swap3A_20] : memref<1000x128xf32, #tpu.memory_space<vmem>>, vector<1000x128xf32>
    tpu.vector_store %arg4[%swap3A, %swap3A_20], %mul3A_19 {strides = array<i32>} : memref<1000x128xf32, #tpu.memory_space<vmem>>, vector<1000x128xf32>,
    %broadcast_in_dim3A = vector.shape_cast %rsqrt3A : vector<1000x1xf32> to vector<1000x1xf32>
    %broadcast_in_dim3A_22 = vector.broadcast %broadcast_in_dim3A : vector<1000x1xf32> to vector<1000x128xf32>
    %swap3A_23 = arith.constant 0 : index
    %swap3A_24 = arith.constant 0 : index
    %swap3A_25 = vector.load %arg5[%swap3A_23, %swap3A_24] : memref<1000x128xf32, #tpu.memory_space<vmem>>, vector<1000x128xf32>
    tpu.vector_store %arg5[%swap3A_23, %swap3A_24], %broadcast_in_dim3A_22 {strides = array<i32>} : memref<1000x128xf32, #tpu.memory_space<vmem>>, vector<1000x128xf32>,
    return
  }
  func.func @transform_0(%arg0: i32) -> (i32, i32, i32) {
    %c0_i32 = arith.constant 0 : i32
    %c0_i32_0 = arith.constant 0 : i32
    %c0_i32_1 = arith.constant 0 : i32
    return %c0_i32, %arg0, %c0_i32_0 : i32, i32, i32
  }
  func.func @transform_1(%arg0: i32) -> (i32, i32) {
    %c0_i32 = arith.constant 0 : i32
    %c0_i32_0 = arith.constant 0 : i32
    return %arg0, %c0_i32 : i32, i32
  }
  func.func @transform_2(%arg0: i32) -> (i32, i32) {
    %c0_i32 = arith.constant 0 : i32
    %c0_i32_0 = arith.constant 0 : i32
    %c0_i32_1 = arith.constant 0 : i32
    return %c0_i32, %c0_i32_0 : i32, i32
  }
  func.func @transform_3(%arg0: i32) -> (i32, i32) {
    %c0_i32 = arith.constant 0 : i32
    %c0_i32_0 = arith.constant 0 : i32
    return %arg0, %c0_i32 : i32, i32
  }
  func.func @transform_4(%arg0: i32) -> (i32, i32) {
    %c0_i32 = arith.constant 0 : i32
    %c0_i32_0 = arith.constant 0 : i32
    return %arg0, %c0_i32 : i32, i32
  }
}

module attributes {stable_mosaic.version = 14 : i64} {
  func.func @_mid_body(%arg0: i32, %arg1: memref<2x1000x128xf32, #tpu.memory_space<vmem>>, %arg2: memref<1000x128xf32, #tpu.memory_space<vmem>>, %arg3: memref<1000x128xf32, #tpu.memory_space<vmem>>, %arg4: memref<1x128xf32, #tpu.memory_space<vmem>>, %arg5: memref<1x128xf32, #tpu.memory_space<vmem>>, %arg6: memref<1x128xf32, #tpu.memory_space<vmem>>, %arg7: memref<128x128xf32, #tpu.memory_space<vmem>>, %arg8: memref<1000x128xf32, #tpu.memory_space<vmem>>) attributes {dimension_semantics = [#tpu.dimension_semantics<arbitrary>], iteration_bounds = array<i64: 10>, scalar_prefetch = 0 : i64, scratch_operands = 0 : i64, tpu.core_type = #tpu.core_type<tc>, window_params = [{transform_indices = @transform_0, window_bounds = array<i64: 2, 1000, 128>}, {transform_indices = @transform_1, window_bounds = array<i64: 1000, 128>}, {transform_indices = @transform_2, window_bounds = array<i64: 1000, 128>}, {pipeline_mode = #tpu.pipeline_mode<synchronous>, transform_indices = @transform_3, window_bounds = array<i64: 1, 128>}, {pipeline_mode = #tpu.pipeline_mode<synchronous>, transform_indices = @transform_4, window_bounds = array<i64: 1, 128>}, {pipeline_mode = #tpu.pipeline_mode<synchronous>, transform_indices = @transform_5, window_bounds = array<i64: 1, 128>}, {pipeline_mode = #tpu.pipeline_mode<synchronous>, transform_indices = @transform_6, window_bounds = array<i64: 128, 128>}, {transform_indices = @transform_7, window_bounds = array<i64: 1000, 128>}]} {
    %get3A = arith.constant 0 : index
    %get3A_0 = arith.constant 0 : index
    %get3A_1 = arith.constant 0 : index
    %get3A_2 = vector.load %arg1[%get3A, %get3A_0, %get3A_1] : memref<2x1000x128xf32, #tpu.memory_space<vmem>>, vector<1x1000x128xf32>
    %get3A_3 = vector.shape_cast %get3A_2 : vector<1x1000x128xf32> to vector<1000x128xf32>
    %get3A_4 = arith.constant 1 : index
    %get3A_5 = arith.constant 0 : index
    %get3A_6 = arith.constant 0 : index
    %get3A_7 = vector.load %arg1[%get3A_4, %get3A_5, %get3A_6] : memref<2x1000x128xf32, #tpu.memory_space<vmem>>, vector<1x1000x128xf32>
    %get3A_8 = vector.shape_cast %get3A_7 : vector<1x1000x128xf32> to vector<1000x128xf32>
    %add3A = arith.addf %get3A_3, %get3A_8 : vector<1000x128xf32>
    %get3A_9 = arith.constant 0 : index
    %get3A_10 = arith.constant 0 : index
    %get3A_11 = vector.load %arg2[%get3A_9, %get3A_10] : memref<1000x128xf32, #tpu.memory_space<vmem>>, vector<1000x128xf32>
    %add3A_12 = arith.addf %add3A, %get3A_11 : vector<1000x128xf32>
    %get3A_13 = arith.constant 0 : index
    %get3A_14 = arith.constant 0 : index
    %get3A_15 = vector.load %arg3[%get3A_13, %get3A_14] : memref<1000x128xf32, #tpu.memory_space<vmem>>, vector<1000x128xf32>
    %mul3A = arith.mulf %add3A_12, %get3A_15 : vector<1000x128xf32>
    %get3A_16 = arith.constant 0 : index
    %get3A_17 = arith.constant 0 : index
    %get3A_18 = vector.load %arg4[%get3A_16, %get3A_17] : memref<1x128xf32, #tpu.memory_space<vmem>>, vector<1x128xf32>
    %add3A_19 = vector.broadcast %get3A_18 : vector<1x128xf32> to vector<1000x128xf32>
    %add3A_20 = arith.addf %mul3A, %add3A_19 : vector<1000x128xf32>
    %max3A = arith.constant 0.000000e+00 : f32
    %max3A_21 = vector.broadcast %max3A : f32 to vector<1000x128xf32>
    %max3A_22 = arith.maximumf %add3A_20, %max3A_21 : vector<1000x128xf32>
    %reduce_sum3A = arith.constant dense<0.000000e+00> : vector<1000xf32>
    %reduce_sum3A_23 = vector.multi_reduction <add>, %max3A_22, %reduce_sum3A [1] : vector<1000x128xf32> to vector<1000xf32>
    %broadcast_in_dim3A = vector.shape_cast %reduce_sum3A_23 : vector<1000xf32> to vector<1000x1xf32>
    %div3A = arith.constant 1.280000e+02 : f32
    %div3A_24 = vector.broadcast %div3A : f32 to vector<1000x1xf32>
    %div3A_25 = arith.divf %broadcast_in_dim3A, %div3A_24 : vector<1000x1xf32>
    %sub3A = vector.broadcast %div3A_25 : vector<1000x1xf32> to vector<1000x128xf32>
    %sub3A_26 = arith.subf %max3A_22, %sub3A : vector<1000x128xf32>
    %integer_pow3A = arith.mulf %sub3A_26, %sub3A_26 : vector<1000x128xf32>
    %reduce_sum3A_27 = arith.constant dense<0.000000e+00> : vector<1000xf32>
    %reduce_sum3A_28 = vector.multi_reduction <add>, %integer_pow3A, %reduce_sum3A_27 [1] : vector<1000x128xf32> to vector<1000xf32>
    %broadcast_in_dim3A_29 = vector.shape_cast %reduce_sum3A_28 : vector<1000xf32> to vector<1000x1xf32>
    %div3A_30 = arith.constant 1.280000e+02 : f32
    %div3A_31 = vector.broadcast %div3A_30 : f32 to vector<1000x1xf32>
    %div3A_32 = arith.divf %broadcast_in_dim3A_29, %div3A_31 : vector<1000x1xf32>
    %sub3A_33 = vector.broadcast %div3A_25 : vector<1000x1xf32> to vector<1000x128xf32>
    %sub3A_34 = arith.subf %max3A_22, %sub3A_33 : vector<1000x128xf32>
    %add3A_35 = arith.constant 9.99999974E-6 : f32
    %add3A_36 = vector.broadcast %add3A_35 : f32 to vector<1000x1xf32>
    %add3A_37 = arith.addf %div3A_32, %add3A_36 : vector<1000x1xf32>
    %rsqrt3A = math.rsqrt %add3A_37 : vector<1000x1xf32>
    %mul3A_38 = vector.broadcast %rsqrt3A : vector<1000x1xf32> to vector<1000x128xf32>
    %mul3A_39 = arith.mulf %sub3A_34, %mul3A_38 : vector<1000x128xf32>
    %get3A_40 = arith.constant 0 : index
    %get3A_41 = arith.constant 0 : index
    %get3A_42 = vector.load %arg5[%get3A_40, %get3A_41] : memref<1x128xf32, #tpu.memory_space<vmem>>, vector<1x128xf32>
    %mul3A_43 = vector.broadcast %get3A_42 : vector<1x128xf32> to vector<1000x128xf32>
    %mul3A_44 = arith.mulf %mul3A_39, %mul3A_43 : vector<1000x128xf32>
    %get3A_45 = arith.constant 0 : index
    %get3A_46 = arith.constant 0 : index
    %get3A_47 = vector.load %arg6[%get3A_45, %get3A_46] : memref<1x128xf32, #tpu.memory_space<vmem>>, vector<1x128xf32>
    %add3A_48 = vector.broadcast %get3A_47 : vector<1x128xf32> to vector<1000x128xf32>
    %add3A_49 = arith.addf %mul3A_44, %add3A_48 : vector<1000x128xf32>
    %get3A_50 = arith.constant 0 : index
    %get3A_51 = arith.constant 0 : index
    %get3A_52 = vector.load %arg7[%get3A_50, %get3A_51] : memref<128x128xf32, #tpu.memory_space<vmem>>, vector<128x128xf32>
    %dot_general3A = arith.constant dense<0.000000e+00> : vector<1000x128xf32>
    %dot_general3A_53 = tpu.matmul %add3A_49, %get3A_52, %dot_general3A {dimension_numbers = #tpu.dot_dimension_numbers<[1], [0], [0], [1], [0, 0, 1, 1], [], []>, transpose_lhs_hint = false} : vector<1000x128xf32>, vector<128x128xf32>, vector<1000x128xf32> -> vector<1000x128xf32>
    %get3A_54 = arith.constant 0 : index
    %get3A_55 = arith.constant 0 : index
    %get3A_56 = vector.load %arg3[%get3A_54, %get3A_55] : memref<1000x128xf32, #tpu.memory_space<vmem>>, vector<1000x128xf32>
    %mul3A_57 = arith.mulf %dot_general3A_53, %get3A_56 : vector<1000x128xf32>
    %swap3A = arith.constant 0 : index
    %swap3A_58 = arith.constant 0 : index
    %swap3A_59 = vector.load %arg8[%swap3A, %swap3A_58] : memref<1000x128xf32, #tpu.memory_space<vmem>>, vector<1000x128xf32>
    tpu.vector_store %arg8[%swap3A, %swap3A_58], %mul3A_57 {strides = array<i32>} : memref<1000x128xf32, #tpu.memory_space<vmem>>, vector<1000x128xf32>,
    return
  }
  func.func @transform_0(%arg0: i32) -> (i32, i32, i32) {
    %c0_i32 = arith.constant 0 : i32
    %c0_i32_0 = arith.constant 0 : i32
    %c0_i32_1 = arith.constant 0 : i32
    return %c0_i32, %arg0, %c0_i32_0 : i32, i32, i32
  }
  func.func @transform_1(%arg0: i32) -> (i32, i32) {
    %c0_i32 = arith.constant 0 : i32
    %c0_i32_0 = arith.constant 0 : i32
    return %arg0, %c0_i32 : i32, i32
  }
  func.func @transform_2(%arg0: i32) -> (i32, i32) {
    %c0_i32 = arith.constant 0 : i32
    %c0_i32_0 = arith.constant 0 : i32
    return %arg0, %c0_i32 : i32, i32
  }
  func.func @transform_3(%arg0: i32) -> (i32, i32) {
    %c0_i32 = arith.constant 0 : i32
    %c0_i32_0 = arith.constant 0 : i32
    %c0_i32_1 = arith.constant 0 : i32
    return %c0_i32, %c0_i32_0 : i32, i32
  }
  func.func @transform_4(%arg0: i32) -> (i32, i32) {
    %c0_i32 = arith.constant 0 : i32
    %c0_i32_0 = arith.constant 0 : i32
    %c0_i32_1 = arith.constant 0 : i32
    return %c0_i32, %c0_i32_0 : i32, i32
  }
  func.func @transform_5(%arg0: i32) -> (i32, i32) {
    %c0_i32 = arith.constant 0 : i32
    %c0_i32_0 = arith.constant 0 : i32
    %c0_i32_1 = arith.constant 0 : i32
    return %c0_i32, %c0_i32_0 : i32, i32
  }
  func.func @transform_6(%arg0: i32) -> (i32, i32) {
    %c0_i32 = arith.constant 0 : i32
    %c0_i32_0 = arith.constant 0 : i32
    %c0_i32_1 = arith.constant 0 : i32
    return %c0_i32, %c0_i32_0 : i32, i32
  }
  func.func @transform_7(%arg0: i32) -> (i32, i32) {
    %c0_i32 = arith.constant 0 : i32
    %c0_i32_0 = arith.constant 0 : i32
    return %arg0, %c0_i32 : i32, i32
  }
}

module attributes {stable_mosaic.version = 14 : i64} {
  func.func @_head_body(%arg0: i32, %arg1: memref<2x1000x128xf32, #tpu.memory_space<vmem>>, %arg2: memref<1000x128xf32, #tpu.memory_space<vmem>>, %arg3: memref<1000x128xf32, #tpu.memory_space<vmem>>, %arg4: memref<1x128xf32, #tpu.memory_space<vmem>>, %arg5: memref<128x128xf32, #tpu.memory_space<vmem>>, %arg6: memref<1x128xf32, #tpu.memory_space<vmem>>, %arg7: memref<128x64xf32, #tpu.memory_space<vmem>>, %arg8: memref<1x64xf32, #tpu.memory_space<vmem>>, %arg9: memref<1000x64xf32, #tpu.memory_space<vmem>>) attributes {dimension_semantics = [#tpu.dimension_semantics<arbitrary>], iteration_bounds = array<i64: 10>, scalar_prefetch = 0 : i64, scratch_operands = 0 : i64, tpu.core_type = #tpu.core_type<tc>, window_params = [{transform_indices = @transform_0, window_bounds = array<i64: 2, 1000, 128>}, {transform_indices = @transform_1, window_bounds = array<i64: 1000, 128>}, {transform_indices = @transform_2, window_bounds = array<i64: 1000, 128>}, {pipeline_mode = #tpu.pipeline_mode<synchronous>, transform_indices = @transform_3, window_bounds = array<i64: 1, 128>}, {pipeline_mode = #tpu.pipeline_mode<synchronous>, transform_indices = @transform_4, window_bounds = array<i64: 128, 128>}, {pipeline_mode = #tpu.pipeline_mode<synchronous>, transform_indices = @transform_5, window_bounds = array<i64: 1, 128>}, {pipeline_mode = #tpu.pipeline_mode<synchronous>, transform_indices = @transform_6, window_bounds = array<i64: 128, 64>}, {pipeline_mode = #tpu.pipeline_mode<synchronous>, transform_indices = @transform_7, window_bounds = array<i64: 1, 64>}, {transform_indices = @transform_8, window_bounds = array<i64: 1000, 64>}]} {
    %get3A = arith.constant 0 : index
    %get3A_0 = arith.constant 0 : index
    %get3A_1 = arith.constant 0 : index
    %get3A_2 = vector.load %arg1[%get3A, %get3A_0, %get3A_1] : memref<2x1000x128xf32, #tpu.memory_space<vmem>>, vector<1x1000x128xf32>
    %get3A_3 = vector.shape_cast %get3A_2 : vector<1x1000x128xf32> to vector<1000x128xf32>
    %get3A_4 = arith.constant 1 : index
    %get3A_5 = arith.constant 0 : index
    %get3A_6 = arith.constant 0 : index
    %get3A_7 = vector.load %arg1[%get3A_4, %get3A_5, %get3A_6] : memref<2x1000x128xf32, #tpu.memory_space<vmem>>, vector<1x1000x128xf32>
    %get3A_8 = vector.shape_cast %get3A_7 : vector<1x1000x128xf32> to vector<1000x128xf32>
    %add3A = arith.addf %get3A_3, %get3A_8 : vector<1000x128xf32>
    %get3A_9 = arith.constant 0 : index
    %get3A_10 = arith.constant 0 : index
    %get3A_11 = vector.load %arg2[%get3A_9, %get3A_10] : memref<1000x128xf32, #tpu.memory_space<vmem>>, vector<1000x128xf32>
    %add3A_12 = arith.addf %add3A, %get3A_11 : vector<1000x128xf32>
    %get3A_13 = arith.constant 0 : index
    %get3A_14 = arith.constant 0 : index
    %get3A_15 = vector.load %arg3[%get3A_13, %get3A_14] : memref<1000x128xf32, #tpu.memory_space<vmem>>, vector<1000x128xf32>
    %mul3A = arith.mulf %add3A_12, %get3A_15 : vector<1000x128xf32>
    %get3A_16 = arith.constant 0 : index
    %get3A_17 = arith.constant 0 : index
    %get3A_18 = vector.load %arg4[%get3A_16, %get3A_17] : memref<1x128xf32, #tpu.memory_space<vmem>>, vector<1x128xf32>
    %add3A_19 = vector.broadcast %get3A_18 : vector<1x128xf32> to vector<1000x128xf32>
    %add3A_20 = arith.addf %mul3A, %add3A_19 : vector<1000x128xf32>
    %max3A = arith.constant 0.000000e+00 : f32
    %max3A_21 = vector.broadcast %max3A : f32 to vector<1000x128xf32>
    %max3A_22 = arith.maximumf %add3A_20, %max3A_21 : vector<1000x128xf32>
    %get3A_23 = arith.constant 0 : index
    %get3A_24 = arith.constant 0 : index
    %get3A_25 = vector.load %arg5[%get3A_23, %get3A_24] : memref<128x128xf32, #tpu.memory_space<vmem>>, vector<128x128xf32>
    %dot_general3A = arith.constant dense<0.000000e+00> : vector<1000x128xf32>
    %dot_general3A_26 = tpu.matmul %max3A_22, %get3A_25, %dot_general3A {dimension_numbers = #tpu.dot_dimension_numbers<[1], [0], [0], [1], [0, 0, 1, 1], [], []>, transpose_lhs_hint = false} : vector<1000x128xf32>, vector<128x128xf32>, vector<1000x128xf32> -> vector<1000x128xf32>
    %get3A_27 = arith.constant 0 : index
    %get3A_28 = arith.constant 0 : index
    %get3A_29 = vector.load %arg6[%get3A_27, %get3A_28] : memref<1x128xf32, #tpu.memory_space<vmem>>, vector<1x128xf32>
    %add3A_30 = vector.broadcast %get3A_29 : vector<1x128xf32> to vector<1000x128xf32>
    %add3A_31 = arith.addf %dot_general3A_26, %add3A_30 : vector<1000x128xf32>
    %get3A_32 = arith.constant 0 : index
    %get3A_33 = arith.constant 0 : index
    %get3A_34 = vector.load %arg7[%get3A_32, %get3A_33] : memref<128x64xf32, #tpu.memory_space<vmem>>, vector<128x64xf32>
    %dot_general3A_35 = arith.constant dense<0.000000e+00> : vector<1000x64xf32>
    %dot_general3A_36 = tpu.matmul %add3A_31, %get3A_34, %dot_general3A_35 {dimension_numbers = #tpu.dot_dimension_numbers<[1], [0], [0], [1], [0, 0, 1, 1], [], []>, transpose_lhs_hint = false} : vector<1000x128xf32>, vector<128x64xf32>, vector<1000x64xf32> -> vector<1000x64xf32>
    %get3A_37 = arith.constant 0 : index
    %get3A_38 = arith.constant 0 : index
    %get3A_39 = vector.load %arg8[%get3A_37, %get3A_38] : memref<1x64xf32, #tpu.memory_space<vmem>>, vector<1x64xf32>
    %add3A_40 = vector.broadcast %get3A_39 : vector<1x64xf32> to vector<1000x64xf32>
    %add3A_41 = arith.addf %dot_general3A_36, %add3A_40 : vector<1000x64xf32>
    %swap3A = arith.constant 0 : index
    %swap3A_42 = arith.constant 0 : index
    %swap3A_43 = vector.load %arg9[%swap3A, %swap3A_42] : memref<1000x64xf32, #tpu.memory_space<vmem>>, vector<1000x64xf32>
    tpu.vector_store %arg9[%swap3A, %swap3A_42], %add3A_41 {strides = array<i32>} : memref<1000x64xf32, #tpu.memory_space<vmem>>, vector<1000x64xf32>,
    return
  }
  func.func @transform_0(%arg0: i32) -> (i32, i32, i32) {
    %c0_i32 = arith.constant 0 : i32
    %c0_i32_0 = arith.constant 0 : i32
    %c0_i32_1 = arith.constant 0 : i32
    return %c0_i32, %arg0, %c0_i32_0 : i32, i32, i32
  }
  func.func @transform_1(%arg0: i32) -> (i32, i32) {
    %c0_i32 = arith.constant 0 : i32
    %c0_i32_0 = arith.constant 0 : i32
    return %arg0, %c0_i32 : i32, i32
  }
  func.func @transform_2(%arg0: i32) -> (i32, i32) {
    %c0_i32 = arith.constant 0 : i32
    %c0_i32_0 = arith.constant 0 : i32
    return %arg0, %c0_i32 : i32, i32
  }
  func.func @transform_3(%arg0: i32) -> (i32, i32) {
    %c0_i32 = arith.constant 0 : i32
    %c0_i32_0 = arith.constant 0 : i32
    %c0_i32_1 = arith.constant 0 : i32
    return %c0_i32, %c0_i32_0 : i32, i32
  }
  func.func @transform_4(%arg0: i32) -> (i32, i32) {
    %c0_i32 = arith.constant 0 : i32
    %c0_i32_0 = arith.constant 0 : i32
    %c0_i32_1 = arith.constant 0 : i32
    return %c0_i32, %c0_i32_0 : i32, i32
  }
  func.func @transform_5(%arg0: i32) -> (i32, i32) {
    %c0_i32 = arith.constant 0 : i32
    %c0_i32_0 = arith.constant 0 : i32
    %c0_i32_1 = arith.constant 0 : i32
    return %c0_i32, %c0_i32_0 : i32, i32
  }
  func.func @transform_6(%arg0: i32) -> (i32, i32) {
    %c0_i32 = arith.constant 0 : i32
    %c0_i32_0 = arith.constant 0 : i32
    %c0_i32_1 = arith.constant 0 : i32
    return %c0_i32, %c0_i32_0 : i32, i32
  }
  func.func @transform_7(%arg0: i32) -> (i32, i32) {
    %c0_i32 = arith.constant 0 : i32
    %c0_i32_0 = arith.constant 0 : i32
    %c0_i32_1 = arith.constant 0 : i32
    return %c0_i32, %c0_i32_0 : i32, i32
  }
  func.func @transform_8(%arg0: i32) -> (i32, i32) {
    %c0_i32 = arith.constant 0 : i32
    %c0_i32_0 = arith.constant 0 : i32
    return %arg0, %c0_i32 : i32, i32
  }
}

</mosaic_0001>

<sc_bundles>
// kernel: kernel.10.cloned.1.call-start
scs
__scs_entry_jumppad:
0x0: {  	(pc) =	sbr.rel $0x88, $3  }
0x1: {  	(tag) =	ssettag $0x0;
	lr =	simm.s32 $0x1  }
0x2: {  	[smem:$0x3F91] =	sst lr;
	_ =	strace $0xD0000000  }
0x3: {  	_ = 	snop  }
0x4: {  	_ = 	snop  }
0x5: {  	_ = 	snop  }
0x6: {  	_ = 	snop  }
0x7: {  	_ = 	snop  }
__scs_overlays_trampoline_lowered:
0x8: {  	[smem:$0x3FA0] =	sst s0  }
0x9: {  	[smem:$0x3FA1] =	sst s1  }
0xa: {  	[smem:$0x3FA2] =	sst s2  }
0xb: {  	[smem:$0x3FA3] =	sst s3  }
0xc: {  	[smem:$0x3FA4] =	sst s4  }
0xd: {  	[smem:$0x3FA5] =	sst s5  }
0xe: {  	[smem:$0x3FA6] =	sst s6  }
0xf: {  	[smem:$0x3FA7] =	sst s7  }
0x10: {  	[smem:$0x3FA8] =	sst s8  }
0x11: {  	[smem:$0x3FA9] =	sst s9;
	s0 =	simm.s32 @!p0 $0x0  }
0x12: {  	s1 =	sld [smem:$0x3F8F];
	s0 =	simm.s32 @p0 $0x1  }
0x13: {  	[smem:$0x3FAA] =	sst s0;
	s0 =	simm.s32 @!p1 $0x0  }
0x14: {  	s2 =	sld [smem:$0x3F8E];
	s0 =	simm.s32 @p1 $0x1  }
0x15: {  	[smem:$0x3FAB] =	sst s0;
	s0 =	simm.s32 @!p2 $0x0  }
0x16: {  	s3 =	sld [smem:$0x3FDB];
	s0 =	simm.s32 @p2 $0x1  }
0x17: {  	s4 =	simm.s32 $0x1BF5;
	[smem:$0x3FAD] =	sst s0  }
0x18: {  	s0 =	sld [smem:$0x3F90];
	_ =	swait.ge [sflag:s4], $0x0  }
0x19: {  	s7 =	sld [smem:$0x3F91]  }
0x1a: {  	s8 =	sadd.s32 $0xFFFFE003, lr  }
0x1b: {  	s9 =	sadd.s32 $0xFFFFFEF7, lr;
	s5 =	simm.s32 $0xFFFFFFFF;
	p2 =	slt.u32 s8, $0xFFFFF086  }
0x1c: {  	p1 =	slt.u32 s9, $0xF7A;
	s5 =	simm.s32 @!p2 $0x0  }
0x1d: {  	s5 =	simm.s32 @p1 $0x1;
	p0 =	seq.s32 s7, s2  }
0x1e: {  	s7 =	smul.u32 @!p0 $0xF7A, s2;
	p2 =	seq.s32 @!p0 s5, $0x0  }
0x1f: {  	s9 =	smul.u32 $0xF7A, s1;
	s8 =	simm.s32 @!p0 $0x1BF5;
	p2 =	por !p2, p0  }
0x20: {  	[sflag:s8] =	ssyncset.s32 @!p0 $0xFFFFF086;
	s6 =	sadd.s32 @!p0 s3, s7;
	s7 =	simm.s32 @!p0 $0x108  }
0x21: {  	s3 =	sadd.s32 s3, s9;
	s6 =	sadd.s32 @!p0 $0x88, s6;
	s7 =	simm.s32 @p2 $0x1082  }
0x22: {  	[simem:s7], [sflag:s8] =	dma.local @!p0 [hbm:s6], $0xF7A  }
0x23: {  	s9 =	sor.u32 $0xD0000000, s2;
	s6 =	simm.s32 $0x108;
	_ =	swait.ge @!p0 [sflag:s8], $0x0  }
0x24: {  	s3 =	sadd.s32 $0x88, s3;
	s6 =	simm.s32 @!p1 $0x1082;
	[sflag:s4] =	ssyncset.s32 $0xFFFFF086  }
0x25: {  	[simem:s6], [sflag:s4] =	dma.local [hbm:s3], $0xF7A  }
0x26: {  	[smem:$0x3F91] =	sst s1;
	(tag) =	ssettag s2;
	_ =	strace s9  }
0x27: {  	s1 =	sld [smem:$0x3FA1]  }
0x28: {  	s2 =	sld [smem:$0x3FA2]  }
0x29: {  	s4 =	sld [smem:$0x3FA4]  }
0x2a: {  	p0 =	seq.s32 s5, $0x0;
	s5 =	sld [smem:$0x3FA5]  }
0x2b: {  	s6 =	sld [smem:$0x3FA6]  }
0x2c: {  	s7 =	sld [smem:$0x3FA7]  }
0x2d: {  	s3 =	simm.s32 $0x108;
	s8 =	sld [smem:$0x3FA8]  }
0x2e: {  	s3 =	simm.s32 @!p0 $0x1082;
	s9 =	sld [smem:$0x3FA9]  }
0x2f: {  	lr =	sadd.s32 s0, s3;
	s0 =	sld [smem:$0x3FA0]  }
0x30: {  	s3 =	sld [smem:$0x3FA3]  }
0x31: {  	[smem:$0x3FAC] =	sst s10  }
0x32: {  	s10 =	sld [smem:$0x3FAA];
	_ =	sdelay $0x3  }
0x33: {  	p0 =	seq.s32 s10, $0x1;
	s10 =	sld [smem:$0x3FAC];
	_ =	sdelay $0x3  }
0x34: {  	[smem:$0x3FAC] =	sst s10  }
0x35: {  	s10 =	sld [smem:$0x3FAB];
	_ =	sdelay $0x3  }
0x36: {  	p1 =	seq.s32 s10, $0x1;
	s10 =	sld [smem:$0x3FAC];
	_ =	sdelay $0x3  }
0x37: {  	[smem:$0x3FAC] =	sst s10  }
0x38: {  	s10 =	sld [smem:$0x3FAD]  }
0x39: {  	_ = 	snop;
	(pc) =	sbr.ind lr, $3  }
0x3a: {  	_ = 	snop  }
0x3b: {  	_ = 	snop  }
0x3c: {  	p2 =	seq.s32 s10, $0x1;
	s10 =	sld [smem:$0x3FAC]  }
0x3d: {  	_ =	shalt  }
0x3e: {  	_ =	shalt  }
0x3f: {  	_ =	shalt  }
0x40: {  	_ =	shalt  }
0x41: {  	_ =	shalt  }
0x42: {  	_ =	shalt  }
0x43: {  	_ =	shalt  }
0x44: {  	_ =	shalt  }
0x45: {  	_ =	shalt  }
0x46: {  	_ =	shalt  }
0x47: {  	_ =	shalt  }
0x48: {  	_ =	shalt  }
0x49: {  	_ =	shalt  }
0x4a: {  	_ =	shalt  }
0x4b: {  	_ =	shalt  }
0x4c: {  	_ =	shalt  }
0x4d: {  	_ =	shalt  }
0x4e: {  	_ =	shalt  }
0x4f: {  	_ =	shalt  }
0x50: {  	_ =	shalt  }
0x51: {  	_ =	shalt  }
0x52: {  	_ =	shalt  }
0x53: {  	_ =	shalt  }
0x54: {  	_ =	shalt  }
0x55: {  	_ =	shalt  }
0x56: {  	_ =	shalt  }
0x57: {  	_ =	shalt  }
0x58: {  	_ =	shalt  }
0x59: {  	_ =	shalt  }
0x5a: {  	_ =	shalt  }
0x5b: {  	_ =	shalt  }
0x5c: {  	_ =	shalt  }
0x5d: {  	_ =	shalt  }
0x5e: {  	_ =	shalt  }
0x5f: {  	_ =	shalt  }
0x60: {  	_ =	shalt  }
0x61: {  	_ =	shalt  }
0x62: {  	_ =	shalt  }
0x63: {  	_ =	shalt  }
0x64: {  	_ =	shalt  }
0x65: {  	_ =	shalt  }
0x66: {  	_ =	shalt  }
0x67: {  	_ =	shalt  }
0x68: {  	_ =	shalt  }
0x69: {  	_ =	shalt  }
0x6a: {  	_ =	shalt  }
0x6b: {  	_ =	shalt  }
0x6c: {  	_ =	shalt  }
0x6d: {  	_ =	shalt  }
0x6e: {  	_ =	shalt  }
0x6f: {  	_ =	shalt  }
0x70: {  	_ =	shalt  }
0x71: {  	_ =	shalt  }
0x72: {  	_ =	shalt  }
0x73: {  	_ =	shalt  }
0x74: {  	_ =	shalt  }
0x75: {  	_ =	shalt  }
0x76: {  	_ =	shalt  }
0x77: {  	_ =	shalt  }
0x78: {  	_ =	shalt  }
0x79: {  	_ =	shalt  }
0x7a: {  	_ =	shalt  }
0x7b: {  	_ =	shalt  }
0x7c: {  	_ =	shalt  }
0x7d: {  	_ =	shalt  }
0x7e: {  	_ =	shalt  }
0x7f: {  	_ =	shalt  }
0x80: {  	_ =	shalt  }
0x81: {  	_ =	shalt  }
0x82: {  	_ =	shalt  }
0x83: {  	_ =	shalt  }
0x84: {  	_ =	shalt  }
0x85: {  	_ =	shalt  }
0x86: {  	_ =	shalt  }
0x87: {  	_ =	shalt  }
.Lfunc_end0:
.L_simem_size_0:
called_computation_lowered:
.L_overlay_start_0:
0x88: {  	s2 =	sld [smem:$0x3FD9]  }
0x89: {  	s3 =	sld [smem:$0x3FFE];
	_ =	sdelay $0x1  }
0x8a: {  	s1 =	srdreg.scid  }
0x8b: {  	s0 =	sand.u32 $0x1, s1  }
0x8c: {  	s17 =	sshll.u32 s0, $0xA;
	s2 =	sadd.s32 s3, s2  }
0x8d: {  	s2 =	sadd.s32 s2, s17  }
0x8e: {  	[smem:$0x3FB8] =	sst s2  }
0x8f: {  	_ = 	snop  }
0x90: {  	s2 =	sld [smem:$0x3FD0];
	(tm) =	ssettm $0x1  }
0x91: {  	s18 =	sld [smem:$0x3FFB];
	_ =	sdelay $0x3  }
0x92: {  	_ =	strace s18  }
0x93: {  	s3 =	sld [smem:$0x3FFC];
	_ =	sdelay $0x3  }
0x94: {  	_ =	strace s3  }
0x95: {  	s3 =	sld [smem:$0x3FFD];
	_ =	sdelay $0x3  }
0x96: {  	_ =	strace s3  }
0x97: {  	_ =	strace $0x8FFFFFFF  }
0x98: {  	s19 =	sld [smem:$0x3FDB];
	_ =	sdelay $0x1  }
0x99: {  	s4 =	simm.s32 $_scs_section_size  }
0x9a: {  	s5 =	simm.s32 $_size__tile_overlayer_lowered;
	s6 =	simm.s32 $_tile_overlayer_lowered  }
0x9b: {  	s22 =	simm.s32 $0x1BFF;
	s21 =	sshll.u32 s6, $0x1;
	s3 =	sadd.s32 s4, s19  }
0x9c: {  	s7 =	simm.s32 $0x0;
	s20 =	sshll.u32 s5, $0x1;
	s5 =	sadd.s32 s21, s3  }
0x9d: {  	[timem:s7], [sflag:s22] =	dma.local [hbm:s5], s20  }
0x9e: {  	_ =	swait.ge [sflag:s22], s20  }
0x9f: {  	s4 =	ssub.s32 $0x0, s20;
	[sflag:s22] =	ssyncset.done $0x0  }
0xa0: {  	[sflag:s22] =	ssyncadd.s32 s4;
	_ =	sdelay $0x1  }
0xa1: {  	s23 =	simm.s32 $0x1B8B  }
0xa2: {  	_ =	swait.ge [sflag:s23], $0x1  }
0xa3: {  	[sflag:s23] =	ssyncset.done $0x0  }
0xa4: {  	s25 =	simm.s32 $0x1B8E;
	s24 =	sld [smem:$0x3FFE];
	[sflag:s23] =	ssyncadd.s32 $0xFFFFFFFF  }
0xa5: {  	s26 =	simm.s32 $execute0_lowered;
	[smem:$0x3FD2] =	sst s25  }
0xa6: {  	s5 =	sshll.u32 s26, $0x1;
	_ =	strace $0x80000046;
	[dreg:$0x1] =	wrdreg $0xFFFFFFFF  }
0xa7: {  	s28 =	simm.s32 $_size_execute0_lowered;
	s3 =	sadd.s32 s3, s5;
	[dreg:$0x0] =	wrdreg $0x0  }
0xa8: {  	s5 =	sshll.u32 s28, $0x1;
	[dreg:$0x2] =	wrdreg s3  }
0xa9: {  	[dreg:$0x3] =	wrdreg s5  }
0xaa: {  	[dreg:$0x4] =	wrdreg $0xC0  }
0xab: {  	_ =	task [dreg:s7], $0x5FFFF  }
0xac: {  	[dreg:$0x1] =	wrdreg $0xFFFFFFFF  }
0xad: {  	[dreg:$0x0] =	wrdreg $0x60  }
0xae: {  	[dreg:$0x2] =	wrdreg s2  }
0xaf: {  	[dreg:$0x3] =	wrdreg s24  }
0xb0: {  	[dreg:$0x4] =	wrdreg $0x0  }
0xb1: {  	[dreg:$0x5] =	wrdreg $0x9  }
0xb2: {  	_ =	task.clear_ibuf [dreg:s7], $0x6FFFF;
	_ =	strace $0x90000046  }
0xb3: {  	s29 =	simm.s32 $0x9;
	_ =	strace $0x80000048  }
0xb4: {  	_ =	swait.ge [sflag:s29], $0x1  }
0xb5: {  	[sflag:s29] =	ssyncadd.s32 $0xFFFFFFFF  }
0xb6: {  	_ =	strace $0x90000048  }
0xb7: {  	_ =	sfence  }
0xb8: {  	s30 =	sld [smem:$0x0];
	_ =	sdelay $0x2  }
0xb9: {  	s31 =	sshll.u32 s1, $0xD;
	s1 =	sshrl.u32 s1, $0x2  }
0xba: {  	s3 =	sand.u32 $0x4000, s31;
	s1 =	sadd.s32 s1, s30  }
0xbb: {  	s0 =	sor.u32 s3, s0;
	s1 =	sshll.u32 s1, $0x11  }
0xbc: {  	s0 =	sor.u32 s1, s0  }
0xbd: {  	s0 =	sadd.s32 $0x8F2B, s0  }
0xbe: {  	[sflag:s0] =	ssyncadd.remote.s32 $0x1  }
0xbf: {  	_ =	sfence.sel $0xFFFF  }
0xc0: {  	[dreg:$0x0] =	wrdreg $0xFFFFFFFF;
	(pc) =	sbr.abs _section_cstart, $3  }
0xc1: {  	[dreg:$0x1] =	wrdreg $0xFFFFFFFF  }
0xc2: {  	_ =	task.clear_ibuf [dreg:s7], $0x2FFFF;
	_ =	strace $0x9FFFFFFF  }
0xc3: {  	(tm) =	ssettm $0x7FFFFFFF  }
tec
execute0_lowered:
.L_overlay_start_1:
0x0: {  	(tag) =	ssettag $0x1  }
0x1: {  	s14 =	rddreg [dreg:$0x0]  }
0x2: {  	s5 =	rddreg [dreg:$0x1]  }
0x3: {  	s2 =	rddreg [dreg:$0x2];
	s3 =	simm.s32 $0x0;
	s0 =	stileid.u32  }
0x4: {  	s4 =	srdreg.scid;
	s18 =	simm.s32 $0x5;
	s19 =	simm.s32 $0xA718  }
0x5: {  	s21 =	simm.s32 $0xA918;
	s28 =	simm.s32 $0x4;
	s24 =	smul.u32 $0x3E80, s0  }
0x6: {  	s29 =	simm.s32 $0x0;
	[smem:$0x7FF] =	sst s3;
	s23 =	smul.u32 $0x7D000, s0  }
0x7: {  	s6 =	sand.u32 $0x1, s4;
	s13 =	smul.u32 $0x2800, s0;
	p0 =	sgt.u32 s0, $0x9  }
0x8: {  	_ =	strace $0x80000047;
	s4 =	sshll.u32 s6, $0x4;
	s8 =	smul.u32 $0x27100, s6  }
0x9: {  	s10 =	ssub.s32 $0x2, s6;
	s12 =	smul.u32 $0x28000, s6;
	s7 =	sadd.s32 s24, s5  }
0xa: {  	s9 =	sor.u32 s0, s4;
	s4 =	sadd.s32 $0x34E00, s5;
	s22 =	sshrl.u32 s10, $0x1  }
0xb: {  	s26 =	sshrl.u32 s23, $0x2;
	s23 =	simm.s32 $0x1;
	s9 =	smul.u32 $0x2800, s9  }
0xc: {  	s11 =	sadd.s32 s8, s5;
	s10 =	ssub.s32 s10, s22;
	s16 =	sadd.s32 s26, s2  }
0xd: {  	s6 =	sadd.s32 $0xDC00, s7;
	s13 =	sadd.s32 s13, s12;
	s22 =	simm.s32 $0xAA18  }
0xe: {  	s26 =	simm.s32 $0x3;
	s30 =	sor.u32 $0x700, s13;
	s12 =	sor.u32 $0x600, s13  }
0xf: {  	s10 =	smax.u32 s10, $0x1;
	s15 =	sor.u32 $0x500, s13;
	s17 =	sor.u32 $0x400, s13  }
0x10: {  	s16 =	sshrl.u32 @!p0 s16, $0x3;
	s25 =	sshrl.u32 s9, $0x3;
	s12 =	sshrl.u32 s12, $0x3  }
0x11: {  	s15 =	sshrl.u32 s15, $0x3;
	s31 =	sshrl.u32 s17, $0x3;
	s17 =	sshll.u32 @!p0 s0, $0x6  }
.Ltmp0:
0x12: {  	s5 =	sadd.s32 s14, s25;
	s25 =	sadd.s32 $0x35E00, s11;
	(pc) =	sbr.rel .LBB2_1-.Ltmp0, $4  }
0x13: {  	s11 =	sshrl.u32 s30, $0x3;
	s12 =	sadd.s32 s12, s14;
	s13 =	sadd.s32 s15, s14  }
0x14: {  	s15 =	sor.u32 @!p0 $0x1C05, s17;
	s17 =	simm.s32 $0x2718;
	s7 =	sadd.s32 $0x20, s5  }
0x15: {  	s8 =	sadd.s32 $0x40, s5;
	s9 =	sadd.s32 $0x60, s5;
	s11 =	sadd.s32 s11, s14  }
0x16: {  	s14 =	sadd.s32 s31, s14;
	s24 =	sadd.s32 @!p0 s24, s25;
	s25 =	simm.s32 $0x100  }
.LBB2_4:
0x17: {  	_ =	swait.ge [sflag:s28], $0x100  }
0x18: {  	[sflag:s28] =	ssyncset.done $0x0  }
0x19: {  	[sflag:s28] =	ssyncadd.s32 $0xFFFFFF00  }
0x1a: {  	[spmem:s2] =	stream.indirect.scatter.add.f32 [tilespmem:s17], [sflag:$0x5], $0x10, s22, s25, $0xb8;
	[tilespmem:$0xAB18] =	vst v63  }
0x1b: {  	_ =	swait.ge [sflag:s18], $0x1000  }
0x1c: {  	s29 =	sadd.s32 $0x1, s29;
	[sflag:s18] =	ssyncset.done $0x0  }
0x1d: {  	p1 =	sne.s32 s29, s10;
	[sflag:s18] =	ssyncadd.s32 $0xFFFFF000  }
.Ltmp1:
0x1e: {  	s0 =	simm.s32 @!p0 $0x5;
	[bflag:$0x0] =	sbarrier.arrive $0xFFFF;
	(pc) =	sbr.rel @!p1 .LBB2_5-.Ltmp1, $4  }
0x1f: {  	[hbm:s24], [sflag:s15] =	dma.local @!p0 [spmem:s16], $0x3E80  }
0x20: {  	_ =	swait.ge @!p0 [sflag:s0], $0x3E80  }
0x21: {  	[sflag:s0] =	ssyncset.done @!p0 $0x0  }
0x22: {  	[sflag:s0] =	ssyncadd.s32 @!p0 $0xFFFFC180  }
.LBB2_1:
0x23: {  	[spmem:s16], [sflag:s15] =	dma.local @!p0 [hbm:s6], $0x3E80  }
0x24: {  	s30 =	simm.s32 @!p0 $0x5  }
0x25: {  	_ =	swait.ge @!p0 [sflag:s30], $0x3E80  }
0x26: {  	[sflag:s30] =	ssyncset.done @!p0 $0x0  }
0x27: {  	[sflag:s30] =	ssyncadd.s32 @!p0 $0xFFFFC180  }
0x28: {  	[tilespmem:s17], [sflag:$0x5] =	stream.linear.gather [hbm4b:s4+s3], $0x8000, $0x38;
	[tilespmem:$0xAB18] =	vst v63  }
0x29: {  	_ =	swait.ge [sflag:s18], $0x8000  }
0x2a: {  	[sflag:s18] =	ssyncset.done $0x0  }
0x2b: {  	[sflag:s18] =	ssyncadd.s32 $0xFFFF8000  }
0x2c: {  	[tilespmem:s19], [sflag:$0x1] =	stream.linear.gather [hbm4b:s5+s3], $0x100, $0x38;
	[tilespmem:$0xAB18] =	vst v63  }
0x2d: {  	s0 =	simm.s32 $0xA818  }
0x2e: {  	[tilespmem:s0], [sflag:$0x2] =	stream.linear.gather [hbm4b:s7+s3], $0x100, $0x38;
	[tilespmem:$0xAB18] =	vst v63  }
0x2f: {  	_ = 	snop  }
0x30: {  	[tilespmem:s21], [sflag:$0x3] =	stream.linear.gather [hbm4b:s8+s3], $0x100, $0x38;
	[tilespmem:$0xAB18] =	vst v63  }
0x31: {  	_ = 	snop  }
0x32: {  	[tilespmem:s22], [sflag:$0x4] =	stream.linear.gather [hbm4b:s9+s3], $0x100, $0x38;
	[tilespmem:$0xAB18] =	vst v63  }
0x33: {  	s30 =	simm.s32 $0x0;
	[bflag:$0x0] =	sbarrier.arrive $0xFFFF  }
.LBB2_2:
0x34: {  	_ =	swait.ge [sflag:s23], $0x100  }
0x35: {  	[sflag:s23] =	ssyncset.done $0x0  }
0x36: {  	[sflag:s23] =	ssyncadd.s32 $0xFFFFFF00  }
0x37: {  	[spmem:s2] =	stream.indirect.scatter.add.f32 [tilespmem:s17], [sflag:$0x5], $0x10, s19, s25, $0xb8;
	[tilespmem:$0xAB18] =	vst v63  }
0x38: {  	_ =	swait.ge [sflag:s18], $0x1000  }
0x39: {  	p1 =	seq.s32 s30, $0x480;
	[sflag:s18] =	ssyncset.done $0x0  }
0x3a: {  	s31 =	simm.s32 @p1 $0x2;
	[sflag:s18] =	ssyncadd.s32 $0xFFFFF000  }
0x3b: {  	_ =	swait.ge @p1 [sflag:s31], $0x100  }
0x3c: {  	s0 =	simm.s32 @p1 $0xA818;
	[sflag:s31] =	ssyncset.done @p1 $0x0  }
0x3d: {  	s1 =	simm.s32 @p1 $0x2718;
	[sflag:s31] =	ssyncadd.s32 @p1 $0xFFFFFF00;
	s31 =	simm.s32 @p1 $0x100  }
0x3e: {  	[spmem:s2] =	stream.indirect.scatter.add.f32 @p1 [tilespmem:s1], [sflag:$0x5], $0x10, s0, s31, $0xb8;
	[tilespmem:$0xAB18] =	vst v63  }
0x3f: {  	s0 =	simm.s32 @p1 $0x5  }
0x40: {  	_ =	swait.ge @p1 [sflag:s0], $0x1000  }
0x41: {  	s1 =	simm.s32 @!p1 $0x0;
	[sflag:s0] =	ssyncset.done @p1 $0x0  }
0x42: {  	s31 =	simm.s32 @!p1 $0xA718;
	[sflag:s0] =	ssyncadd.s32 @p1 $0xFFFFF000;
	s0 =	sadd.s32 @!p1 s30, s14  }
0x43: {  	[tilespmem:s31], [sflag:$0x1] =	stream.linear.gather @!p1 [hbm4b:s0+s1], $0x100, $0x38;
	[tilespmem:$0xAB18] =	vst v63  }
0x44: {  	s0 =	simm.s32 @!p1 $0x2  }
0x45: {  	_ =	swait.ge @!p1 [sflag:s0], $0x100  }
0x46: {  	s20 =	simm.s32 @!p1 $0x2718;
	[sflag:s0] =	ssyncset.done @!p1 $0x0  }
0x47: {  	s31 =	simm.s32 @!p1 $0xA818;
	[sflag:s0] =	ssyncadd.s32 @!p1 $0xFFFFFF00;
	s0 =	simm.s32 @!p1 $0x100  }
0x48: {  	[spmem:s2] =	stream.indirect.scatter.add.f32 @!p1 [tilespmem:s20], [sflag:$0x5], $0x10, s31, s0, $0xb8;
	[tilespmem:$0xAB18] =	vst v63  }
0x49: {  	s0 =	simm.s32 @!p1 $0x5  }
0x4a: {  	_ =	swait.ge @!p1 [sflag:s0], $0x1000  }
0x4b: {  	[sflag:s0] =	ssyncset.done @!p1 $0x0  }
0x4c: {  	[sflag:s0] =	ssyncadd.s32 @!p1 $0xFFFFF000;
	s0 =	sadd.s32 @!p1 s30, s13  }
0x4d: {  	[tilespmem:s31], [sflag:$0x2] =	stream.linear.gather @!p1 [hbm4b:s0+s1], $0x100, $0x38;
	[tilespmem:$0xAB18] =	vst v63  }
0x4e: {  	_ =	swait.ge [sflag:s26], $0x100  }
0x4f: {  	[sflag:s26] =	ssyncset.done $0x0  }
.Ltmp2:
0x50: {  	[sflag:s26] =	ssyncadd.s32 $0xFFFFFF00;
	(pc) =	sbr.rel @p1 .LBB2_4-.Ltmp2, $4  }
0x51: {  	[spmem:s2] =	stream.indirect.scatter.add.f32 [tilespmem:s17], [sflag:$0x5], $0x10, s21, s25, $0xb8;
	[tilespmem:$0xAB18] =	vst v63  }
0x52: {  	_ =	swait.ge [sflag:s18], $0x1000  }
0x53: {  	[sflag:s18] =	ssyncset.done $0x0  }
0x54: {  	[sflag:s18] =	ssyncadd.s32 $0xFFFFF000  }
0x55: {  	s0 =	sadd.s32 s30, s12  }
0x56: {  	[tilespmem:s21], [sflag:$0x3] =	stream.linear.gather [hbm4b:s0+s3], $0x100, $0x38;
	[tilespmem:$0xAB18] =	vst v63  }
0x57: {  	_ =	swait.ge [sflag:s28], $0x100  }
0x58: {  	[sflag:s28] =	ssyncset.done $0x0  }
0x59: {  	[sflag:s28] =	ssyncadd.s32 $0xFFFFFF00  }
0x5a: {  	[spmem:s2] =	stream.indirect.scatter.add.f32 [tilespmem:s17], [sflag:$0x5], $0x10, s22, s25, $0xb8;
	[tilespmem:$0xAB18] =	vst v63  }
.Ltmp3:
0x5b: {  	_ = 	snop;
	(pc) =	sbr.rel .LBB2_2-.Ltmp3, $4  }
0x5c: {  	_ =	swait.ge [sflag:s18], $0x1000  }
0x5d: {  	[sflag:s18] =	ssyncset.done $0x0  }
0x5e: {  	s31 =	sadd.s32 s30, s11;
	s30 =	sadd.s32 $0x80, s30;
	[sflag:s18] =	ssyncadd.s32 $0xFFFFF000  }
0x5f: {  	[tilespmem:s22], [sflag:$0x4] =	stream.linear.gather [hbm4b:s31+s3], $0x100, $0x38;
	[tilespmem:$0xAB18] =	vst v63  }
.LBB2_5:
0x60: {  	_ =	sfence.sel $0x180000  }
0x61: {  	[bflag:$0x0] =	sbarrier.arrive $0xFFFF  }
0x62: {  	_ =	strace $0x90000047  }
0x63: {  	s0 =	stileid.u32;
	[bflag:$0x2] =	sbarrier.arrive $0xFFFF  }
0x64: {  	p0 =	sne.s32 s0, $0x0;
	s0 =	rddreg [dreg:$0x3]  }
0x65: {  	s0 =	sadd.s32 @!p0 $0x100000, s0  }
0x66: {  	[sflag:s0] =	ssyncadd.tile.s32 @!p0 $0x1;
	_ =	shalt  }
.Lfunc_end2:
_tile_overlayer_lowered:
.L_overlay_start_2:
0x67: {  	(tag) =	ssettag $0x2  }
0x68: {  	s0 =	rddreg [dreg:$0x0];
	s2 =	stileid.u32  }
0x69: {  	s1 =	rddreg [dreg:$0x1];
	p0 =	sne.s32 s2, $0x0  }
0x6a: {  	s3 =	rddreg [dreg:$0x2];
	[bflag:$0x3] =	sbarrier.arrive $0xFFFF;
	s2 =	simm.s32 @!p0 $0x1C05  }
0x6b: {  	[timem:s3], [sflag:s2] =	dma.local @!p0 [hbm:s0], s1  }
0x6c: {  	s0 =	simm.s32 @!p0 $0x5  }
0x6d: {  	_ =	swait.ge @!p0 [sflag:s0], s1  }
0x6e: {  	s1 =	ssub.s32 @!p0 $0x0, s1;
	[sflag:s0] =	ssyncset.done @!p0 $0x0  }
0x6f: {  	[sflag:s0] =	ssyncadd.s32 @!p0 s1  }
0x70: {  	[bflag:$0x3] =	sbarrier.arrive $0xFFFF  }
0x71: {  	_ =	shalt  }

// kernel: kernel.13.cloned.1.call-start
scs
__scs_entry_jumppad:
0x0: {  	(pc) =	sbr.rel $0x88, $3  }
0x1: {  	(tag) =	ssettag $0x0;
	lr =	simm.s32 $0x1  }
0x2: {  	[smem:$0x3F91] =	sst lr;
	_ =	strace $0xD0000000  }
0x3: {  	_ = 	snop  }
0x4: {  	_ = 	snop  }
0x5: {  	_ = 	snop  }
0x6: {  	_ = 	snop  }
0x7: {  	_ = 	snop  }
__scs_overlays_trampoline_lowered:
0x8: {  	[smem:$0x3FA0] =	sst s0  }
0x9: {  	[smem:$0x3FA1] =	sst s1  }
0xa: {  	[smem:$0x3FA2] =	sst s2  }
0xb: {  	[smem:$0x3FA3] =	sst s3  }
0xc: {  	[smem:$0x3FA4] =	sst s4  }
0xd: {  	[smem:$0x3FA5] =	sst s5  }
0xe: {  	[smem:$0x3FA6] =	sst s6  }
0xf: {  	[smem:$0x3FA7] =	sst s7  }
0x10: {  	[smem:$0x3FA8] =	sst s8  }
0x11: {  	[smem:$0x3FA9] =	sst s9;
	s0 =	simm.s32 @!p0 $0x0  }
0x12: {  	s1 =	sld [smem:$0x3F8F];
	s0 =	simm.s32 @p0 $0x1  }
0x13: {  	[smem:$0x3FAA] =	sst s0;
	s0 =	simm.s32 @!p1 $0x0  }
0x14: {  	s2 =	sld [smem:$0x3F8E];
	s0 =	simm.s32 @p1 $0x1  }
0x15: {  	[smem:$0x3FAB] =	sst s0;
	s0 =	simm.s32 @!p2 $0x0  }
0x16: {  	s3 =	sld [smem:$0x3FDB];
	s0 =	simm.s32 @p2 $0x1  }
0x17: {  	s4 =	simm.s32 $0x1BF5;
	[smem:$0x3FAD] =	sst s0  }
0x18: {  	s0 =	sld [smem:$0x3F90];
	_ =	swait.ge [sflag:s4], $0x0  }
0x19: {  	s7 =	sld [smem:$0x3F91]  }
0x1a: {  	s8 =	sadd.s32 $0xFFFFE003, lr  }
0x1b: {  	s9 =	sadd.s32 $0xFFFFFEF7, lr;
	s5 =	simm.s32 $0xFFFFFFFF;
	p2 =	slt.u32 s8, $0xFFFFF086  }
0x1c: {  	p1 =	slt.u32 s9, $0xF7A;
	s5 =	simm.s32 @!p2 $0x0  }
0x1d: {  	s5 =	simm.s32 @p1 $0x1;
	p0 =	seq.s32 s7, s2  }
0x1e: {  	s7 =	smul.u32 @!p0 $0xF7A, s2;
	p2 =	seq.s32 @!p0 s5, $0x0  }
0x1f: {  	s9 =	smul.u32 $0xF7A, s1;
	s8 =	simm.s32 @!p0 $0x1BF5;
	p2 =	por !p2, p0  }
0x20: {  	[sflag:s8] =	ssyncset.s32 @!p0 $0xFFFFF086;
	s6 =	sadd.s32 @!p0 s3, s7;
	s7 =	simm.s32 @!p0 $0x108  }
0x21: {  	s3 =	sadd.s32 s3, s9;
	s6 =	sadd.s32 @!p0 $0x88, s6;
	s7 =	simm.s32 @p2 $0x1082  }
0x22: {  	[simem:s7], [sflag:s8] =	dma.local @!p0 [hbm:s6], $0xF7A  }
0x23: {  	s9 =	sor.u32 $0xD0000000, s2;
	s6 =	simm.s32 $0x108;
	_ =	swait.ge @!p0 [sflag:s8], $0x0  }
0x24: {  	s3 =	sadd.s32 $0x88, s3;
	s6 =	simm.s32 @!p1 $0x1082;
	[sflag:s4] =	ssyncset.s32 $0xFFFFF086  }
0x25: {  	[simem:s6], [sflag:s4] =	dma.local [hbm:s3], $0xF7A  }
0x26: {  	[smem:$0x3F91] =	sst s1;
	(tag) =	ssettag s2;
	_ =	strace s9  }
0x27: {  	s1 =	sld [smem:$0x3FA1]  }
0x28: {  	s2 =	sld [smem:$0x3FA2]  }
0x29: {  	s4 =	sld [smem:$0x3FA4]  }
0x2a: {  	p0 =	seq.s32 s5, $0x0;
	s5 =	sld [smem:$0x3FA5]  }
0x2b: {  	s6 =	sld [smem:$0x3FA6]  }
0x2c: {  	s7 =	sld [smem:$0x3FA7]  }
0x2d: {  	s3 =	simm.s32 $0x108;
	s8 =	sld [smem:$0x3FA8]  }
0x2e: {  	s3 =	simm.s32 @!p0 $0x1082;
	s9 =	sld [smem:$0x3FA9]  }
0x2f: {  	lr =	sadd.s32 s0, s3;
	s0 =	sld [smem:$0x3FA0]  }
0x30: {  	s3 =	sld [smem:$0x3FA3]  }
0x31: {  	[smem:$0x3FAC] =	sst s10  }
0x32: {  	s10 =	sld [smem:$0x3FAA];
	_ =	sdelay $0x3  }
0x33: {  	p0 =	seq.s32 s10, $0x1;
	s10 =	sld [smem:$0x3FAC];
	_ =	sdelay $0x3  }
0x34: {  	[smem:$0x3FAC] =	sst s10  }
0x35: {  	s10 =	sld [smem:$0x3FAB];
	_ =	sdelay $0x3  }
0x36: {  	p1 =	seq.s32 s10, $0x1;
	s10 =	sld [smem:$0x3FAC];
	_ =	sdelay $0x3  }
0x37: {  	[smem:$0x3FAC] =	sst s10  }
0x38: {  	s10 =	sld [smem:$0x3FAD]  }
0x39: {  	_ = 	snop;
	(pc) =	sbr.ind lr, $3  }
0x3a: {  	_ = 	snop  }
0x3b: {  	_ = 	snop  }
0x3c: {  	p2 =	seq.s32 s10, $0x1;
	s10 =	sld [smem:$0x3FAC]  }
0x3d: {  	_ =	shalt  }
0x3e: {  	_ =	shalt  }
0x3f: {  	_ =	shalt  }
0x40: {  	_ =	shalt  }
0x41: {  	_ =	shalt  }
0x42: {  	_ =	shalt  }
0x43: {  	_ =	shalt  }
0x44: {  	_ =	shalt  }
0x45: {  	_ =	shalt  }
0x46: {  	_ =	shalt  }
0x47: {  	_ =	shalt  }
0x48: {  	_ =	shalt  }
0x49: {  	_ =	shalt  }
0x4a: {  	_ =	shalt  }
0x4b: {  	_ =	shalt  }
0x4c: {  	_ =	shalt  }
0x4d: {  	_ =	shalt  }
0x4e: {  	_ =	shalt  }
0x4f: {  	_ =	shalt  }
0x50: {  	_ =	shalt  }
0x51: {  	_ =	shalt  }
0x52: {  	_ =	shalt  }
0x53: {  	_ =	shalt  }
0x54: {  	_ =	shalt  }
0x55: {  	_ =	shalt  }
0x56: {  	_ =	shalt  }
0x57: {  	_ =	shalt  }
0x58: {  	_ =	shalt  }
0x59: {  	_ =	shalt  }
0x5a: {  	_ =	shalt  }
0x5b: {  	_ =	shalt  }
0x5c: {  	_ =	shalt  }
0x5d: {  	_ =	shalt  }
0x5e: {  	_ =	shalt  }
0x5f: {  	_ =	shalt  }
0x60: {  	_ =	shalt  }
0x61: {  	_ =	shalt  }
0x62: {  	_ =	shalt  }
0x63: {  	_ =	shalt  }
0x64: {  	_ =	shalt  }
0x65: {  	_ =	shalt  }
0x66: {  	_ =	shalt  }
0x67: {  	_ =	shalt  }
0x68: {  	_ =	shalt  }
0x69: {  	_ =	shalt  }
0x6a: {  	_ =	shalt  }
0x6b: {  	_ =	shalt  }
0x6c: {  	_ =	shalt  }
0x6d: {  	_ =	shalt  }
0x6e: {  	_ =	shalt  }
0x6f: {  	_ =	shalt  }
0x70: {  	_ =	shalt  }
0x71: {  	_ =	shalt  }
0x72: {  	_ =	shalt  }
0x73: {  	_ =	shalt  }
0x74: {  	_ =	shalt  }
0x75: {  	_ =	shalt  }
0x76: {  	_ =	shalt  }
0x77: {  	_ =	shalt  }
0x78: {  	_ =	shalt  }
0x79: {  	_ =	shalt  }
0x7a: {  	_ =	shalt  }
0x7b: {  	_ =	shalt  }
0x7c: {  	_ =	shalt  }
0x7d: {  	_ =	shalt  }
0x7e: {  	_ =	shalt  }
0x7f: {  	_ =	shalt  }
0x80: {  	_ =	shalt  }
0x81: {  	_ =	shalt  }
0x82: {  	_ =	shalt  }
0x83: {  	_ =	shalt  }
0x84: {  	_ =	shalt  }
0x85: {  	_ =	shalt  }
0x86: {  	_ =	shalt  }
0x87: {  	_ =	shalt  }
.Lfunc_end0:
.L_simem_size_0:
called_computation.1_lowered:
.L_overlay_start_0:
0x88: {  	s2 =	sld [smem:$0x3FD9]  }
0x89: {  	s3 =	sld [smem:$0x3FFE];
	_ =	sdelay $0x1  }
0x8a: {  	s1 =	srdreg.scid  }
0x8b: {  	s0 =	sand.u32 $0x1, s1  }
0x8c: {  	s17 =	sshll.u32 s0, $0xA;
	s2 =	sadd.s32 s3, s2  }
0x8d: {  	s2 =	sadd.s32 s2, s17  }
0x8e: {  	[smem:$0x3FB8] =	sst s2  }
0x8f: {  	_ = 	snop  }
0x90: {  	s2 =	sld [smem:$0x3FD0];
	(tm) =	ssettm $0x1  }
0x91: {  	s18 =	sld [smem:$0x3FFB];
	_ =	sdelay $0x3  }
0x92: {  	_ =	strace s18  }
0x93: {  	s3 =	sld [smem:$0x3FFC];
	_ =	sdelay $0x3  }
0x94: {  	_ =	strace s3  }
0x95: {  	s3 =	sld [smem:$0x3FFD];
	_ =	sdelay $0x3  }
0x96: {  	_ =	strace s3  }
0x97: {  	_ =	strace $0x8FFFFFFF  }
0x98: {  	s19 =	sld [smem:$0x3FDB];
	_ =	sdelay $0x1  }
0x99: {  	s4 =	simm.s32 $_scs_section_size  }
0x9a: {  	s5 =	simm.s32 $_size__tile_overlayer_lowered;
	s6 =	simm.s32 $_tile_overlayer_lowered  }
0x9b: {  	s22 =	simm.s32 $0x1BFF;
	s21 =	sshll.u32 s6, $0x1;
	s3 =	sadd.s32 s4, s19  }
0x9c: {  	s7 =	simm.s32 $0x0;
	s20 =	sshll.u32 s5, $0x1;
	s5 =	sadd.s32 s21, s3  }
0x9d: {  	[timem:s7], [sflag:s22] =	dma.local [hbm:s5], s20  }
0x9e: {  	_ =	swait.ge [sflag:s22], s20  }
0x9f: {  	s4 =	ssub.s32 $0x0, s20;
	[sflag:s22] =	ssyncset.done $0x0  }
0xa0: {  	[sflag:s22] =	ssyncadd.s32 s4;
	_ =	sdelay $0x1  }
0xa1: {  	s23 =	simm.s32 $0x1B8B  }
0xa2: {  	_ =	swait.ge [sflag:s23], $0x1  }
0xa3: {  	[sflag:s23] =	ssyncset.done $0x0  }
0xa4: {  	s25 =	simm.s32 $0x1B8E;
	s24 =	sld [smem:$0x3FFE];
	[sflag:s23] =	ssyncadd.s32 $0xFFFFFFFF  }
0xa5: {  	s26 =	simm.s32 $execute0_lowered;
	[smem:$0x3FD2] =	sst s25  }
0xa6: {  	s5 =	sshll.u32 s26, $0x1;
	_ =	strace $0x80000049;
	[dreg:$0x1] =	wrdreg $0xFFFFFFFF  }
0xa7: {  	s28 =	simm.s32 $_size_execute0_lowered;
	s3 =	sadd.s32 s3, s5;
	[dreg:$0x0] =	wrdreg $0x0  }
0xa8: {  	s5 =	sshll.u32 s28, $0x1;
	[dreg:$0x2] =	wrdreg s3  }
0xa9: {  	[dreg:$0x3] =	wrdreg s5  }
0xaa: {  	[dreg:$0x4] =	wrdreg $0xC0  }
0xab: {  	_ =	task [dreg:s7], $0x5FFFF  }
0xac: {  	[dreg:$0x1] =	wrdreg $0xFFFFFFFF  }
0xad: {  	[dreg:$0x0] =	wrdreg $0x60  }
0xae: {  	[dreg:$0x2] =	wrdreg s24  }
0xaf: {  	[dreg:$0x3] =	wrdreg s2  }
0xb0: {  	[dreg:$0x4] =	wrdreg $0x0  }
0xb1: {  	[dreg:$0x5] =	wrdreg $0x9  }
0xb2: {  	_ =	task.clear_ibuf [dreg:s7], $0x6FFFF;
	_ =	strace $0x90000049  }
0xb3: {  	s29 =	simm.s32 $0x9;
	_ =	strace $0x8000004B  }
0xb4: {  	_ =	swait.ge [sflag:s29], $0x1  }
0xb5: {  	[sflag:s29] =	ssyncadd.s32 $0xFFFFFFFF  }
0xb6: {  	_ =	strace $0x9000004B  }
0xb7: {  	_ =	sfence  }
0xb8: {  	s30 =	sld [smem:$0x0];
	_ =	sdelay $0x2  }
0xb9: {  	s31 =	sshll.u32 s1, $0xD;
	s1 =	sshrl.u32 s1, $0x2  }
0xba: {  	s3 =	sand.u32 $0x4000, s31;
	s1 =	sadd.s32 s1, s30  }
0xbb: {  	s0 =	sor.u32 s3, s0;
	s1 =	sshll.u32 s1, $0x11  }
0xbc: {  	s0 =	sor.u32 s1, s0  }
0xbd: {  	s0 =	sadd.s32 $0x8F2B, s0  }
0xbe: {  	[sflag:s0] =	ssyncadd.remote.s32 $0x1  }
0xbf: {  	_ =	sfence.sel $0xFFFF  }
0xc0: {  	[dreg:$0x0] =	wrdreg $0xFFFFFFFF;
	(pc) =	sbr.abs _section_cstart, $3  }
0xc1: {  	[dreg:$0x1] =	wrdreg $0xFFFFFFFF  }
0xc2: {  	_ =	task.clear_ibuf [dreg:s7], $0x2FFFF;
	_ =	strace $0x9FFFFFFF  }
0xc3: {  	(tm) =	ssettm $0x7FFFFFFF  }
tec
execute0_lowered:
.L_overlay_start_1:
0x0: {  	(tag) =	ssettag $0x1  }
0x1: {  	s0 =	rddreg [dreg:$0x0]  }
0x2: {  	s1 =	rddreg [dreg:$0x1]  }
0x3: {  	s2 =	rddreg [dreg:$0x2]  }
0x4: {  	s3 =	srdreg.scid;
	s21 =	stileid.u32;
	s29 =	simm.s32 $0x1BDC0  }
0x5: {  	s30 =	simm.s32 $0x1BAC0;
	s31 =	simm.s32 $0x1BEC0;
	s5 =	smul.u32 $0x3E80, s21  }
0x6: {  	s4 =	sand.u32 $0x1, s3;
	s3 =	simm.s32 $0x0;
	s10 =	smul.u32 $0x7D000, s21  }
0x7: {  	s8 =	sadd.s32 $0x3C00, s0;
	s12 =	smul.u32 $0x2800, s21;
	p0 =	sgt.u32 s21, $0x9  }
0x8: {  	s6 =	sshll.u32 s4, $0x4;
	[smem:$0x7FF] =	sst s3;
	s7 =	smul.u32 $0x27100, s4  }
0x9: {  	s9 =	ssub.s32 $0x2, s4;
	s4 =	smul.u32 $0x28000, s4;
	s6 =	sor.u32 s21, s6  }
0xa: {  	_ =	strace $0x8000004A;
	s11 =	sshrl.u32 s9, $0x1;
	s22 =	sadd.s32 s5, s0  }
0xb: {  	s24 =	sshrl.u32 s10, $0x2;
	s10 =	simm.s32 $0x6;
	s21 =	simm.s32 $0x7  }
0xc: {  	s6 =	smul.u32 $0x2800, s6;
	s9 =	ssub.s32 s9, s11;
	s4 =	sadd.s32 s12, s4  }
0xd: {  	s23 =	sadd.s32 s7, s0;
	s7 =	simm.s32 $0x138C0;
	s16 =	sor.u32 $0x700, s4  }
0xe: {  	s19 =	sor.u32 $0x600, s4;
	s20 =	sor.u32 $0x500, s4;
	s4 =	sor.u32 $0x400, s4  }
0xf: {  	s6 =	sshrl.u32 s6, $0x3;
	s18 =	sshrl.u32 s16, $0x3;
	s4 =	sshrl.u32 s4, $0x3  }
0x10: {  	s25 =	sor.u32 $0x20, s6;
	s13 =	sadd.s32 s8, s6;
	s26 =	sadd.s32 s1, s6  }
0x11: {  	s14 =	sor.u32 $0x40, s6;
	s6 =	sor.u32 $0x60, s6;
	[dreg:$0x4] =	wrdreg s13  }
0x12: {  	s12 =	sadd.s32 s18, s1;
	[dreg:$0x5] =	wrdreg s26;
	s28 =	sadd.s32 s8, s25  }
0x13: {  	s11 =	sadd.s32 s1, s25;
	s15 =	sadd.s32 s8, s14;
	[dreg:$0x6] =	wrdreg s28  }
0x14: {  	s17 =	sadd.s32 s8, s6;
	s6 =	sadd.s32 s1, s6;
	[dreg:$0x7] =	wrdreg s11  }
0x15: {  	s13 =	sadd.s32 s18, s8;
	s18 =	sadd.s32 s4, s1;
	[dreg:$0x8] =	wrdreg s15  }
0x16: {  	s25 =	sadd.s32 s24, s2;
	s26 =	sadd.s32 $0x34E00, s22;
	[dreg:$0xa] =	wrdreg s17  }
0x17: {  	s22 =	simm.s32 $0x4;
	s11 =	sadd.s32 s1, s14;
	[dreg:$0xb] =	wrdreg s6  }
0x18: {  	s6 =	sshrl.u32 s19, $0x3;
	s19 =	sadd.s32 s4, s8;
	[dreg:$0xc] =	wrdreg s25  }
0x19: {  	[dreg:$0xd] =	wrdreg s26;
	s28 =	smax.u32 s9, $0x1;
	s4 =	simm.s32 $0x1  }
0x1a: {  	s9 =	simm.s32 $0x2;
	s26 =	simm.s32 $0x0;
	[dreg:$0x9] =	wrdreg s11  }
0x1b: {  	s14 =	sadd.s32 s6, s1;
	s11 =	sshrl.u32 s20, $0x3;
	s15 =	sadd.s32 s6, s8  }
.Ltmp0:
0x1c: {  	s20 =	sadd.s32 $0xDC00, s0;
	s0 =	sadd.s32 $0x5C000, s23;
	(pc) =	sbr.rel .LBB2_1-.Ltmp0, $4  }
0x1d: {  	[dreg:$0xe] =	wrdreg s28;
	s6 =	simm.s32 $0x100;
	s23 =	simm.s32 $0x8  }
0x1e: {  	s16 =	sadd.s32 s11, s1;
	s17 =	sadd.s32 s11, s8;
	s0 =	sadd.s32 @!p0 s5, s0  }
0x1f: {  	s1 =	simm.s32 $0x1BFC0;
	s5 =	simm.s32 $0x5;
	s8 =	simm.s32 $0x9  }
0x20: {  	s11 =	simm.s32 $0x3;
	[dreg:$0xf] =	wrdreg s0;
	s0 =	simm.s32 $0x1BBC0  }
.LBB2_4:
0x21: {  	[bflag:$0x0] =	sbarrier.arrive $0xFFFF  }
0x22: {  	s24 =	rddreg [dreg:$0xf]  }
0x23: {  	s25 =	rddreg [dreg:$0x11]  }
0x24: {  	s26 =	rddreg [dreg:$0x12]  }
0x25: {  	[hbm:s24], [sflag:s25] =	dma.local @!p0 [spmem:s26], $0x3E80  }
0x26: {  	s24 =	simm.s32 @!p0 $0x9  }
0x27: {  	_ =	swait.ge @!p0 [sflag:s24], $0x3E80  }
0x28: {  	s25 =	rddreg [dreg:$0x10]  }
0x29: {  	s28 =	rddreg [dreg:$0xe];
	s26 =	sadd.s32 $0x1, s25  }
0x2a: {  	p1 =	sne.s32 s26, s28  }
.Ltmp1:
0x2b: {  	_ = 	snop;
	(pc) =	sbr.rel @!p1 .LBB2_5-.Ltmp1, $3  }
0x2c: {  	_ =	sdelay $0x1  }
0x2d: {  	[sflag:s24] =	ssyncset.done @!p0 $0x0  }
0x2e: {  	[sflag:s24] =	ssyncadd.s32 @!p0 $0xFFFFC180  }
.LBB2_1:
0x2f: {  	s24 =	stileid.u32  }
0x30: {  	[dreg:$0x10] =	wrdreg s26;
	s24 =	sshll.u32 @!p0 s24, $0x6  }
0x31: {  	s25 =	sor.u32 @!p0 $0x1C09, s24;
	s24 =	rddreg [dreg:$0xc]  }
0x32: {  	s26 =	sshrl.u32 @!p0 s24, $0x3;
	s24 =	rddreg [dreg:$0xd]  }
0x33: {  	[dreg:$0x11] =	wrdreg s25  }
0x34: {  	[dreg:$0x12] =	wrdreg s26  }
0x35: {  	[spmem:s26], [sflag:s25] =	dma.local @!p0 [hbm:s24], $0x3E80  }
0x36: {  	s24 =	simm.s32 @!p0 $0x9  }
0x37: {  	_ =	swait.ge @!p0 [sflag:s24], $0x3E80  }
0x38: {  	[sflag:s24] =	ssyncset.done @!p0 $0x0  }
0x39: {  	s28 =	simm.s32 $0x1B8C0;
	s26 =	rddreg [dreg:$0x4];
	[sflag:s24] =	ssyncadd.s32 @!p0 $0xFFFFC180  }
0x3a: {  	[tilespmem:s28], [sflag:$0x1] =	stream.linear.gather [hbm4b:s26+s3], $0x100, $0x38;
	[tilespmem:$0x1C0C0] =	vst v63  }
0x3b: {  	s26 =	rddreg [dreg:$0x5];
	s28 =	simm.s32 $0x1BCC0  }
0x3c: {  	[tilespmem:s28], [sflag:$0x5] =	stream.linear.gather [hbm4b:s26+s3], $0x100, $0x38;
	[tilespmem:$0x1C0C0] =	vst v63  }
0x3d: {  	s26 =	rddreg [dreg:$0x6];
	s28 =	simm.s32 $0x1B9C0  }
0x3e: {  	[tilespmem:s28], [sflag:$0x2] =	stream.linear.gather [hbm4b:s26+s3], $0x100, $0x38;
	[tilespmem:$0x1C0C0] =	vst v63  }
0x3f: {  	s26 =	rddreg [dreg:$0x7]  }
0x40: {  	[tilespmem:s29], [sflag:$0x6] =	stream.linear.gather [hbm4b:s26+s3], $0x100, $0x38;
	[tilespmem:$0x1C0C0] =	vst v63  }
0x41: {  	s28 =	rddreg [dreg:$0x8]  }
0x42: {  	[tilespmem:s30], [sflag:$0x3] =	stream.linear.gather [hbm4b:s28+s3], $0x100, $0x38;
	[tilespmem:$0x1C0C0] =	vst v63  }
0x43: {  	s25 =	rddreg [dreg:$0x9]  }
0x44: {  	[tilespmem:s31], [sflag:$0x7] =	stream.linear.gather [hbm4b:s25+s3], $0x100, $0x38;
	[tilespmem:$0x1C0C0] =	vst v63  }
0x45: {  	s26 =	rddreg [dreg:$0xa]  }
0x46: {  	[tilespmem:s0], [sflag:$0x4] =	stream.linear.gather [hbm4b:s26+s3], $0x100, $0x38;
	[tilespmem:$0x1C0C0] =	vst v63  }
0x47: {  	s28 =	rddreg [dreg:$0xb]  }
0x48: {  	[tilespmem:s1], [sflag:$0x8] =	stream.linear.gather [hbm4b:s28+s3], $0x100, $0x38;
	[tilespmem:$0x1C0C0] =	vst v63  }
0x49: {  	s24 =	simm.s32 $0x0;
	[bflag:$0x0] =	sbarrier.arrive $0xFFFF  }
.LBB2_2:
0x4a: {  	_ =	swait.ge [sflag:s4], $0x100  }
0x4b: {  	[sflag:s4] =	ssyncset.done $0x0  }
0x4c: {  	[sflag:s4] =	ssyncadd.s32 $0xFFFFFF00  }
0x4d: {  	_ =	swait.ge [sflag:s5], $0x100  }
0x4e: {  	[sflag:s5] =	ssyncset.done $0x0  }
0x4f: {  	s25 =	simm.s32 $0x1B8C0;
	[sflag:s5] =	ssyncadd.s32 $0xFFFFFF00  }
0x50: {  	[tilespmem:s7], [sflag:$0x9] =	stream.indirect.gather [hbm4b:s20+s6], $0x80, s25, s6, $0xb8;
	[tilespmem:$0x1C0C0] =	vst v63  }
0x51: {  	_ =	swait.ge [sflag:s8], $0x8000  }
0x52: {  	[sflag:s8] =	ssyncset.done $0x0  }
0x53: {  	s26 =	simm.s32 $0x1BCC0;
	[sflag:s8] =	ssyncadd.s32 $0xFFFF8000  }
0x54: {  	[spmem:s2] =	stream.indirect.scatter.add.f32 [tilespmem:s7], [sflag:$0x9], $0x80, s26, s6, $0xb8;
	[tilespmem:$0x1C0C0] =	vst v63  }
0x55: {  	p1 =	seq.s32 s24, $0x480;
	_ =	swait.ge [sflag:s8], $0x8000  }
0x56: {  	s28 =	simm.s32 @!p1 $0x1B8C0;
	[sflag:s8] =	ssyncset.done $0x0  }
0x57: {  	s25 =	sadd.s32 @!p1 s24, s19;
	s26 =	simm.s32 @!p1 $0x0;
	[sflag:s8] =	ssyncadd.s32 $0xFFFF8000  }
0x58: {  	[tilespmem:s28], [sflag:$0x1] =	stream.linear.gather @!p1 [hbm4b:s25+s26], $0x100, $0x38;
	[tilespmem:$0x1C0C0] =	vst v63  }
0x59: {  	s25 =	sadd.s32 @!p1 s24, s18;
	s28 =	simm.s32 @!p1 $0x1BCC0  }
0x5a: {  	[tilespmem:s28], [sflag:$0x5] =	stream.linear.gather @!p1 [hbm4b:s25+s26], $0x100, $0x38;
	[tilespmem:$0x1C0C0] =	vst v63  }
0x5b: {  	_ =	swait.ge [sflag:s9], $0x100  }
0x5c: {  	[sflag:s9] =	ssyncset.done $0x0  }
0x5d: {  	[sflag:s9] =	ssyncadd.s32 $0xFFFFFF00  }
0x5e: {  	_ =	swait.ge [sflag:s10], $0x100  }
0x5f: {  	[sflag:s10] =	ssyncset.done $0x0  }
0x60: {  	s28 =	simm.s32 $0x1B9C0;
	[sflag:s10] =	ssyncadd.s32 $0xFFFFFF00  }
0x61: {  	[tilespmem:s7], [sflag:$0x9] =	stream.indirect.gather [hbm4b:s20+s6], $0x80, s28, s6, $0xb8;
	[tilespmem:$0x1C0C0] =	vst v63  }
0x62: {  	_ =	swait.ge [sflag:s8], $0x8000  }
0x63: {  	[sflag:s8] =	ssyncset.done $0x0  }
0x64: {  	[sflag:s8] =	ssyncadd.s32 $0xFFFF8000  }
0x65: {  	[spmem:s2] =	stream.indirect.scatter.add.f32 [tilespmem:s7], [sflag:$0x9], $0x80, s29, s6, $0xb8;
	[tilespmem:$0x1C0C0] =	vst v63  }
0x66: {  	_ =	swait.ge [sflag:s8], $0x8000  }
0x67: {  	[sflag:s8] =	ssyncset.done $0x0  }
0x68: {  	s25 =	sadd.s32 @!p1 s24, s17;
	s28 =	simm.s32 @!p1 $0x1B9C0;
	[sflag:s8] =	ssyncadd.s32 $0xFFFF8000  }
0x69: {  	[tilespmem:s28], [sflag:$0x2] =	stream.linear.gather @!p1 [hbm4b:s25+s26], $0x100, $0x38;
	[tilespmem:$0x1C0C0] =	vst v63  }
0x6a: {  	s25 =	sadd.s32 @!p1 s24, s16;
	s28 =	simm.s32 @!p1 $0x1BDC0  }
0x6b: {  	[tilespmem:s28], [sflag:$0x6] =	stream.linear.gather @!p1 [hbm4b:s25+s26], $0x100, $0x38;
	[tilespmem:$0x1C0C0] =	vst v63  }
0x6c: {  	_ =	swait.ge [sflag:s11], $0x100  }
0x6d: {  	[sflag:s11] =	ssyncset.done $0x0  }
0x6e: {  	[sflag:s11] =	ssyncadd.s32 $0xFFFFFF00  }
0x6f: {  	_ =	swait.ge [sflag:s21], $0x100  }
0x70: {  	[sflag:s21] =	ssyncset.done $0x0  }
0x71: {  	[sflag:s21] =	ssyncadd.s32 $0xFFFFFF00  }
0x72: {  	[tilespmem:s7], [sflag:$0x9] =	stream.indirect.gather [hbm4b:s20+s6], $0x80, s30, s6, $0xb8;
	[tilespmem:$0x1C0C0] =	vst v63  }
0x73: {  	_ =	swait.ge [sflag:s8], $0x8000  }
0x74: {  	[sflag:s8] =	ssyncset.done $0x0  }
0x75: {  	[sflag:s8] =	ssyncadd.s32 $0xFFFF8000  }
0x76: {  	[spmem:s2] =	stream.indirect.scatter.add.f32 [tilespmem:s7], [sflag:$0x9], $0x80, s31, s6, $0xb8;
	[tilespmem:$0x1C0C0] =	vst v63  }
0x77: {  	_ =	swait.ge [sflag:s8], $0x8000  }
0x78: {  	[sflag:s8] =	ssyncset.done $0x0  }
0x79: {  	s25 =	sadd.s32 @!p1 s24, s15;
	s28 =	simm.s32 @!p1 $0x1BAC0;
	[sflag:s8] =	ssyncadd.s32 $0xFFFF8000  }
0x7a: {  	[tilespmem:s28], [sflag:$0x3] =	stream.linear.gather @!p1 [hbm4b:s25+s26], $0x100, $0x38;
	[tilespmem:$0x1C0C0] =	vst v63  }
0x7b: {  	s25 =	sadd.s32 @!p1 s24, s14;
	s28 =	simm.s32 @!p1 $0x1BEC0  }
0x7c: {  	[tilespmem:s28], [sflag:$0x7] =	stream.linear.gather @!p1 [hbm4b:s25+s26], $0x100, $0x38;
	[tilespmem:$0x1C0C0] =	vst v63  }
0x7d: {  	_ =	swait.ge [sflag:s22], $0x100  }
0x7e: {  	[sflag:s22] =	ssyncset.done $0x0  }
0x7f: {  	[sflag:s22] =	ssyncadd.s32 $0xFFFFFF00  }
0x80: {  	_ =	swait.ge [sflag:s23], $0x100  }
0x81: {  	[sflag:s23] =	ssyncset.done $0x0  }
0x82: {  	[sflag:s23] =	ssyncadd.s32 $0xFFFFFF00  }
0x83: {  	[tilespmem:s7], [sflag:$0x9] =	stream.indirect.gather [hbm4b:s20+s6], $0x80, s0, s6, $0xb8;
	[tilespmem:$0x1C0C0] =	vst v63  }
0x84: {  	_ =	swait.ge [sflag:s8], $0x8000  }
0x85: {  	[sflag:s8] =	ssyncset.done $0x0  }
.Ltmp2:
0x86: {  	[sflag:s8] =	ssyncadd.s32 $0xFFFF8000;
	(pc) =	sbr.rel @p1 .LBB2_4-.Ltmp2, $4  }
0x87: {  	[spmem:s2] =	stream.indirect.scatter.add.f32 [tilespmem:s7], [sflag:$0x9], $0x80, s1, s6, $0xb8;
	[tilespmem:$0x1C0C0] =	vst v63  }
0x88: {  	_ =	swait.ge [sflag:s8], $0x8000  }
0x89: {  	[sflag:s8] =	ssyncset.done $0x0  }
0x8a: {  	[sflag:s8] =	ssyncadd.s32 $0xFFFF8000  }
.Ltmp3:
0x8b: {  	(pc) =	sbr.rel .LBB2_2-.Ltmp3, $4  }
0x8c: {  	s25 =	sadd.s32 s24, s13  }
0x8d: {  	[tilespmem:s0], [sflag:$0x4] =	stream.linear.gather [hbm4b:s25+s3], $0x100, $0x38;
	[tilespmem:$0x1C0C0] =	vst v63  }
0x8e: {  	s28 =	sadd.s32 s24, s12;
	s24 =	sadd.s32 $0x80, s24  }
0x8f: {  	[tilespmem:s1], [sflag:$0x8] =	stream.linear.gather [hbm4b:s28+s3], $0x100, $0x38;
	[tilespmem:$0x1C0C0] =	vst v63  }
.LBB2_5:
0x90: {  	_ =	sfence.sel $0x180000  }
0x91: {  	[bflag:$0x0] =	sbarrier.arrive $0xFFFF  }
0x92: {  	_ =	strace $0x9000004A  }
0x93: {  	s0 =	stileid.u32;
	[bflag:$0x2] =	sbarrier.arrive $0xFFFF  }
0x94: {  	p0 =	sne.s32 s0, $0x0;
	s0 =	rddreg [dreg:$0x3]  }
0x95: {  	s0 =	sadd.s32 @!p0 $0x100000, s0  }
0x96: {  	[sflag:s0] =	ssyncadd.tile.s32 @!p0 $0x1;
	_ =	shalt  }
.Lfunc_end2:
_tile_overlayer_lowered:
.L_overlay_start_2:
0x97: {  	(tag) =	ssettag $0x2  }
0x98: {  	s0 =	rddreg [dreg:$0x0];
	s2 =	stileid.u32  }
0x99: {  	s1 =	rddreg [dreg:$0x1];
	p0 =	sne.s32 s2, $0x0  }
0x9a: {  	s3 =	rddreg [dreg:$0x2];
	[bflag:$0x3] =	sbarrier.arrive $0xFFFF;
	s2 =	simm.s32 @!p0 $0x1C09  }
0x9b: {  	[timem:s3], [sflag:s2] =	dma.local @!p0 [hbm:s0], s1  }
0x9c: {  	s0 =	simm.s32 @!p0 $0x9  }
0x9d: {  	_ =	swait.ge @!p0 [sflag:s0], s1  }
0x9e: {  	s1 =	ssub.s32 @!p0 $0x0, s1;
	[sflag:s0] =	ssyncset.done @!p0 $0x0  }
0x9f: {  	[sflag:s0] =	ssyncadd.s32 @!p0 s1  }
0xa0: {  	[bflag:$0x3] =	sbarrier.arrive $0xFFFF  }
0xa1: {  	_ =	shalt  }

// kernel: kernel.16.cloned.1.call-start
scs
__scs_entry_jumppad:
0x0: {  	(pc) =	sbr.rel $0x88, $3  }
0x1: {  	(tag) =	ssettag $0x0;
	lr =	simm.s32 $0x1  }
0x2: {  	[smem:$0x3F91] =	sst lr;
	_ =	strace $0xD0000000  }
0x3: {  	_ = 	snop  }
0x4: {  	_ = 	snop  }
0x5: {  	_ = 	snop  }
0x6: {  	_ = 	snop  }
0x7: {  	_ = 	snop  }
__scs_overlays_trampoline_lowered:
0x8: {  	[smem:$0x3FA0] =	sst s0  }
0x9: {  	[smem:$0x3FA1] =	sst s1  }
0xa: {  	[smem:$0x3FA2] =	sst s2  }
0xb: {  	[smem:$0x3FA3] =	sst s3  }
0xc: {  	[smem:$0x3FA4] =	sst s4  }
0xd: {  	[smem:$0x3FA5] =	sst s5  }
0xe: {  	[smem:$0x3FA6] =	sst s6  }
0xf: {  	[smem:$0x3FA7] =	sst s7  }
0x10: {  	[smem:$0x3FA8] =	sst s8  }
0x11: {  	[smem:$0x3FA9] =	sst s9;
	s0 =	simm.s32 @!p0 $0x0  }
0x12: {  	s1 =	sld [smem:$0x3F8F];
	s0 =	simm.s32 @p0 $0x1  }
0x13: {  	[smem:$0x3FAA] =	sst s0;
	s0 =	simm.s32 @!p1 $0x0  }
0x14: {  	s2 =	sld [smem:$0x3F8E];
	s0 =	simm.s32 @p1 $0x1  }
0x15: {  	[smem:$0x3FAB] =	sst s0;
	s0 =	simm.s32 @!p2 $0x0  }
0x16: {  	s3 =	sld [smem:$0x3FDB];
	s0 =	simm.s32 @p2 $0x1  }
0x17: {  	s4 =	simm.s32 $0x1BF5;
	[smem:$0x3FAD] =	sst s0  }
0x18: {  	s0 =	sld [smem:$0x3F90];
	_ =	swait.ge [sflag:s4], $0x0  }
0x19: {  	s7 =	sld [smem:$0x3F91]  }
0x1a: {  	s8 =	sadd.s32 $0xFFFFE003, lr  }
0x1b: {  	s9 =	sadd.s32 $0xFFFFFEF7, lr;
	s5 =	simm.s32 $0xFFFFFFFF;
	p2 =	slt.u32 s8, $0xFFFFF086  }
0x1c: {  	p1 =	slt.u32 s9, $0xF7A;
	s5 =	simm.s32 @!p2 $0x0  }
0x1d: {  	s5 =	simm.s32 @p1 $0x1;
	p0 =	seq.s32 s7, s2  }
0x1e: {  	s7 =	smul.u32 @!p0 $0xF7A, s2;
	p2 =	seq.s32 @!p0 s5, $0x0  }
0x1f: {  	s9 =	smul.u32 $0xF7A, s1;
	s8 =	simm.s32 @!p0 $0x1BF5;
	p2 =	por !p2, p0  }
0x20: {  	[sflag:s8] =	ssyncset.s32 @!p0 $0xFFFFF086;
	s6 =	sadd.s32 @!p0 s3, s7;
	s7 =	simm.s32 @!p0 $0x108  }
0x21: {  	s3 =	sadd.s32 s3, s9;
	s6 =	sadd.s32 @!p0 $0x88, s6;
	s7 =	simm.s32 @p2 $0x1082  }
0x22: {  	[simem:s7], [sflag:s8] =	dma.local @!p0 [hbm:s6], $0xF7A  }
0x23: {  	s9 =	sor.u32 $0xD0000000, s2;
	s6 =	simm.s32 $0x108;
	_ =	swait.ge @!p0 [sflag:s8], $0x0  }
0x24: {  	s3 =	sadd.s32 $0x88, s3;
	s6 =	simm.s32 @!p1 $0x1082;
	[sflag:s4] =	ssyncset.s32 $0xFFFFF086  }
0x25: {  	[simem:s6], [sflag:s4] =	dma.local [hbm:s3], $0xF7A  }
0x26: {  	[smem:$0x3F91] =	sst s1;
	(tag) =	ssettag s2;
	_ =	strace s9  }
0x27: {  	s1 =	sld [smem:$0x3FA1]  }
0x28: {  	s2 =	sld [smem:$0x3FA2]  }
0x29: {  	s4 =	sld [smem:$0x3FA4]  }
0x2a: {  	p0 =	seq.s32 s5, $0x0;
	s5 =	sld [smem:$0x3FA5]  }
0x2b: {  	s6 =	sld [smem:$0x3FA6]  }
0x2c: {  	s7 =	sld [smem:$0x3FA7]  }
0x2d: {  	s3 =	simm.s32 $0x108;
	s8 =	sld [smem:$0x3FA8]  }
0x2e: {  	s3 =	simm.s32 @!p0 $0x1082;
	s9 =	sld [smem:$0x3FA9]  }
0x2f: {  	lr =	sadd.s32 s0, s3;
	s0 =	sld [smem:$0x3FA0]  }
0x30: {  	s3 =	sld [smem:$0x3FA3]  }
0x31: {  	[smem:$0x3FAC] =	sst s10  }
0x32: {  	s10 =	sld [smem:$0x3FAA];
	_ =	sdelay $0x3  }
0x33: {  	p0 =	seq.s32 s10, $0x1;
	s10 =	sld [smem:$0x3FAC];
	_ =	sdelay $0x3  }
0x34: {  	[smem:$0x3FAC] =	sst s10  }
0x35: {  	s10 =	sld [smem:$0x3FAB];
	_ =	sdelay $0x3  }
0x36: {  	p1 =	seq.s32 s10, $0x1;
	s10 =	sld [smem:$0x3FAC];
	_ =	sdelay $0x3  }
0x37: {  	[smem:$0x3FAC] =	sst s10  }
0x38: {  	s10 =	sld [smem:$0x3FAD]  }
0x39: {  	_ = 	snop;
	(pc) =	sbr.ind lr, $3  }
0x3a: {  	_ = 	snop  }
0x3b: {  	_ = 	snop  }
0x3c: {  	p2 =	seq.s32 s10, $0x1;
	s10 =	sld [smem:$0x3FAC]  }
0x3d: {  	_ =	shalt  }
0x3e: {  	_ =	shalt  }
0x3f: {  	_ =	shalt  }
0x40: {  	_ =	shalt  }
0x41: {  	_ =	shalt  }
0x42: {  	_ =	shalt  }
0x43: {  	_ =	shalt  }
0x44: {  	_ =	shalt  }
0x45: {  	_ =	shalt  }
0x46: {  	_ =	shalt  }
0x47: {  	_ =	shalt  }
0x48: {  	_ =	shalt  }
0x49: {  	_ =	shalt  }
0x4a: {  	_ =	shalt  }
0x4b: {  	_ =	shalt  }
0x4c: {  	_ =	shalt  }
0x4d: {  	_ =	shalt  }
0x4e: {  	_ =	shalt  }
0x4f: {  	_ =	shalt  }
0x50: {  	_ =	shalt  }
0x51: {  	_ =	shalt  }
0x52: {  	_ =	shalt  }
0x53: {  	_ =	shalt  }
0x54: {  	_ =	shalt  }
0x55: {  	_ =	shalt  }
0x56: {  	_ =	shalt  }
0x57: {  	_ =	shalt  }
0x58: {  	_ =	shalt  }
0x59: {  	_ =	shalt  }
0x5a: {  	_ =	shalt  }
0x5b: {  	_ =	shalt  }
0x5c: {  	_ =	shalt  }
0x5d: {  	_ =	shalt  }
0x5e: {  	_ =	shalt  }
0x5f: {  	_ =	shalt  }
0x60: {  	_ =	shalt  }
0x61: {  	_ =	shalt  }
0x62: {  	_ =	shalt  }
0x63: {  	_ =	shalt  }
0x64: {  	_ =	shalt  }
0x65: {  	_ =	shalt  }
0x66: {  	_ =	shalt  }
0x67: {  	_ =	shalt  }
0x68: {  	_ =	shalt  }
0x69: {  	_ =	shalt  }
0x6a: {  	_ =	shalt  }
0x6b: {  	_ =	shalt  }
0x6c: {  	_ =	shalt  }
0x6d: {  	_ =	shalt  }
0x6e: {  	_ =	shalt  }
0x6f: {  	_ =	shalt  }
0x70: {  	_ =	shalt  }
0x71: {  	_ =	shalt  }
0x72: {  	_ =	shalt  }
0x73: {  	_ =	shalt  }
0x74: {  	_ =	shalt  }
0x75: {  	_ =	shalt  }
0x76: {  	_ =	shalt  }
0x77: {  	_ =	shalt  }
0x78: {  	_ =	shalt  }
0x79: {  	_ =	shalt  }
0x7a: {  	_ =	shalt  }
0x7b: {  	_ =	shalt  }
0x7c: {  	_ =	shalt  }
0x7d: {  	_ =	shalt  }
0x7e: {  	_ =	shalt  }
0x7f: {  	_ =	shalt  }
0x80: {  	_ =	shalt  }
0x81: {  	_ =	shalt  }
0x82: {  	_ =	shalt  }
0x83: {  	_ =	shalt  }
0x84: {  	_ =	shalt  }
0x85: {  	_ =	shalt  }
0x86: {  	_ =	shalt  }
0x87: {  	_ =	shalt  }
.Lfunc_end0:
.L_simem_size_0:
called_computation.2_lowered:
.L_overlay_start_0:
0x88: {  	s2 =	sld [smem:$0x3FD9]  }
0x89: {  	s3 =	sld [smem:$0x3FFE];
	_ =	sdelay $0x1  }
0x8a: {  	s1 =	srdreg.scid  }
0x8b: {  	s0 =	sand.u32 $0x1, s1  }
0x8c: {  	s17 =	sshll.u32 s0, $0xA;
	s2 =	sadd.s32 s3, s2  }
0x8d: {  	s2 =	sadd.s32 s2, s17  }
0x8e: {  	[smem:$0x3FB8] =	sst s2  }
0x8f: {  	_ = 	snop  }
0x90: {  	s2 =	sld [smem:$0x3FD0];
	(tm) =	ssettm $0x1  }
0x91: {  	s18 =	sld [smem:$0x3FFB];
	_ =	sdelay $0x3  }
0x92: {  	_ =	strace s18  }
0x93: {  	s3 =	sld [smem:$0x3FFC];
	_ =	sdelay $0x3  }
0x94: {  	_ =	strace s3  }
0x95: {  	s3 =	sld [smem:$0x3FFD];
	_ =	sdelay $0x3  }
0x96: {  	_ =	strace s3  }
0x97: {  	_ =	strace $0x8FFFFFFF  }
0x98: {  	s19 =	sld [smem:$0x3FDB];
	_ =	sdelay $0x1  }
0x99: {  	s4 =	simm.s32 $_scs_section_size  }
0x9a: {  	s5 =	simm.s32 $_size__tile_overlayer_lowered;
	s6 =	simm.s32 $_tile_overlayer_lowered  }
0x9b: {  	s22 =	simm.s32 $0x1BFF;
	s21 =	sshll.u32 s6, $0x1;
	s3 =	sadd.s32 s4, s19  }
0x9c: {  	s7 =	simm.s32 $0x0;
	s20 =	sshll.u32 s5, $0x1;
	s5 =	sadd.s32 s21, s3  }
0x9d: {  	[timem:s7], [sflag:s22] =	dma.local [hbm:s5], s20  }
0x9e: {  	_ =	swait.ge [sflag:s22], s20  }
0x9f: {  	s4 =	ssub.s32 $0x0, s20;
	[sflag:s22] =	ssyncset.done $0x0  }
0xa0: {  	[sflag:s22] =	ssyncadd.s32 s4;
	_ =	sdelay $0x1  }
0xa1: {  	s23 =	simm.s32 $0x1B8B  }
0xa2: {  	_ =	swait.ge [sflag:s23], $0x1  }
0xa3: {  	[sflag:s23] =	ssyncset.done $0x0  }
0xa4: {  	s25 =	simm.s32 $0x1B8E;
	s24 =	sld [smem:$0x3FFE];
	[sflag:s23] =	ssyncadd.s32 $0xFFFFFFFF  }
0xa5: {  	s26 =	simm.s32 $execute0_lowered;
	[smem:$0x3FD2] =	sst s25  }
0xa6: {  	s5 =	sshll.u32 s26, $0x1;
	_ =	strace $0x8000004C;
	[dreg:$0x1] =	wrdreg $0xFFFFFFFF  }
0xa7: {  	s28 =	simm.s32 $_size_execute0_lowered;
	s3 =	sadd.s32 s3, s5;
	[dreg:$0x0] =	wrdreg $0x0  }
0xa8: {  	s5 =	sshll.u32 s28, $0x1;
	[dreg:$0x2] =	wrdreg s3  }
0xa9: {  	[dreg:$0x3] =	wrdreg s5  }
0xaa: {  	[dreg:$0x4] =	wrdreg $0xC0  }
0xab: {  	_ =	task [dreg:s7], $0x5FFFF  }
0xac: {  	[dreg:$0x1] =	wrdreg $0xFFFFFFFF  }
0xad: {  	[dreg:$0x0] =	wrdreg $0x60  }
0xae: {  	[dreg:$0x2] =	wrdreg s24  }
0xaf: {  	[dreg:$0x3] =	wrdreg s2  }
0xb0: {  	[dreg:$0x4] =	wrdreg $0x0  }
0xb1: {  	[dreg:$0x5] =	wrdreg $0x9  }
0xb2: {  	_ =	task.clear_ibuf [dreg:s7], $0x6FFFF;
	_ =	strace $0x9000004C  }
0xb3: {  	s29 =	simm.s32 $0x9;
	_ =	strace $0x8000004E  }
0xb4: {  	_ =	swait.ge [sflag:s29], $0x1  }
0xb5: {  	[sflag:s29] =	ssyncadd.s32 $0xFFFFFFFF  }
0xb6: {  	_ =	strace $0x9000004E  }
0xb7: {  	_ =	sfence  }
0xb8: {  	s30 =	sld [smem:$0x0];
	_ =	sdelay $0x2  }
0xb9: {  	s31 =	sshll.u32 s1, $0xD;
	s1 =	sshrl.u32 s1, $0x2  }
0xba: {  	s3 =	sand.u32 $0x4000, s31;
	s1 =	sadd.s32 s1, s30  }
0xbb: {  	s0 =	sor.u32 s3, s0;
	s1 =	sshll.u32 s1, $0x11  }
0xbc: {  	s0 =	sor.u32 s1, s0  }
0xbd: {  	s0 =	sadd.s32 $0x8F2B, s0  }
0xbe: {  	[sflag:s0] =	ssyncadd.remote.s32 $0x1  }
0xbf: {  	_ =	sfence.sel $0xFFFF  }
0xc0: {  	[dreg:$0x0] =	wrdreg $0xFFFFFFFF;
	(pc) =	sbr.abs _section_cstart, $3  }
0xc1: {  	[dreg:$0x1] =	wrdreg $0xFFFFFFFF  }
0xc2: {  	_ =	task.clear_ibuf [dreg:s7], $0x2FFFF;
	_ =	strace $0x9FFFFFFF  }
0xc3: {  	(tm) =	ssettm $0x7FFFFFFF  }
tec
execute0_lowered:
.L_overlay_start_1:
0x0: {  	(tag) =	ssettag $0x1  }
0x1: {  	s0 =	rddreg [dreg:$0x0]  }
0x2: {  	s1 =	rddreg [dreg:$0x1]  }
0x3: {  	s2 =	rddreg [dreg:$0x2]  }
0x4: {  	s3 =	srdreg.scid;
	s21 =	stileid.u32;
	s29 =	simm.s32 $0x1BDC0  }
0x5: {  	s30 =	simm.s32 $0x1BAC0;
	s31 =	simm.s32 $0x1BEC0;
	s5 =	smul.u32 $0x3E80, s21  }
0x6: {  	s4 =	sand.u32 $0x1, s3;
	s3 =	simm.s32 $0x0;
	s10 =	smul.u32 $0x7D000, s21  }
0x7: {  	s8 =	sadd.s32 $0x3C00, s0;
	s12 =	smul.u32 $0x2800, s21;
	p0 =	sgt.u32 s21, $0x9  }
0x8: {  	s6 =	sshll.u32 s4, $0x4;
	[smem:$0x7FF] =	sst s3;
	s7 =	smul.u32 $0x27100, s4  }
0x9: {  	s9 =	ssub.s32 $0x2, s4;
	s4 =	smul.u32 $0x28000, s4;
	s6 =	sor.u32 s21, s6  }
0xa: {  	_ =	strace $0x8000004D;
	s11 =	sshrl.u32 s9, $0x1;
	s22 =	sadd.s32 s5, s0  }
0xb: {  	s24 =	sshrl.u32 s10, $0x2;
	s10 =	simm.s32 $0x6;
	s21 =	simm.s32 $0x7  }
0xc: {  	s6 =	smul.u32 $0x2800, s6;
	s9 =	ssub.s32 s9, s11;
	s4 =	sadd.s32 s12, s4  }
0xd: {  	s23 =	sadd.s32 s7, s0;
	s7 =	simm.s32 $0x138C0;
	s16 =	sor.u32 $0x700, s4  }
0xe: {  	s19 =	sor.u32 $0x600, s4;
	s20 =	sor.u32 $0x500, s4;
	s4 =	sor.u32 $0x400, s4  }
0xf: {  	s6 =	sshrl.u32 s6, $0x3;
	s18 =	sshrl.u32 s16, $0x3;
	s4 =	sshrl.u32 s4, $0x3  }
0x10: {  	s25 =	sor.u32 $0x20, s6;
	s13 =	sadd.s32 s8, s6;
	s26 =	sadd.s32 s1, s6  }
0x11: {  	s14 =	sor.u32 $0x40, s6;
	s6 =	sor.u32 $0x60, s6;
	[dreg:$0x4] =	wrdreg s13  }
0x12: {  	s12 =	sadd.s32 s18, s1;
	[dreg:$0x5] =	wrdreg s26;
	s28 =	sadd.s32 s8, s25  }
0x13: {  	s11 =	sadd.s32 s1, s25;
	s15 =	sadd.s32 s8, s14;
	[dreg:$0x6] =	wrdreg s28  }
0x14: {  	s17 =	sadd.s32 s8, s6;
	s6 =	sadd.s32 s1, s6;
	[dreg:$0x7] =	wrdreg s11  }
0x15: {  	s13 =	sadd.s32 s18, s8;
	s18 =	sadd.s32 s4, s1;
	[dreg:$0x8] =	wrdreg s15  }
0x16: {  	s25 =	sadd.s32 s24, s2;
	s26 =	sadd.s32 $0x34E00, s22;
	[dreg:$0xa] =	wrdreg s17  }
0x17: {  	s22 =	simm.s32 $0x4;
	s11 =	sadd.s32 s1, s14;
	[dreg:$0xb] =	wrdreg s6  }
0x18: {  	s6 =	sshrl.u32 s19, $0x3;
	s19 =	sadd.s32 s4, s8;
	[dreg:$0xc] =	wrdreg s25  }
0x19: {  	[dreg:$0xd] =	wrdreg s26;
	s28 =	smax.u32 s9, $0x1;
	s4 =	simm.s32 $0x1  }
0x1a: {  	s9 =	simm.s32 $0x2;
	s26 =	simm.s32 $0x0;
	[dreg:$0x9] =	wrdreg s11  }
0x1b: {  	s14 =	sadd.s32 s6, s1;
	s11 =	sshrl.u32 s20, $0x3;
	s15 =	sadd.s32 s6, s8  }
.Ltmp0:
0x1c: {  	s20 =	sadd.s32 $0xDC00, s0;
	s0 =	sadd.s32 $0x5C000, s23;
	(pc) =	sbr.rel .LBB2_1-.Ltmp0, $4  }
0x1d: {  	[dreg:$0xe] =	wrdreg s28;
	s6 =	simm.s32 $0x100;
	s23 =	simm.s32 $0x8  }
0x1e: {  	s16 =	sadd.s32 s11, s1;
	s17 =	sadd.s32 s11, s8;
	s0 =	sadd.s32 @!p0 s5, s0  }
0x1f: {  	s1 =	simm.s32 $0x1BFC0;
	s5 =	simm.s32 $0x5;
	s8 =	simm.s32 $0x9  }
0x20: {  	s11 =	simm.s32 $0x3;
	[dreg:$0xf] =	wrdreg s0;
	s0 =	simm.s32 $0x1BBC0  }
.LBB2_4:
0x21: {  	[bflag:$0x0] =	sbarrier.arrive $0xFFFF  }
0x22: {  	s24 =	rddreg [dreg:$0xf]  }
0x23: {  	s25 =	rddreg [dreg:$0x11]  }
0x24: {  	s26 =	rddreg [dreg:$0x12]  }
0x25: {  	[hbm:s24], [sflag:s25] =	dma.local @!p0 [spmem:s26], $0x3E80  }
0x26: {  	s24 =	simm.s32 @!p0 $0x9  }
0x27: {  	_ =	swait.ge @!p0 [sflag:s24], $0x3E80  }
0x28: {  	s25 =	rddreg [dreg:$0x10]  }
0x29: {  	s28 =	rddreg [dreg:$0xe];
	s26 =	sadd.s32 $0x1, s25  }
0x2a: {  	p1 =	sne.s32 s26, s28  }
.Ltmp1:
0x2b: {  	_ = 	snop;
	(pc) =	sbr.rel @!p1 .LBB2_5-.Ltmp1, $3  }
0x2c: {  	_ =	sdelay $0x1  }
0x2d: {  	[sflag:s24] =	ssyncset.done @!p0 $0x0  }
0x2e: {  	[sflag:s24] =	ssyncadd.s32 @!p0 $0xFFFFC180  }
.LBB2_1:
0x2f: {  	s24 =	stileid.u32  }
0x30: {  	[dreg:$0x10] =	wrdreg s26;
	s24 =	sshll.u32 @!p0 s24, $0x6  }
0x31: {  	s25 =	sor.u32 @!p0 $0x1C09, s24;
	s24 =	rddreg [dreg:$0xc]  }
0x32: {  	s26 =	sshrl.u32 @!p0 s24, $0x3;
	s24 =	rddreg [dreg:$0xd]  }
0x33: {  	[dreg:$0x11] =	wrdreg s25  }
0x34: {  	[dreg:$0x12] =	wrdreg s26  }
0x35: {  	[spmem:s26], [sflag:s25] =	dma.local @!p0 [hbm:s24], $0x3E80  }
0x36: {  	s24 =	simm.s32 @!p0 $0x9  }
0x37: {  	_ =	swait.ge @!p0 [sflag:s24], $0x3E80  }
0x38: {  	[sflag:s24] =	ssyncset.done @!p0 $0x0  }
0x39: {  	s28 =	simm.s32 $0x1B8C0;
	s26 =	rddreg [dreg:$0x4];
	[sflag:s24] =	ssyncadd.s32 @!p0 $0xFFFFC180  }
0x3a: {  	[tilespmem:s28], [sflag:$0x1] =	stream.linear.gather [hbm4b:s26+s3], $0x100, $0x38;
	[tilespmem:$0x1C0C0] =	vst v63  }
0x3b: {  	s26 =	rddreg [dreg:$0x5];
	s28 =	simm.s32 $0x1BCC0  }
0x3c: {  	[tilespmem:s28], [sflag:$0x5] =	stream.linear.gather [hbm4b:s26+s3], $0x100, $0x38;
	[tilespmem:$0x1C0C0] =	vst v63  }
0x3d: {  	s26 =	rddreg [dreg:$0x6];
	s28 =	simm.s32 $0x1B9C0  }
0x3e: {  	[tilespmem:s28], [sflag:$0x2] =	stream.linear.gather [hbm4b:s26+s3], $0x100, $0x38;
	[tilespmem:$0x1C0C0] =	vst v63  }
0x3f: {  	s26 =	rddreg [dreg:$0x7]  }
0x40: {  	[tilespmem:s29], [sflag:$0x6] =	stream.linear.gather [hbm4b:s26+s3], $0x100, $0x38;
	[tilespmem:$0x1C0C0] =	vst v63  }
0x41: {  	s28 =	rddreg [dreg:$0x8]  }
0x42: {  	[tilespmem:s30], [sflag:$0x3] =	stream.linear.gather [hbm4b:s28+s3], $0x100, $0x38;
	[tilespmem:$0x1C0C0] =	vst v63  }
0x43: {  	s25 =	rddreg [dreg:$0x9]  }
0x44: {  	[tilespmem:s31], [sflag:$0x7] =	stream.linear.gather [hbm4b:s25+s3], $0x100, $0x38;
	[tilespmem:$0x1C0C0] =	vst v63  }
0x45: {  	s26 =	rddreg [dreg:$0xa]  }
0x46: {  	[tilespmem:s0], [sflag:$0x4] =	stream.linear.gather [hbm4b:s26+s3], $0x100, $0x38;
	[tilespmem:$0x1C0C0] =	vst v63  }
0x47: {  	s28 =	rddreg [dreg:$0xb]  }
0x48: {  	[tilespmem:s1], [sflag:$0x8] =	stream.linear.gather [hbm4b:s28+s3], $0x100, $0x38;
	[tilespmem:$0x1C0C0] =	vst v63  }
0x49: {  	s24 =	simm.s32 $0x0;
	[bflag:$0x0] =	sbarrier.arrive $0xFFFF  }
.LBB2_2:
0x4a: {  	_ =	swait.ge [sflag:s4], $0x100  }
0x4b: {  	[sflag:s4] =	ssyncset.done $0x0  }
0x4c: {  	[sflag:s4] =	ssyncadd.s32 $0xFFFFFF00  }
0x4d: {  	_ =	swait.ge [sflag:s5], $0x100  }
0x4e: {  	[sflag:s5] =	ssyncset.done $0x0  }
0x4f: {  	s25 =	simm.s32 $0x1B8C0;
	[sflag:s5] =	ssyncadd.s32 $0xFFFFFF00  }
0x50: {  	[tilespmem:s7], [sflag:$0x9] =	stream.indirect.gather [hbm4b:s20+s6], $0x80, s25, s6, $0xb8;
	[tilespmem:$0x1C0C0] =	vst v63  }
0x51: {  	_ =	swait.ge [sflag:s8], $0x8000  }
0x52: {  	[sflag:s8] =	ssyncset.done $0x0  }
0x53: {  	s26 =	simm.s32 $0x1BCC0;
	[sflag:s8] =	ssyncadd.s32 $0xFFFF8000  }
0x54: {  	[spmem:s2] =	stream.indirect.scatter.add.f32 [tilespmem:s7], [sflag:$0x9], $0x80, s26, s6, $0xb8;
	[tilespmem:$0x1C0C0] =	vst v63  }
0x55: {  	p1 =	seq.s32 s24, $0x480;
	_ =	swait.ge [sflag:s8], $0x8000  }
0x56: {  	s28 =	simm.s32 @!p1 $0x1B8C0;
	[sflag:s8] =	ssyncset.done $0x0  }
0x57: {  	s25 =	sadd.s32 @!p1 s24, s19;
	s26 =	simm.s32 @!p1 $0x0;
	[sflag:s8] =	ssyncadd.s32 $0xFFFF8000  }
0x58: {  	[tilespmem:s28], [sflag:$0x1] =	stream.linear.gather @!p1 [hbm4b:s25+s26], $0x100, $0x38;
	[tilespmem:$0x1C0C0] =	vst v63  }
0x59: {  	s25 =	sadd.s32 @!p1 s24, s18;
	s28 =	simm.s32 @!p1 $0x1BCC0  }
0x5a: {  	[tilespmem:s28], [sflag:$0x5] =	stream.linear.gather @!p1 [hbm4b:s25+s26], $0x100, $0x38;
	[tilespmem:$0x1C0C0] =	vst v63  }
0x5b: {  	_ =	swait.ge [sflag:s9], $0x100  }
0x5c: {  	[sflag:s9] =	ssyncset.done $0x0  }
0x5d: {  	[sflag:s9] =	ssyncadd.s32 $0xFFFFFF00  }
0x5e: {  	_ =	swait.ge [sflag:s10], $0x100  }
0x5f: {  	[sflag:s10] =	ssyncset.done $0x0  }
0x60: {  	s28 =	simm.s32 $0x1B9C0;
	[sflag:s10] =	ssyncadd.s32 $0xFFFFFF00  }
0x61: {  	[tilespmem:s7], [sflag:$0x9] =	stream.indirect.gather [hbm4b:s20+s6], $0x80, s28, s6, $0xb8;
	[tilespmem:$0x1C0C0] =	vst v63  }
0x62: {  	_ =	swait.ge [sflag:s8], $0x8000  }
0x63: {  	[sflag:s8] =	ssyncset.done $0x0  }
0x64: {  	[sflag:s8] =	ssyncadd.s32 $0xFFFF8000  }
0x65: {  	[spmem:s2] =	stream.indirect.scatter.add.f32 [tilespmem:s7], [sflag:$0x9], $0x80, s29, s6, $0xb8;
	[tilespmem:$0x1C0C0] =	vst v63  }
0x66: {  	_ =	swait.ge [sflag:s8], $0x8000  }
0x67: {  	[sflag:s8] =	ssyncset.done $0x0  }
0x68: {  	s25 =	sadd.s32 @!p1 s24, s17;
	s28 =	simm.s32 @!p1 $0x1B9C0;
	[sflag:s8] =	ssyncadd.s32 $0xFFFF8000  }
0x69: {  	[tilespmem:s28], [sflag:$0x2] =	stream.linear.gather @!p1 [hbm4b:s25+s26], $0x100, $0x38;
	[tilespmem:$0x1C0C0] =	vst v63  }
0x6a: {  	s25 =	sadd.s32 @!p1 s24, s16;
	s28 =	simm.s32 @!p1 $0x1BDC0  }
0x6b: {  	[tilespmem:s28], [sflag:$0x6] =	stream.linear.gather @!p1 [hbm4b:s25+s26], $0x100, $0x38;
	[tilespmem:$0x1C0C0] =	vst v63  }
0x6c: {  	_ =	swait.ge [sflag:s11], $0x100  }
0x6d: {  	[sflag:s11] =	ssyncset.done $0x0  }
0x6e: {  	[sflag:s11] =	ssyncadd.s32 $0xFFFFFF00  }
0x6f: {  	_ =	swait.ge [sflag:s21], $0x100  }
0x70: {  	[sflag:s21] =	ssyncset.done $0x0  }
0x71: {  	[sflag:s21] =	ssyncadd.s32 $0xFFFFFF00  }
0x72: {  	[tilespmem:s7], [sflag:$0x9] =	stream.indirect.gather [hbm4b:s20+s6], $0x80, s30, s6, $0xb8;
	[tilespmem:$0x1C0C0] =	vst v63  }
0x73: {  	_ =	swait.ge [sflag:s8], $0x8000  }
0x74: {  	[sflag:s8] =	ssyncset.done $0x0  }
0x75: {  	[sflag:s8] =	ssyncadd.s32 $0xFFFF8000  }
0x76: {  	[spmem:s2] =	stream.indirect.scatter.add.f32 [tilespmem:s7], [sflag:$0x9], $0x80, s31, s6, $0xb8;
	[tilespmem:$0x1C0C0] =	vst v63  }
0x77: {  	_ =	swait.ge [sflag:s8], $0x8000  }
0x78: {  	[sflag:s8] =	ssyncset.done $0x0  }
0x79: {  	s25 =	sadd.s32 @!p1 s24, s15;
	s28 =	simm.s32 @!p1 $0x1BAC0;
	[sflag:s8] =	ssyncadd.s32 $0xFFFF8000  }
0x7a: {  	[tilespmem:s28], [sflag:$0x3] =	stream.linear.gather @!p1 [hbm4b:s25+s26], $0x100, $0x38;
	[tilespmem:$0x1C0C0] =	vst v63  }
0x7b: {  	s25 =	sadd.s32 @!p1 s24, s14;
	s28 =	simm.s32 @!p1 $0x1BEC0  }
0x7c: {  	[tilespmem:s28], [sflag:$0x7] =	stream.linear.gather @!p1 [hbm4b:s25+s26], $0x100, $0x38;
	[tilespmem:$0x1C0C0] =	vst v63  }
0x7d: {  	_ =	swait.ge [sflag:s22], $0x100  }
0x7e: {  	[sflag:s22] =	ssyncset.done $0x0  }
0x7f: {  	[sflag:s22] =	ssyncadd.s32 $0xFFFFFF00  }
0x80: {  	_ =	swait.ge [sflag:s23], $0x100  }
0x81: {  	[sflag:s23] =	ssyncset.done $0x0  }
0x82: {  	[sflag:s23] =	ssyncadd.s32 $0xFFFFFF00  }
0x83: {  	[tilespmem:s7], [sflag:$0x9] =	stream.indirect.gather [hbm4b:s20+s6], $0x80, s0, s6, $0xb8;
	[tilespmem:$0x1C0C0] =	vst v63  }
0x84: {  	_ =	swait.ge [sflag:s8], $0x8000  }
0x85: {  	[sflag:s8] =	ssyncset.done $0x0  }
.Ltmp2:
0x86: {  	[sflag:s8] =	ssyncadd.s32 $0xFFFF8000;
	(pc) =	sbr.rel @p1 .LBB2_4-.Ltmp2, $4  }
0x87: {  	[spmem:s2] =	stream.indirect.scatter.add.f32 [tilespmem:s7], [sflag:$0x9], $0x80, s1, s6, $0xb8;
	[tilespmem:$0x1C0C0] =	vst v63  }
0x88: {  	_ =	swait.ge [sflag:s8], $0x8000  }
0x89: {  	[sflag:s8] =	ssyncset.done $0x0  }
0x8a: {  	[sflag:s8] =	ssyncadd.s32 $0xFFFF8000  }
.Ltmp3:
0x8b: {  	(pc) =	sbr.rel .LBB2_2-.Ltmp3, $4  }
0x8c: {  	s25 =	sadd.s32 s24, s13  }
0x8d: {  	[tilespmem:s0], [sflag:$0x4] =	stream.linear.gather [hbm4b:s25+s3], $0x100, $0x38;
	[tilespmem:$0x1C0C0] =	vst v63  }
0x8e: {  	s28 =	sadd.s32 s24, s12;
	s24 =	sadd.s32 $0x80, s24  }
0x8f: {  	[tilespmem:s1], [sflag:$0x8] =	stream.linear.gather [hbm4b:s28+s3], $0x100, $0x38;
	[tilespmem:$0x1C0C0] =	vst v63  }
.LBB2_5:
0x90: {  	_ =	sfence.sel $0x180000  }
0x91: {  	[bflag:$0x0] =	sbarrier.arrive $0xFFFF  }
0x92: {  	_ =	strace $0x9000004D  }
0x93: {  	s0 =	stileid.u32;
	[bflag:$0x2] =	sbarrier.arrive $0xFFFF  }
0x94: {  	p0 =	sne.s32 s0, $0x0;
	s0 =	rddreg [dreg:$0x3]  }
0x95: {  	s0 =	sadd.s32 @!p0 $0x100000, s0  }
0x96: {  	[sflag:s0] =	ssyncadd.tile.s32 @!p0 $0x1;
	_ =	shalt  }
.Lfunc_end2:
_tile_overlayer_lowered:
.L_overlay_start_2:
0x97: {  	(tag) =	ssettag $0x2  }
0x98: {  	s0 =	rddreg [dreg:$0x0];
	s2 =	stileid.u32  }
0x99: {  	s1 =	rddreg [dreg:$0x1];
	p0 =	sne.s32 s2, $0x0  }
0x9a: {  	s3 =	rddreg [dreg:$0x2];
	[bflag:$0x3] =	sbarrier.arrive $0xFFFF;
	s2 =	simm.s32 @!p0 $0x1C09  }
0x9b: {  	[timem:s3], [sflag:s2] =	dma.local @!p0 [hbm:s0], s1  }
0x9c: {  	s0 =	simm.s32 @!p0 $0x9  }
0x9d: {  	_ =	swait.ge @!p0 [sflag:s0], s1  }
0x9e: {  	s1 =	ssub.s32 @!p0 $0x0, s1;
	[sflag:s0] =	ssyncset.done @!p0 $0x0  }
0x9f: {  	[sflag:s0] =	ssyncadd.s32 @!p0 s1  }
0xa0: {  	[bflag:$0x3] =	sbarrier.arrive $0xFFFF  }
0xa1: {  	_ =	shalt  }

// kernel: kernel.19.cloned.1.call-start
scs
__scs_entry_jumppad:
0x0: {  	(pc) =	sbr.rel $0x88, $3  }
0x1: {  	(tag) =	ssettag $0x0;
	lr =	simm.s32 $0x1  }
0x2: {  	[smem:$0x3F91] =	sst lr;
	_ =	strace $0xD0000000  }
0x3: {  	_ = 	snop  }
0x4: {  	_ = 	snop  }
0x5: {  	_ = 	snop  }
0x6: {  	_ = 	snop  }
0x7: {  	_ = 	snop  }
__scs_overlays_trampoline_lowered:
0x8: {  	[smem:$0x3FA0] =	sst s0  }
0x9: {  	[smem:$0x3FA1] =	sst s1  }
0xa: {  	[smem:$0x3FA2] =	sst s2  }
0xb: {  	[smem:$0x3FA3] =	sst s3  }
0xc: {  	[smem:$0x3FA4] =	sst s4  }
0xd: {  	[smem:$0x3FA5] =	sst s5  }
0xe: {  	[smem:$0x3FA6] =	sst s6  }
0xf: {  	[smem:$0x3FA7] =	sst s7  }
0x10: {  	[smem:$0x3FA8] =	sst s8  }
0x11: {  	[smem:$0x3FA9] =	sst s9;
	s0 =	simm.s32 @!p0 $0x0  }
0x12: {  	s1 =	sld [smem:$0x3F8F];
	s0 =	simm.s32 @p0 $0x1  }
0x13: {  	[smem:$0x3FAA] =	sst s0;
	s0 =	simm.s32 @!p1 $0x0  }
0x14: {  	s2 =	sld [smem:$0x3F8E];
	s0 =	simm.s32 @p1 $0x1  }
0x15: {  	[smem:$0x3FAB] =	sst s0;
	s0 =	simm.s32 @!p2 $0x0  }
0x16: {  	s3 =	sld [smem:$0x3FDB];
	s0 =	simm.s32 @p2 $0x1  }
0x17: {  	s4 =	simm.s32 $0x1BF5;
	[smem:$0x3FAD] =	sst s0  }
0x18: {  	s0 =	sld [smem:$0x3F90];
	_ =	swait.ge [sflag:s4], $0x0  }
0x19: {  	s7 =	sld [smem:$0x3F91]  }
0x1a: {  	s8 =	sadd.s32 $0xFFFFE003, lr  }
0x1b: {  	s9 =	sadd.s32 $0xFFFFFEF7, lr;
	s5 =	simm.s32 $0xFFFFFFFF;
	p2 =	slt.u32 s8, $0xFFFFF086  }
0x1c: {  	p1 =	slt.u32 s9, $0xF7A;
	s5 =	simm.s32 @!p2 $0x0  }
0x1d: {  	s5 =	simm.s32 @p1 $0x1;
	p0 =	seq.s32 s7, s2  }
0x1e: {  	s7 =	smul.u32 @!p0 $0xF7A, s2;
	p2 =	seq.s32 @!p0 s5, $0x0  }
0x1f: {  	s9 =	smul.u32 $0xF7A, s1;
	s8 =	simm.s32 @!p0 $0x1BF5;
	p2 =	por !p2, p0  }
0x20: {  	[sflag:s8] =	ssyncset.s32 @!p0 $0xFFFFF086;
	s6 =	sadd.s32 @!p0 s3, s7;
	s7 =	simm.s32 @!p0 $0x108  }
0x21: {  	s3 =	sadd.s32 s3, s9;
	s6 =	sadd.s32 @!p0 $0x88, s6;
	s7 =	simm.s32 @p2 $0x1082  }
0x22: {  	[simem:s7], [sflag:s8] =	dma.local @!p0 [hbm:s6], $0xF7A  }
0x23: {  	s9 =	sor.u32 $0xD0000000, s2;
	s6 =	simm.s32 $0x108;
	_ =	swait.ge @!p0 [sflag:s8], $0x0  }
0x24: {  	s3 =	sadd.s32 $0x88, s3;
	s6 =	simm.s32 @!p1 $0x1082;
	[sflag:s4] =	ssyncset.s32 $0xFFFFF086  }
0x25: {  	[simem:s6], [sflag:s4] =	dma.local [hbm:s3], $0xF7A  }
0x26: {  	[smem:$0x3F91] =	sst s1;
	(tag) =	ssettag s2;
	_ =	strace s9  }
0x27: {  	s1 =	sld [smem:$0x3FA1]  }
0x28: {  	s2 =	sld [smem:$0x3FA2]  }
0x29: {  	s4 =	sld [smem:$0x3FA4]  }
0x2a: {  	p0 =	seq.s32 s5, $0x0;
	s5 =	sld [smem:$0x3FA5]  }
0x2b: {  	s6 =	sld [smem:$0x3FA6]  }
0x2c: {  	s7 =	sld [smem:$0x3FA7]  }
0x2d: {  	s3 =	simm.s32 $0x108;
	s8 =	sld [smem:$0x3FA8]  }
0x2e: {  	s3 =	simm.s32 @!p0 $0x1082;
	s9 =	sld [smem:$0x3FA9]  }
0x2f: {  	lr =	sadd.s32 s0, s3;
	s0 =	sld [smem:$0x3FA0]  }
0x30: {  	s3 =	sld [smem:$0x3FA3]  }
0x31: {  	[smem:$0x3FAC] =	sst s10  }
0x32: {  	s10 =	sld [smem:$0x3FAA];
	_ =	sdelay $0x3  }
0x33: {  	p0 =	seq.s32 s10, $0x1;
	s10 =	sld [smem:$0x3FAC];
	_ =	sdelay $0x3  }
0x34: {  	[smem:$0x3FAC] =	sst s10  }
0x35: {  	s10 =	sld [smem:$0x3FAB];
	_ =	sdelay $0x3  }
0x36: {  	p1 =	seq.s32 s10, $0x1;
	s10 =	sld [smem:$0x3FAC];
	_ =	sdelay $0x3  }
0x37: {  	[smem:$0x3FAC] =	sst s10  }
0x38: {  	s10 =	sld [smem:$0x3FAD]  }
0x39: {  	_ = 	snop;
	(pc) =	sbr.ind lr, $3  }
0x3a: {  	_ = 	snop  }
0x3b: {  	_ = 	snop  }
0x3c: {  	p2 =	seq.s32 s10, $0x1;
	s10 =	sld [smem:$0x3FAC]  }
0x3d: {  	_ =	shalt  }
0x3e: {  	_ =	shalt  }
0x3f: {  	_ =	shalt  }
0x40: {  	_ =	shalt  }
0x41: {  	_ =	shalt  }
0x42: {  	_ =	shalt  }
0x43: {  	_ =	shalt  }
0x44: {  	_ =	shalt  }
0x45: {  	_ =	shalt  }
0x46: {  	_ =	shalt  }
0x47: {  	_ =	shalt  }
0x48: {  	_ =	shalt  }
0x49: {  	_ =	shalt  }
0x4a: {  	_ =	shalt  }
0x4b: {  	_ =	shalt  }
0x4c: {  	_ =	shalt  }
0x4d: {  	_ =	shalt  }
0x4e: {  	_ =	shalt  }
0x4f: {  	_ =	shalt  }
0x50: {  	_ =	shalt  }
0x51: {  	_ =	shalt  }
0x52: {  	_ =	shalt  }
0x53: {  	_ =	shalt  }
0x54: {  	_ =	shalt  }
0x55: {  	_ =	shalt  }
0x56: {  	_ =	shalt  }
0x57: {  	_ =	shalt  }
0x58: {  	_ =	shalt  }
0x59: {  	_ =	shalt  }
0x5a: {  	_ =	shalt  }
0x5b: {  	_ =	shalt  }
0x5c: {  	_ =	shalt  }
0x5d: {  	_ =	shalt  }
0x5e: {  	_ =	shalt  }
0x5f: {  	_ =	shalt  }
0x60: {  	_ =	shalt  }
0x61: {  	_ =	shalt  }
0x62: {  	_ =	shalt  }
0x63: {  	_ =	shalt  }
0x64: {  	_ =	shalt  }
0x65: {  	_ =	shalt  }
0x66: {  	_ =	shalt  }
0x67: {  	_ =	shalt  }
0x68: {  	_ =	shalt  }
0x69: {  	_ =	shalt  }
0x6a: {  	_ =	shalt  }
0x6b: {  	_ =	shalt  }
0x6c: {  	_ =	shalt  }
0x6d: {  	_ =	shalt  }
0x6e: {  	_ =	shalt  }
0x6f: {  	_ =	shalt  }
0x70: {  	_ =	shalt  }
0x71: {  	_ =	shalt  }
0x72: {  	_ =	shalt  }
0x73: {  	_ =	shalt  }
0x74: {  	_ =	shalt  }
0x75: {  	_ =	shalt  }
0x76: {  	_ =	shalt  }
0x77: {  	_ =	shalt  }
0x78: {  	_ =	shalt  }
0x79: {  	_ =	shalt  }
0x7a: {  	_ =	shalt  }
0x7b: {  	_ =	shalt  }
0x7c: {  	_ =	shalt  }
0x7d: {  	_ =	shalt  }
0x7e: {  	_ =	shalt  }
0x7f: {  	_ =	shalt  }
0x80: {  	_ =	shalt  }
0x81: {  	_ =	shalt  }
0x82: {  	_ =	shalt  }
0x83: {  	_ =	shalt  }
0x84: {  	_ =	shalt  }
0x85: {  	_ =	shalt  }
0x86: {  	_ =	shalt  }
0x87: {  	_ =	shalt  }
.Lfunc_end0:
.L_simem_size_0:
called_computation.3_lowered:
.L_overlay_start_0:
0x88: {  	s2 =	sld [smem:$0x3FD9]  }
0x89: {  	s3 =	sld [smem:$0x3FFE];
	_ =	sdelay $0x1  }
0x8a: {  	s1 =	srdreg.scid  }
0x8b: {  	s0 =	sand.u32 $0x1, s1  }
0x8c: {  	s17 =	sshll.u32 s0, $0xA;
	s2 =	sadd.s32 s3, s2  }
0x8d: {  	s2 =	sadd.s32 s2, s17  }
0x8e: {  	[smem:$0x3FB8] =	sst s2  }
0x8f: {  	_ = 	snop  }
0x90: {  	s2 =	sld [smem:$0x3FD0];
	(tm) =	ssettm $0x1  }
0x91: {  	s18 =	sld [smem:$0x3FFB];
	_ =	sdelay $0x3  }
0x92: {  	_ =	strace s18  }
0x93: {  	s3 =	sld [smem:$0x3FFC];
	_ =	sdelay $0x3  }
0x94: {  	_ =	strace s3  }
0x95: {  	s3 =	sld [smem:$0x3FFD];
	_ =	sdelay $0x3  }
0x96: {  	_ =	strace s3  }
0x97: {  	_ =	strace $0x8FFFFFFF  }
0x98: {  	s19 =	sld [smem:$0x3FDB];
	_ =	sdelay $0x1  }
0x99: {  	s4 =	simm.s32 $_scs_section_size  }
0x9a: {  	s5 =	simm.s32 $_size__tile_overlayer_lowered;
	s6 =	simm.s32 $_tile_overlayer_lowered  }
0x9b: {  	s22 =	simm.s32 $0x1BFF;
	s21 =	sshll.u32 s6, $0x1;
	s3 =	sadd.s32 s4, s19  }
0x9c: {  	s7 =	simm.s32 $0x0;
	s20 =	sshll.u32 s5, $0x1;
	s5 =	sadd.s32 s21, s3  }
0x9d: {  	[timem:s7], [sflag:s22] =	dma.local [hbm:s5], s20  }
0x9e: {  	_ =	swait.ge [sflag:s22], s20  }
0x9f: {  	s4 =	ssub.s32 $0x0, s20;
	[sflag:s22] =	ssyncset.done $0x0  }
0xa0: {  	[sflag:s22] =	ssyncadd.s32 s4;
	_ =	sdelay $0x1  }
0xa1: {  	s23 =	simm.s32 $0x1B8B  }
0xa2: {  	_ =	swait.ge [sflag:s23], $0x1  }
0xa3: {  	[sflag:s23] =	ssyncset.done $0x0  }
0xa4: {  	s25 =	simm.s32 $0x1B8E;
	s24 =	sld [smem:$0x3FFE];
	[sflag:s23] =	ssyncadd.s32 $0xFFFFFFFF  }
0xa5: {  	s26 =	simm.s32 $execute0_lowered;
	[smem:$0x3FD2] =	sst s25  }
0xa6: {  	s5 =	sshll.u32 s26, $0x1;
	_ =	strace $0x8000004F;
	[dreg:$0x1] =	wrdreg $0xFFFFFFFF  }
0xa7: {  	s28 =	simm.s32 $_size_execute0_lowered;
	s3 =	sadd.s32 s3, s5;
	[dreg:$0x0] =	wrdreg $0x0  }
0xa8: {  	s5 =	sshll.u32 s28, $0x1;
	[dreg:$0x2] =	wrdreg s3  }
0xa9: {  	[dreg:$0x3] =	wrdreg s5  }
0xaa: {  	[dreg:$0x4] =	wrdreg $0xC0  }
0xab: {  	_ =	task [dreg:s7], $0x5FFFF  }
0xac: {  	[dreg:$0x1] =	wrdreg $0xFFFFFFFF  }
0xad: {  	[dreg:$0x0] =	wrdreg $0x60  }
0xae: {  	[dreg:$0x2] =	wrdreg s24  }
0xaf: {  	[dreg:$0x3] =	wrdreg s2  }
0xb0: {  	[dreg:$0x4] =	wrdreg $0x0  }
0xb1: {  	[dreg:$0x5] =	wrdreg $0x9  }
0xb2: {  	_ =	task.clear_ibuf [dreg:s7], $0x6FFFF;
	_ =	strace $0x9000004F  }
0xb3: {  	s29 =	simm.s32 $0x9;
	_ =	strace $0x80000051  }
0xb4: {  	_ =	swait.ge [sflag:s29], $0x1  }
0xb5: {  	[sflag:s29] =	ssyncadd.s32 $0xFFFFFFFF  }
0xb6: {  	_ =	strace $0x90000051  }
0xb7: {  	_ =	sfence  }
0xb8: {  	s30 =	sld [smem:$0x0];
	_ =	sdelay $0x2  }
0xb9: {  	s31 =	sshll.u32 s1, $0xD;
	s1 =	sshrl.u32 s1, $0x2  }
0xba: {  	s3 =	sand.u32 $0x4000, s31;
	s1 =	sadd.s32 s1, s30  }
0xbb: {  	s0 =	sor.u32 s3, s0;
	s1 =	sshll.u32 s1, $0x11  }
0xbc: {  	s0 =	sor.u32 s1, s0  }
0xbd: {  	s0 =	sadd.s32 $0x8F2B, s0  }
0xbe: {  	[sflag:s0] =	ssyncadd.remote.s32 $0x1  }
0xbf: {  	_ =	sfence.sel $0xFFFF  }
0xc0: {  	[dreg:$0x0] =	wrdreg $0xFFFFFFFF;
	(pc) =	sbr.abs _section_cstart, $3  }
0xc1: {  	[dreg:$0x1] =	wrdreg $0xFFFFFFFF  }
0xc2: {  	_ =	task.clear_ibuf [dreg:s7], $0x2FFFF;
	_ =	strace $0x9FFFFFFF  }
0xc3: {  	(tm) =	ssettm $0x7FFFFFFF  }
tec
execute0_lowered:
.L_overlay_start_1:
0x0: {  	(tag) =	ssettag $0x1  }
0x1: {  	s0 =	rddreg [dreg:$0x0]  }
0x2: {  	s1 =	rddreg [dreg:$0x1]  }
0x3: {  	s2 =	rddreg [dreg:$0x2]  }
0x4: {  	s3 =	srdreg.scid;
	s21 =	stileid.u32;
	s29 =	simm.s32 $0x1BDC0  }
0x5: {  	s30 =	simm.s32 $0x1BAC0;
	s31 =	simm.s32 $0x1BEC0;
	s5 =	smul.u32 $0x3E80, s21  }
0x6: {  	s4 =	sand.u32 $0x1, s3;
	s3 =	simm.s32 $0x0;
	s10 =	smul.u32 $0x7D000, s21  }
0x7: {  	s8 =	sadd.s32 $0x3C00, s0;
	s12 =	smul.u32 $0x2800, s21;
	p0 =	sgt.u32 s21, $0x9  }
0x8: {  	s6 =	sshll.u32 s4, $0x4;
	[smem:$0x7FF] =	sst s3;
	s7 =	smul.u32 $0x27100, s4  }
0x9: {  	s9 =	ssub.s32 $0x2, s4;
	s4 =	smul.u32 $0x28000, s4;
	s6 =	sor.u32 s21, s6  }
0xa: {  	_ =	strace $0x80000050;
	s11 =	sshrl.u32 s9, $0x1;
	s22 =	sadd.s32 s5, s0  }
0xb: {  	s24 =	sshrl.u32 s10, $0x2;
	s10 =	simm.s32 $0x6;
	s21 =	simm.s32 $0x7  }
0xc: {  	s6 =	smul.u32 $0x2800, s6;
	s9 =	ssub.s32 s9, s11;
	s4 =	sadd.s32 s12, s4  }
0xd: {  	s23 =	sadd.s32 s7, s0;
	s7 =	simm.s32 $0x138C0;
	s16 =	sor.u32 $0x700, s4  }
0xe: {  	s19 =	sor.u32 $0x600, s4;
	s20 =	sor.u32 $0x500, s4;
	s4 =	sor.u32 $0x400, s4  }
0xf: {  	s6 =	sshrl.u32 s6, $0x3;
	s18 =	sshrl.u32 s16, $0x3;
	s4 =	sshrl.u32 s4, $0x3  }
0x10: {  	s25 =	sor.u32 $0x20, s6;
	s13 =	sadd.s32 s8, s6;
	s26 =	sadd.s32 s1, s6  }
0x11: {  	s14 =	sor.u32 $0x40, s6;
	s6 =	sor.u32 $0x60, s6;
	[dreg:$0x4] =	wrdreg s13  }
0x12: {  	s12 =	sadd.s32 s18, s1;
	[dreg:$0x5] =	wrdreg s26;
	s28 =	sadd.s32 s8, s25  }
0x13: {  	s11 =	sadd.s32 s1, s25;
	s15 =	sadd.s32 s8, s14;
	[dreg:$0x6] =	wrdreg s28  }
0x14: {  	s17 =	sadd.s32 s8, s6;
	s6 =	sadd.s32 s1, s6;
	[dreg:$0x7] =	wrdreg s11  }
0x15: {  	s13 =	sadd.s32 s18, s8;
	s18 =	sadd.s32 s4, s1;
	[dreg:$0x8] =	wrdreg s15  }
0x16: {  	s25 =	sadd.s32 s24, s2;
	s26 =	sadd.s32 $0x34E00, s22;
	[dreg:$0xa] =	wrdreg s17  }
0x17: {  	s22 =	simm.s32 $0x4;
	s11 =	sadd.s32 s1, s14;
	[dreg:$0xb] =	wrdreg s6  }
0x18: {  	s6 =	sshrl.u32 s19, $0x3;
	s19 =	sadd.s32 s4, s8;
	[dreg:$0xc] =	wrdreg s25  }
0x19: {  	[dreg:$0xd] =	wrdreg s26;
	s28 =	smax.u32 s9, $0x1;
	s4 =	simm.s32 $0x1  }
0x1a: {  	s9 =	simm.s32 $0x2;
	s26 =	simm.s32 $0x0;
	[dreg:$0x9] =	wrdreg s11  }
0x1b: {  	s14 =	sadd.s32 s6, s1;
	s11 =	sshrl.u32 s20, $0x3;
	s15 =	sadd.s32 s6, s8  }
.Ltmp0:
0x1c: {  	s20 =	sadd.s32 $0xDC00, s0;
	s0 =	sadd.s32 $0x5C000, s23;
	(pc) =	sbr.rel .LBB2_1-.Ltmp0, $4  }
0x1d: {  	[dreg:$0xe] =	wrdreg s28;
	s6 =	simm.s32 $0x100;
	s23 =	simm.s32 $0x8  }
0x1e: {  	s16 =	sadd.s32 s11, s1;
	s17 =	sadd.s32 s11, s8;
	s0 =	sadd.s32 @!p0 s5, s0  }
0x1f: {  	s1 =	simm.s32 $0x1BFC0;
	s5 =	simm.s32 $0x5;
	s8 =	simm.s32 $0x9  }
0x20: {  	s11 =	simm.s32 $0x3;
	[dreg:$0xf] =	wrdreg s0;
	s0 =	simm.s32 $0x1BBC0  }
.LBB2_4:
0x21: {  	[bflag:$0x0] =	sbarrier.arrive $0xFFFF  }
0x22: {  	s24 =	rddreg [dreg:$0xf]  }
0x23: {  	s25 =	rddreg [dreg:$0x11]  }
0x24: {  	s26 =	rddreg [dreg:$0x12]  }
0x25: {  	[hbm:s24], [sflag:s25] =	dma.local @!p0 [spmem:s26], $0x3E80  }
0x26: {  	s24 =	simm.s32 @!p0 $0x9  }
0x27: {  	_ =	swait.ge @!p0 [sflag:s24], $0x3E80  }
0x28: {  	s25 =	rddreg [dreg:$0x10]  }
0x29: {  	s28 =	rddreg [dreg:$0xe];
	s26 =	sadd.s32 $0x1, s25  }
0x2a: {  	p1 =	sne.s32 s26, s28  }
.Ltmp1:
0x2b: {  	_ = 	snop;
	(pc) =	sbr.rel @!p1 .LBB2_5-.Ltmp1, $3  }
0x2c: {  	_ =	sdelay $0x1  }
0x2d: {  	[sflag:s24] =	ssyncset.done @!p0 $0x0  }
0x2e: {  	[sflag:s24] =	ssyncadd.s32 @!p0 $0xFFFFC180  }
.LBB2_1:
0x2f: {  	s24 =	stileid.u32  }
0x30: {  	[dreg:$0x10] =	wrdreg s26;
	s24 =	sshll.u32 @!p0 s24, $0x6  }
0x31: {  	s25 =	sor.u32 @!p0 $0x1C09, s24;
	s24 =	rddreg [dreg:$0xc]  }
0x32: {  	s26 =	sshrl.u32 @!p0 s24, $0x3;
	s24 =	rddreg [dreg:$0xd]  }
0x33: {  	[dreg:$0x11] =	wrdreg s25  }
0x34: {  	[dreg:$0x12] =	wrdreg s26  }
0x35: {  	[spmem:s26], [sflag:s25] =	dma.local @!p0 [hbm:s24], $0x3E80  }
0x36: {  	s24 =	simm.s32 @!p0 $0x9  }
0x37: {  	_ =	swait.ge @!p0 [sflag:s24], $0x3E80  }
0x38: {  	[sflag:s24] =	ssyncset.done @!p0 $0x0  }
0x39: {  	s28 =	simm.s32 $0x1B8C0;
	s26 =	rddreg [dreg:$0x4];
	[sflag:s24] =	ssyncadd.s32 @!p0 $0xFFFFC180  }
0x3a: {  	[tilespmem:s28], [sflag:$0x1] =	stream.linear.gather [hbm4b:s26+s3], $0x100, $0x38;
	[tilespmem:$0x1C0C0] =	vst v63  }
0x3b: {  	s26 =	rddreg [dreg:$0x5];
	s28 =	simm.s32 $0x1BCC0  }
0x3c: {  	[tilespmem:s28], [sflag:$0x5] =	stream.linear.gather [hbm4b:s26+s3], $0x100, $0x38;
	[tilespmem:$0x1C0C0] =	vst v63  }
0x3d: {  	s26 =	rddreg [dreg:$0x6];
	s28 =	simm.s32 $0x1B9C0  }
0x3e: {  	[tilespmem:s28], [sflag:$0x2] =	stream.linear.gather [hbm4b:s26+s3], $0x100, $0x38;
	[tilespmem:$0x1C0C0] =	vst v63  }
0x3f: {  	s26 =	rddreg [dreg:$0x7]  }
0x40: {  	[tilespmem:s29], [sflag:$0x6] =	stream.linear.gather [hbm4b:s26+s3], $0x100, $0x38;
	[tilespmem:$0x1C0C0] =	vst v63  }
0x41: {  	s28 =	rddreg [dreg:$0x8]  }
0x42: {  	[tilespmem:s30], [sflag:$0x3] =	stream.linear.gather [hbm4b:s28+s3], $0x100, $0x38;
	[tilespmem:$0x1C0C0] =	vst v63  }
0x43: {  	s25 =	rddreg [dreg:$0x9]  }
0x44: {  	[tilespmem:s31], [sflag:$0x7] =	stream.linear.gather [hbm4b:s25+s3], $0x100, $0x38;
	[tilespmem:$0x1C0C0] =	vst v63  }
0x45: {  	s26 =	rddreg [dreg:$0xa]  }
0x46: {  	[tilespmem:s0], [sflag:$0x4] =	stream.linear.gather [hbm4b:s26+s3], $0x100, $0x38;
	[tilespmem:$0x1C0C0] =	vst v63  }
0x47: {  	s28 =	rddreg [dreg:$0xb]  }
0x48: {  	[tilespmem:s1], [sflag:$0x8] =	stream.linear.gather [hbm4b:s28+s3], $0x100, $0x38;
	[tilespmem:$0x1C0C0] =	vst v63  }
0x49: {  	s24 =	simm.s32 $0x0;
	[bflag:$0x0] =	sbarrier.arrive $0xFFFF  }
.LBB2_2:
0x4a: {  	_ =	swait.ge [sflag:s4], $0x100  }
0x4b: {  	[sflag:s4] =	ssyncset.done $0x0  }
0x4c: {  	[sflag:s4] =	ssyncadd.s32 $0xFFFFFF00  }
0x4d: {  	_ =	swait.ge [sflag:s5], $0x100  }
0x4e: {  	[sflag:s5] =	ssyncset.done $0x0  }
0x4f: {  	s25 =	simm.s32 $0x1B8C0;
	[sflag:s5] =	ssyncadd.s32 $0xFFFFFF00  }
0x50: {  	[tilespmem:s7], [sflag:$0x9] =	stream.indirect.gather [hbm4b:s20+s6], $0x80, s25, s6, $0xb8;
	[tilespmem:$0x1C0C0] =	vst v63  }
0x51: {  	_ =	swait.ge [sflag:s8], $0x8000  }
0x52: {  	[sflag:s8] =	ssyncset.done $0x0  }
0x53: {  	s26 =	simm.s32 $0x1BCC0;
	[sflag:s8] =	ssyncadd.s32 $0xFFFF8000  }
0x54: {  	[spmem:s2] =	stream.indirect.scatter.add.f32 [tilespmem:s7], [sflag:$0x9], $0x80, s26, s6, $0xb8;
	[tilespmem:$0x1C0C0] =	vst v63  }
0x55: {  	p1 =	seq.s32 s24, $0x480;
	_ =	swait.ge [sflag:s8], $0x8000  }
0x56: {  	s28 =	simm.s32 @!p1 $0x1B8C0;
	[sflag:s8] =	ssyncset.done $0x0  }
0x57: {  	s25 =	sadd.s32 @!p1 s24, s19;
	s26 =	simm.s32 @!p1 $0x0;
	[sflag:s8] =	ssyncadd.s32 $0xFFFF8000  }
0x58: {  	[tilespmem:s28], [sflag:$0x1] =	stream.linear.gather @!p1 [hbm4b:s25+s26], $0x100, $0x38;
	[tilespmem:$0x1C0C0] =	vst v63  }
0x59: {  	s25 =	sadd.s32 @!p1 s24, s18;
	s28 =	simm.s32 @!p1 $0x1BCC0  }
0x5a: {  	[tilespmem:s28], [sflag:$0x5] =	stream.linear.gather @!p1 [hbm4b:s25+s26], $0x100, $0x38;
	[tilespmem:$0x1C0C0] =	vst v63  }
0x5b: {  	_ =	swait.ge [sflag:s9], $0x100  }
0x5c: {  	[sflag:s9] =	ssyncset.done $0x0  }
0x5d: {  	[sflag:s9] =	ssyncadd.s32 $0xFFFFFF00  }
0x5e: {  	_ =	swait.ge [sflag:s10], $0x100  }
0x5f: {  	[sflag:s10] =	ssyncset.done $0x0  }
0x60: {  	s28 =	simm.s32 $0x1B9C0;
	[sflag:s10] =	ssyncadd.s32 $0xFFFFFF00  }
0x61: {  	[tilespmem:s7], [sflag:$0x9] =	stream.indirect.gather [hbm4b:s20+s6], $0x80, s28, s6, $0xb8;
	[tilespmem:$0x1C0C0] =	vst v63  }
0x62: {  	_ =	swait.ge [sflag:s8], $0x8000  }
0x63: {  	[sflag:s8] =	ssyncset.done $0x0  }
0x64: {  	[sflag:s8] =	ssyncadd.s32 $0xFFFF8000  }
0x65: {  	[spmem:s2] =	stream.indirect.scatter.add.f32 [tilespmem:s7], [sflag:$0x9], $0x80, s29, s6, $0xb8;
	[tilespmem:$0x1C0C0] =	vst v63  }
0x66: {  	_ =	swait.ge [sflag:s8], $0x8000  }
0x67: {  	[sflag:s8] =	ssyncset.done $0x0  }
0x68: {  	s25 =	sadd.s32 @!p1 s24, s17;
	s28 =	simm.s32 @!p1 $0x1B9C0;
	[sflag:s8] =	ssyncadd.s32 $0xFFFF8000  }
0x69: {  	[tilespmem:s28], [sflag:$0x2] =	stream.linear.gather @!p1 [hbm4b:s25+s26], $0x100, $0x38;
	[tilespmem:$0x1C0C0] =	vst v63  }
0x6a: {  	s25 =	sadd.s32 @!p1 s24, s16;
	s28 =	simm.s32 @!p1 $0x1BDC0  }
0x6b: {  	[tilespmem:s28], [sflag:$0x6] =	stream.linear.gather @!p1 [hbm4b:s25+s26], $0x100, $0x38;
	[tilespmem:$0x1C0C0] =	vst v63  }
0x6c: {  	_ =	swait.ge [sflag:s11], $0x100  }
0x6d: {  	[sflag:s11] =	ssyncset.done $0x0  }
0x6e: {  	[sflag:s11] =	ssyncadd.s32 $0xFFFFFF00  }
0x6f: {  	_ =	swait.ge [sflag:s21], $0x100  }
0x70: {  	[sflag:s21] =	ssyncset.done $0x0  }
0x71: {  	[sflag:s21] =	ssyncadd.s32 $0xFFFFFF00  }
0x72: {  	[tilespmem:s7], [sflag:$0x9] =	stream.indirect.gather [hbm4b:s20+s6], $0x80, s30, s6, $0xb8;
	[tilespmem:$0x1C0C0] =	vst v63  }
0x73: {  	_ =	swait.ge [sflag:s8], $0x8000  }
0x74: {  	[sflag:s8] =	ssyncset.done $0x0  }
0x75: {  	[sflag:s8] =	ssyncadd.s32 $0xFFFF8000  }
0x76: {  	[spmem:s2] =	stream.indirect.scatter.add.f32 [tilespmem:s7], [sflag:$0x9], $0x80, s31, s6, $0xb8;
	[tilespmem:$0x1C0C0] =	vst v63  }
0x77: {  	_ =	swait.ge [sflag:s8], $0x8000  }
0x78: {  	[sflag:s8] =	ssyncset.done $0x0  }
0x79: {  	s25 =	sadd.s32 @!p1 s24, s15;
	s28 =	simm.s32 @!p1 $0x1BAC0;
	[sflag:s8] =	ssyncadd.s32 $0xFFFF8000  }
0x7a: {  	[tilespmem:s28], [sflag:$0x3] =	stream.linear.gather @!p1 [hbm4b:s25+s26], $0x100, $0x38;
	[tilespmem:$0x1C0C0] =	vst v63  }
0x7b: {  	s25 =	sadd.s32 @!p1 s24, s14;
	s28 =	simm.s32 @!p1 $0x1BEC0  }
0x7c: {  	[tilespmem:s28], [sflag:$0x7] =	stream.linear.gather @!p1 [hbm4b:s25+s26], $0x100, $0x38;
	[tilespmem:$0x1C0C0] =	vst v63  }
0x7d: {  	_ =	swait.ge [sflag:s22], $0x100  }
0x7e: {  	[sflag:s22] =	ssyncset.done $0x0  }
0x7f: {  	[sflag:s22] =	ssyncadd.s32 $0xFFFFFF00  }
0x80: {  	_ =	swait.ge [sflag:s23], $0x100  }
0x81: {  	[sflag:s23] =	ssyncset.done $0x0  }
0x82: {  	[sflag:s23] =	ssyncadd.s32 $0xFFFFFF00  }
0x83: {  	[tilespmem:s7], [sflag:$0x9] =	stream.indirect.gather [hbm4b:s20+s6], $0x80, s0, s6, $0xb8;
	[tilespmem:$0x1C0C0] =	vst v63  }
0x84: {  	_ =	swait.ge [sflag:s8], $0x8000  }
0x85: {  	[sflag:s8] =	ssyncset.done $0x0  }
.Ltmp2:
0x86: {  	[sflag:s8] =	ssyncadd.s32 $0xFFFF8000;
	(pc) =	sbr.rel @p1 .LBB2_4-.Ltmp2, $4  }
0x87: {  	[spmem:s2] =	stream.indirect.scatter.add.f32 [tilespmem:s7], [sflag:$0x9], $0x80, s1, s6, $0xb8;
	[tilespmem:$0x1C0C0] =	vst v63  }
0x88: {  	_ =	swait.ge [sflag:s8], $0x8000  }
0x89: {  	[sflag:s8] =	ssyncset.done $0x0  }
0x8a: {  	[sflag:s8] =	ssyncadd.s32 $0xFFFF8000  }
.Ltmp3:
0x8b: {  	(pc) =	sbr.rel .LBB2_2-.Ltmp3, $4  }
0x8c: {  	s25 =	sadd.s32 s24, s13  }
0x8d: {  	[tilespmem:s0], [sflag:$0x4] =	stream.linear.gather [hbm4b:s25+s3], $0x100, $0x38;
	[tilespmem:$0x1C0C0] =	vst v63  }
0x8e: {  	s28 =	sadd.s32 s24, s12;
	s24 =	sadd.s32 $0x80, s24  }
0x8f: {  	[tilespmem:s1], [sflag:$0x8] =	stream.linear.gather [hbm4b:s28+s3], $0x100, $0x38;
	[tilespmem:$0x1C0C0] =	vst v63  }
.LBB2_5:
0x90: {  	_ =	sfence.sel $0x180000  }
0x91: {  	[bflag:$0x0] =	sbarrier.arrive $0xFFFF  }
0x92: {  	_ =	strace $0x90000050  }
0x93: {  	s0 =	stileid.u32;
	[bflag:$0x2] =	sbarrier.arrive $0xFFFF  }
0x94: {  	p0 =	sne.s32 s0, $0x0;
	s0 =	rddreg [dreg:$0x3]  }
0x95: {  	s0 =	sadd.s32 @!p0 $0x100000, s0  }
0x96: {  	[sflag:s0] =	ssyncadd.tile.s32 @!p0 $0x1;
	_ =	shalt  }
.Lfunc_end2:
_tile_overlayer_lowered:
.L_overlay_start_2:
0x97: {  	(tag) =	ssettag $0x2  }
0x98: {  	s0 =	rddreg [dreg:$0x0];
	s2 =	stileid.u32  }
0x99: {  	s1 =	rddreg [dreg:$0x1];
	p0 =	sne.s32 s2, $0x0  }
0x9a: {  	s3 =	rddreg [dreg:$0x2];
	[bflag:$0x3] =	sbarrier.arrive $0xFFFF;
	s2 =	simm.s32 @!p0 $0x1C09  }
0x9b: {  	[timem:s3], [sflag:s2] =	dma.local @!p0 [hbm:s0], s1  }
0x9c: {  	s0 =	simm.s32 @!p0 $0x9  }
0x9d: {  	_ =	swait.ge @!p0 [sflag:s0], s1  }
0x9e: {  	s1 =	ssub.s32 @!p0 $0x0, s1;
	[sflag:s0] =	ssyncset.done @!p0 $0x0  }
0x9f: {  	[sflag:s0] =	ssyncadd.s32 @!p0 s1  }
0xa0: {  	[bflag:$0x3] =	sbarrier.arrive $0xFFFF  }
0xa1: {  	_ =	shalt  }

</sc_bundles>
